<compile_context>
chip_gen: v7x
topology: tpu7x:2x2x1
jax: 0.10.2.dev20260603
libtpu: 0.0.44.dev20260713+nightly
codegen_flags: <defaults>
</compile_context>

<pallas_src>
import functools

import jax
import jax.numpy as jnp
from jax import lax
from jax.experimental import pallas as pl
from jax.experimental.pallas import tpu as pltpu
from jax.experimental.pallas import tpu_sc as plsc

NC, NS = 2, 16
NW = NC * NS
D = 128
PP = 20
NN = 200
RM = 224
SL = RM // 2
NBUF = 2


def _sc_dots(combined_idx, input_labels, in_embed, out_embed, B):
    b_per_w = B // NW
    mesh = plsc.VectorSubcoreMesh(core_axis_name="c", subcore_axis_name="s")

    @functools.partial(
        pl.kernel,
        mesh=mesh,
        compiler_params=pltpu.CompilerParams(needs_layout_passes=False),
        out_type=jax.ShapeDtypeStruct((B, RM), jnp.float32),
        scratch_types=[
            pltpu.VMEM((b_per_w,), jnp.int32),
            pltpu.VMEM((b_per_w, D), jnp.float32),
            pltpu.VMEM((b_per_w * RM,), jnp.int32),
            pltpu.VMEM((NBUF * RM, D), jnp.float32),
            pltpu.VMEM((RM,), jnp.float32),
            pltpu.VMEM((RM,), jnp.float32),
            pltpu.SemaphoreType.DMA,
            pltpu.SemaphoreType.DMA,
            pltpu.SemaphoreType.DMA,
            pltpu.SemaphoreType.DMA,
        ],
    )
    def k(idx_hbm, cidx_hbm, in_tab, out_tab, out_hbm,
          cidx_v, cent_v, idx_v, rows_v, dots0_v, dots1_v, s0, s1, d0, d1):
        wid = lax.axis_index("s") * NC + lax.axis_index("c")
        base = wid * b_per_w
        pltpu.sync_copy(cidx_hbm.at[pl.ds(base, b_per_w)], cidx_v)
        pltpu.sync_copy(idx_hbm.at[pl.ds(base * RM, b_per_w * RM)], idx_v)
        pltpu.async_copy(in_tab.at[cidx_v], cent_v, s0).wait()
        lane = lax.iota(jnp.int32, 16)
        m15 = lane == 15

        def fire(b, buf, sem):
            off = pl.multiple_of(b * RM, 8)
            dst = buf * RM
            pltpu.async_copy(
                out_tab.at[idx_v.at[pl.ds(off, SL)]],
                rows_v.at[pl.ds(dst, SL)], sem)
            pltpu.async_copy(
                out_tab.at[idx_v.at[pl.ds(off + SL, SL)]],
                rows_v.at[pl.ds(dst + SL, SL)], sem)

        def wait_rows(sem, buf):
            pltpu.make_async_copy(
                out_tab.at[pl.ds(0, RM)],
                rows_v.at[pl.ds(buf * RM, RM)], sem).wait()

        def wait_dots(dots_ref, sem):
            pltpu.make_async_copy(dots_ref, out_hbm.at[base], sem).wait()

        def compute(buf, bl, dots_ref):
            rbase = buf * RM
            cs = [cent_v[bl, pl.ds(16 * j, 16)] for j in range(8)]

            def per16(g, c2):
                gbase = jnp.full((16,), g * 16, jnp.int32)
                for kk in range(16):
                    row = rbase + g * 16 + kk
                    p = [rows_v[row, pl.ds(16 * j, 16)] * cs[j]
                         for j in range(8)]
                    acc = (((p[0] + p[1]) + (p[2] + p[3]))
                           + ((p[4] + p[5]) + (p[6] + p[7])))
                    s = plsc.cumsum(acc)
                    plsc.store_scatter(dots_ref, [gbase + kk], s, mask=m15)
                return c2

            lax.fori_loop(0, RM // 16, per16, 0)

        bufs = ((0, s0, d0, dots0_v), (1, s1, d1, dots1_v))
        for buf, rs, _, _ in bufs:
            fire(buf, buf, rs)
        nt = b_per_w // NBUF

        def body(t, carry):
            for kk, (buf, rs, dsm, dref) in enumerate(bufs):
                b = NBUF * t + kk
                wait_rows(rs, buf)

                @pl.when(t > 0)
                def _():
                    wait_dots(dref, dsm)

                compute(buf, b, dref)

                @pl.when(b + NBUF < b_per_w)
                def _():
                    fire(b + NBUF, buf, rs)

                pltpu.async_copy(dref, out_hbm.at[base + b], dsm)
            return carry

        lax.fori_loop(0, nt, body, 0)
        for kk in range(b_per_w - NBUF * nt):
            buf, rs, dsm, dref = bufs[kk]
            b = NBUF * nt + kk
            wait_rows(rs, buf)
            wait_dots(dref, dsm)
            compute(buf, b, dref)
            pltpu.async_copy(dref, out_hbm.at[base + b], dsm)
        for _, _, dsm, dref in bufs:
            wait_dots(dref, dsm)

    return k(combined_idx, input_labels, in_embed, out_embed)


def _tc_loss(dots, B):
    bblk = 512

    def body(d_ref, o_ref):
        x = d_ref[...]
        col = lax.broadcasted_iota(jnp.int32, x.shape, 1)
        y = jnp.where(col < PP, x, -x)
        ls = jax.nn.log_sigmoid(y)
        ls = jnp.where(col < PP + NN, ls, 0.0)
        o_ref[...] = -jnp.sum(ls, axis=1)

    return pl.pallas_call(
        body,
        grid=(B // bblk,),
        in_specs=[pl.BlockSpec((bblk, RM), lambda i: (i, 0))],
        out_specs=pl.BlockSpec((bblk,), lambda i: (i,)),
        out_shape=jax.ShapeDtypeStruct((B,), jnp.float32),
    )(dots)


def kernel(input_labels, pos_labels, neg_labels, in_embed, out_embed):
    B = input_labels.shape[0]
    pad = jnp.zeros((B, RM - PP - NN), jnp.int32)
    combined = jnp.concatenate(
        [pos_labels, neg_labels, pad], axis=1).reshape(-1)
    dots = _sc_dots(combined, input_labels, in_embed, out_embed, B)
    return _tc_loss(dots, B)

# --- scband reference (transcript-rebuilt; emitter-appended) ---
"""Pipeline reference for scband-embedding-model-89670327206246 (READ-ONLY COPY).

The authoritative reference and input builder live on the scoring server;
editing this copy changes nothing except your own understanding.
"""

import jax, jax.numpy as jnp
import numpy as np

VOCAB = 100000
EMBED = 128
B = 4096
P = 20
N = 200

def setup_inputs(seed: int = 0) -> dict:
    key = jax.random.key(seed)
    k1, k2, k3, k4, k5 = jax.random.split(key, 5)
    input_labels = jax.random.randint(k1, (B,), 0, VOCAB, dtype=jnp.int64 if jax.config.read('jax_enable_x64') else jnp.int32).astype(jnp.int32)
    pos_labels = jax.random.randint(k2, (B, P), 0, VOCAB).astype(jnp.int32)
    neg_labels = jax.random.randint(k3, (B, N), 0, VOCAB).astype(jnp.int32)
    in_embed = jax.random.normal(k4, (VOCAB, EMBED), dtype=jnp.float32)
    out_embed = jax.random.normal(k5, (VOCAB, EMBED), dtype=jnp.float32)
    return {"input_labels": input_labels, "pos_labels": pos_labels, "neg_labels": neg_labels, "in_embed": in_embed, "out_embed": out_embed}

def reference(input_labels, pos_labels, neg_labels, in_embed, out_embed):
    # gathers (embedding lookups)
    input_embedding = jnp.take(in_embed, input_labels, axis=0)          # [B, D]
    pos_embedding = jnp.take(out_embed, pos_labels, axis=0)            # [B, P, D]
    neg_embedding = jnp.take(out_embed, neg_labels, axis=0)            # [B, N, D]
    # bmm with unsqueezed center embedding
    ie = input_embedding[:, :, None]                                   # [B, D, 1]
    pos_dot = jnp.squeeze(jnp.matmul(pos_embedding, ie), axis=2)       # [B, P]
    neg_dot = jnp.squeeze(-jnp.matmul(neg_embedding, ie), axis=2)      # [B, N]
    log_pos = jax.nn.log_sigmoid(pos_dot).sum(axis=1)                  # [B]
    log_neg = jax.nn.log_sigmoid(neg_dot).sum(axis=1)                  # [B]
    loss = log_pos + log_neg
    return -loss

if __name__ == "__main__":
    import jax
    _d = setup_inputs()
    print(jax.jit(kernel)(*tuple(_d.values())))

</pallas_src>

<mosaic_0001>
#map = affine_map<(d0, d1) -> (0)>
#map1 = affine_map<(d0, d1) -> (0, 0)>
module attributes {stable_mosaic.version = 14 : i64} {
  func.func @k(%arg0: i32, %arg1: i32, %arg2: memref<917504xi32, #tpu.memory_space<hbm>>, %arg3: memref<4096xi32, #tpu.memory_space<hbm>>, %arg4: memref<100000x128xf32, #tpu.memory_space<hbm>>, %arg5: memref<100000x128xf32, #tpu.memory_space<hbm>>, %arg6: memref<4096x224xf32, #tpu.memory_space<hbm>>, %arg7: memref<128xi32, #tpu.memory_space<vmem>>, %arg8: memref<128x128xf32, #tpu.memory_space<vmem>>, %arg9: memref<28672xi32, #tpu.memory_space<vmem>>, %arg10: memref<448x128xf32, #tpu.memory_space<vmem>>, %arg11: memref<224xf32, #tpu.memory_space<vmem>>, %arg12: memref<224xf32, #tpu.memory_space<vmem>>, %arg13: memref<!tpu.dma_semaphore, #tpu.memory_space<semaphore_mem>>, %arg14: memref<!tpu.dma_semaphore, #tpu.memory_space<semaphore_mem>>, %arg15: memref<!tpu.dma_semaphore, #tpu.memory_space<semaphore_mem>>, %arg16: memref<!tpu.dma_semaphore, #tpu.memory_space<semaphore_mem>>) attributes {dimension_semantics = [#tpu.dimension_semantics<core_parallel>, #tpu.dimension_semantics<subcore_parallel>], iteration_bounds = array<i64: 2, 16>, scalar_prefetch = 0 : i64, scratch_operands = 10 : i64, tpu.core_type = #tpu.core_type<sc_vector_subcore>, window_params = [{transform_indices = #map}, {transform_indices = #map}, {transform_indices = #map1}, {transform_indices = #map1}, {transform_indices = #map1}]} {
    %mul3A = arith.constant 2 : i32
    %mul3A_0 = arith.muli %arg1, %mul3A : i32
    %add3A = arith.addi %mul3A_0, %arg0 : i32
    %mul3A_1 = arith.constant 128 : i32
    %mul3A_2 = arith.muli %add3A, %mul3A_1 : i32
    "tpu.region"() ({
      %run_scoped3A = tpu.sem_alloc : memref<!tpu.dma_semaphore, #tpu.memory_space<semaphore_mem>>
      %dma_start3A_63 = tpu.memref_slice %arg3[%mul3A_2] : memref<4096xi32, #tpu.memory_space<hbm>> -> memref<128xi32, #tpu.memory_space<hbm>>
      %dma_start3A_64 = tpu.memref_slice %arg3[%mul3A_2] : memref<4096xi32, #tpu.memory_space<hbm>> -> memref<128xi32, #tpu.memory_space<hbm>>
      tpu.enqueue_dma source(%dma_start3A_64 : memref<128xi32, #tpu.memory_space<hbm>>) target(%arg7 : memref<128xi32, #tpu.memory_space<vmem>>) target_semaphore(%run_scoped3A : memref<!tpu.dma_semaphore, #tpu.memory_space<semaphore_mem>>)
      %dma_wait3A_65 = tpu.memref_slice %arg3[%mul3A_2] : memref<4096xi32, #tpu.memory_space<hbm>> -> memref<128xi32, #tpu.memory_space<hbm>>
      %dma_wait3A_66 = tpu.memref_slice %arg3[%mul3A_2] : memref<4096xi32, #tpu.memory_space<hbm>> -> memref<128xi32, #tpu.memory_space<hbm>>
      tpu.wait_dma2 semaphore(%run_scoped3A : memref<!tpu.dma_semaphore, #tpu.memory_space<semaphore_mem>>) src(%dma_wait3A_66 : memref<128xi32, #tpu.memory_space<hbm>>) dst(%arg7 : memref<128xi32, #tpu.memory_space<vmem>>)
      tpu.yield
    }) : () -> ()
    %mul3A_3 = arith.constant 224 : i32
    %mul3A_4 = arith.muli %mul3A_2, %mul3A_3 : i32
    "tpu.region"() ({
      %run_scoped3A = tpu.sem_alloc : memref<!tpu.dma_semaphore, #tpu.memory_space<semaphore_mem>>
      %dma_start3A_63 = tpu.memref_slice %arg2[%mul3A_4] : memref<917504xi32, #tpu.memory_space<hbm>> -> memref<28672xi32, #tpu.memory_space<hbm>>
      %dma_start3A_64 = tpu.memref_slice %arg2[%mul3A_4] : memref<917504xi32, #tpu.memory_space<hbm>> -> memref<28672xi32, #tpu.memory_space<hbm>>
      tpu.enqueue_dma source(%dma_start3A_64 : memref<28672xi32, #tpu.memory_space<hbm>>) target(%arg9 : memref<28672xi32, #tpu.memory_space<vmem>>) target_semaphore(%run_scoped3A : memref<!tpu.dma_semaphore, #tpu.memory_space<semaphore_mem>>)
      %dma_wait3A_65 = tpu.memref_slice %arg2[%mul3A_4] : memref<917504xi32, #tpu.memory_space<hbm>> -> memref<28672xi32, #tpu.memory_space<hbm>>
      %dma_wait3A_66 = tpu.memref_slice %arg2[%mul3A_4] : memref<917504xi32, #tpu.memory_space<hbm>> -> memref<28672xi32, #tpu.memory_space<hbm>>
      tpu.wait_dma2 semaphore(%run_scoped3A : memref<!tpu.dma_semaphore, #tpu.memory_space<semaphore_mem>>) src(%dma_wait3A_66 : memref<28672xi32, #tpu.memory_space<hbm>>) dst(%arg9 : memref<28672xi32, #tpu.memory_space<vmem>>)
      tpu.yield
    }) : () -> ()
    %dma_start3A = arith.constant 0 : i32
    %dma_start3A_5 = arith.constant 0 : i32
    %dma_start3A_6 = tpu.memref_slice %arg4[%dma_start3A, %dma_start3A_5] : memref<100000x128xf32, #tpu.memory_space<hbm>> -> memref<100000x128xf32, #tpu.memory_space<hbm>>
    tpu.enqueue_indirect_dma source(%dma_start3A_6 : memref<100000x128xf32, #tpu.memory_space<hbm>>) target(%arg8 : memref<128x128xf32, #tpu.memory_space<vmem>>) offsets(%arg7 : memref<128xi32, #tpu.memory_space<vmem>>) semaphore(%arg13 : memref<!tpu.dma_semaphore, #tpu.memory_space<semaphore_mem>>)
    %dma_wait3A = arith.constant 0 : i32
    %dma_wait3A_7 = arith.constant 0 : i32
    %dma_wait3A_8 = tpu.memref_slice %arg4[%dma_wait3A, %dma_wait3A_7] : memref<100000x128xf32, #tpu.memory_space<hbm>> -> memref<100000x128xf32, #tpu.memory_space<hbm>>
    tpu.wait_indirect_dma semaphore(%arg13 : memref<!tpu.dma_semaphore, #tpu.memory_space<semaphore_mem>>) src(%dma_wait3A_8 : memref<100000x128xf32, #tpu.memory_space<hbm>>) dst(%arg8 : memref<128x128xf32, #tpu.memory_space<vmem>>)
    %iota3A = tpu.iota {dimensions = array<i32: 0>} : vector<16xi32>
    %eq3A = arith.constant 15 : i32
    %eq3A_9 = vector.broadcast %eq3A : i32 to vector<16xi32>
    %eq3A_10 = arith.cmpi eq, %iota3A, %eq3A_9 : vector<16xi32>
    %multiple_of3A = arith.constant 0 : i32
    %multiple_of3A_11 = tpu.assume_multiple %multiple_of3A, 8 : i32
    %dma_start3A_12 = arith.constant 0 : i32
    %dma_start3A_13 = arith.constant 0 : i32
    %dma_start3A_14 = tpu.memref_slice %arg10[%dma_start3A_12, %dma_start3A_13] : memref<448x128xf32, #tpu.memory_space<vmem>> -> memref<112x128xf32, #tpu.memory_space<vmem>>
    %dma_start3A_15 = tpu.memref_slice %arg9[%multiple_of3A_11] : memref<28672xi32, #tpu.memory_space<vmem>> -> memref<112xi32, #tpu.memory_space<vmem>>
    %dma_start3A_16 = arith.constant 0 : i32
    %dma_start3A_17 = arith.constant 0 : i32
    %dma_start3A_18 = tpu.memref_slice %arg5[%dma_start3A_16, %dma_start3A_17] : memref<100000x128xf32, #tpu.memory_space<hbm>> -> memref<100000x128xf32, #tpu.memory_space<hbm>>
    tpu.enqueue_indirect_dma source(%dma_start3A_18 : memref<100000x128xf32, #tpu.memory_space<hbm>>) target(%dma_start3A_14 : memref<112x128xf32, #tpu.memory_space<vmem>>) offsets(%dma_start3A_15 : memref<112xi32, #tpu.memory_space<vmem>>) semaphore(%arg13 : memref<!tpu.dma_semaphore, #tpu.memory_space<semaphore_mem>>)
    %add3A_19 = arith.constant 112 : i32
    %add3A_20 = arith.addi %multiple_of3A_11, %add3A_19 : i32
    %dma_start3A_21 = arith.constant 112 : i32
    %dma_start3A_22 = arith.constant 0 : i32
    %dma_start3A_23 = tpu.memref_slice %arg10[%dma_start3A_21, %dma_start3A_22] : memref<448x128xf32, #tpu.memory_space<vmem>> -> memref<112x128xf32, #tpu.memory_space<vmem>>
    %dma_start3A_24 = tpu.memref_slice %arg9[%add3A_20] : memref<28672xi32, #tpu.memory_space<vmem>> -> memref<112xi32, #tpu.memory_space<vmem>>
    %dma_start3A_25 = arith.constant 0 : i32
    %dma_start3A_26 = arith.constant 0 : i32
    %dma_start3A_27 = tpu.memref_slice %arg5[%dma_start3A_25, %dma_start3A_26] : memref<100000x128xf32, #tpu.memory_space<hbm>> -> memref<100000x128xf32, #tpu.memory_space<hbm>>
    tpu.enqueue_indirect_dma source(%dma_start3A_27 : memref<100000x128xf32, #tpu.memory_space<hbm>>) target(%dma_start3A_23 : memref<112x128xf32, #tpu.memory_space<vmem>>) offsets(%dma_start3A_24 : memref<112xi32, #tpu.memory_space<vmem>>) semaphore(%arg13 : memref<!tpu.dma_semaphore, #tpu.memory_space<semaphore_mem>>)
    %multiple_of3A_28 = arith.constant 224 : i32
    %multiple_of3A_29 = tpu.assume_multiple %multiple_of3A_28, 8 : i32
    %dma_start3A_30 = arith.constant 224 : i32
    %dma_start3A_31 = arith.constant 0 : i32
    %dma_start3A_32 = tpu.memref_slice %arg10[%dma_start3A_30, %dma_start3A_31] : memref<448x128xf32, #tpu.memory_space<vmem>> -> memref<112x128xf32, #tpu.memory_space<vmem>>
    %dma_start3A_33 = tpu.memref_slice %arg9[%multiple_of3A_29] : memref<28672xi32, #tpu.memory_space<vmem>> -> memref<112xi32, #tpu.memory_space<vmem>>
    %dma_start3A_34 = arith.constant 0 : i32
    %dma_start3A_35 = arith.constant 0 : i32
    %dma_start3A_36 = tpu.memref_slice %arg5[%dma_start3A_34, %dma_start3A_35] : memref<100000x128xf32, #tpu.memory_space<hbm>> -> memref<100000x128xf32, #tpu.memory_space<hbm>>
    tpu.enqueue_indirect_dma source(%dma_start3A_36 : memref<100000x128xf32, #tpu.memory_space<hbm>>) target(%dma_start3A_32 : memref<112x128xf32, #tpu.memory_space<vmem>>) offsets(%dma_start3A_33 : memref<112xi32, #tpu.memory_space<vmem>>) semaphore(%arg14 : memref<!tpu.dma_semaphore, #tpu.memory_space<semaphore_mem>>)
    %add3A_37 = arith.constant 112 : i32
    %add3A_38 = arith.addi %multiple_of3A_29, %add3A_37 : i32
    %dma_start3A_39 = arith.constant 336 : i32
    %dma_start3A_40 = arith.constant 0 : i32
    %dma_start3A_41 = tpu.memref_slice %arg10[%dma_start3A_39, %dma_start3A_40] : memref<448x128xf32, #tpu.memory_space<vmem>> -> memref<112x128xf32, #tpu.memory_space<vmem>>
    %dma_start3A_42 = tpu.memref_slice %arg9[%add3A_38] : memref<28672xi32, #tpu.memory_space<vmem>> -> memref<112xi32, #tpu.memory_space<vmem>>
    %dma_start3A_43 = arith.constant 0 : i32
    %dma_start3A_44 = arith.constant 0 : i32
    %dma_start3A_45 = tpu.memref_slice %arg5[%dma_start3A_43, %dma_start3A_44] : memref<100000x128xf32, #tpu.memory_space<hbm>> -> memref<100000x128xf32, #tpu.memory_space<hbm>>
    tpu.enqueue_indirect_dma source(%dma_start3A_45 : memref<100000x128xf32, #tpu.memory_space<hbm>>) target(%dma_start3A_41 : memref<112x128xf32, #tpu.memory_space<vmem>>) offsets(%dma_start3A_42 : memref<112xi32, #tpu.memory_space<vmem>>) semaphore(%arg14 : memref<!tpu.dma_semaphore, #tpu.memory_space<semaphore_mem>>)
    %scan3A = arith.constant 0 : i32
    %scan3A_46 = arith.constant 0 : i32
    %scan3A_47 = arith.constant 64 : i32
    %scan3A_48 = arith.addi %scan3A_46, %scan3A_47 : i32
    %scan3A_49 = arith.constant 1 : i32
    scf.for %scan3A_63 = %scan3A_46 to %scan3A_48 step %scan3A_49  : i32 {
      %mul3A_64 = arith.constant 2 : i32
      %mul3A_65 = arith.muli %mul3A_64, %scan3A_63 : i32
      %add3A_66 = arith.constant 0 : i32
      %add3A_67 = arith.addi %mul3A_65, %add3A_66 : i32
      %dma_wait3A_68 = arith.constant 0 : i32
      %dma_wait3A_69 = arith.constant 0 : i32
      %dma_wait3A_70 = tpu.memref_slice %arg10[%dma_wait3A_68, %dma_wait3A_69] : memref<448x128xf32, #tpu.memory_space<vmem>> -> memref<224x128xf32, #tpu.memory_space<vmem>>
      %dma_wait3A_71 = arith.constant 0 : i32
      %dma_wait3A_72 = arith.constant 0 : i32
      %dma_wait3A_73 = tpu.memref_slice %arg5[%dma_wait3A_71, %dma_wait3A_72] : memref<100000x128xf32, #tpu.memory_space<hbm>> -> memref<224x128xf32, #tpu.memory_space<hbm>>
      %dma_wait3A_74 = arith.constant 0 : i32
      %dma_wait3A_75 = arith.constant 0 : i32
      %dma_wait3A_76 = tpu.memref_slice %arg10[%dma_wait3A_74, %dma_wait3A_75] : memref<448x128xf32, #tpu.memory_space<vmem>> -> memref<224x128xf32, #tpu.memory_space<vmem>>
      %dma_wait3A_77 = arith.constant 0 : i32
      %dma_wait3A_78 = arith.constant 0 : i32
      %dma_wait3A_79 = tpu.memref_slice %arg5[%dma_wait3A_77, %dma_wait3A_78] : memref<100000x128xf32, #tpu.memory_space<hbm>> -> memref<224x128xf32, #tpu.memory_space<hbm>>
      tpu.wait_dma2 semaphore(%arg13 : memref<!tpu.dma_semaphore, #tpu.memory_space<semaphore_mem>>) src(%dma_wait3A_79 : memref<224x128xf32, #tpu.memory_space<hbm>>) dst(%dma_wait3A_76 : memref<224x128xf32, #tpu.memory_space<vmem>>)
      %gt3A = arith.constant 0 : i32
      %gt3A_80 = arith.cmpi sgt, %scan3A_63, %gt3A : i32
      %convert_element_type3A = arith.extui %gt3A_80 : i1 to i32
      %cond3A = arith.constant 0 : i32
      %cond3A_81 = arith.cmpi ne, %convert_element_type3A, %cond3A : i32
      scf.if %cond3A_81 {
        %dma_wait3A_189 = arith.constant 0 : i32
        %dma_wait3A_190 = tpu.memref_slice %arg6[%mul3A_2, %dma_wait3A_189] : memref<4096x224xf32, #tpu.memory_space<hbm>> -> memref<1x224xf32, #tpu.memory_space<hbm>>
        %dma_wait3A_191 = tpu.memref_squeeze %dma_wait3A_190 : memref<1x224xf32, #tpu.memory_space<hbm>> -> memref<224xf32, #tpu.memory_space<hbm>>
        %dma_wait3A_192 = arith.constant 0 : i32
        %dma_wait3A_193 = tpu.memref_slice %arg6[%mul3A_2, %dma_wait3A_192] : memref<4096x224xf32, #tpu.memory_space<hbm>> -> memref<1x224xf32, #tpu.memory_space<hbm>>
        %dma_wait3A_194 = tpu.memref_squeeze %dma_wait3A_193 : memref<1x224xf32, #tpu.memory_space<hbm>> -> memref<224xf32, #tpu.memory_space<hbm>>
        tpu.wait_dma2 semaphore(%arg15 : memref<!tpu.dma_semaphore, #tpu.memory_space<semaphore_mem>>) src(%arg11 : memref<224xf32, #tpu.memory_space<vmem>>) dst(%dma_wait3A_194 : memref<224xf32, #tpu.memory_space<hbm>>)
      } else {
      }
      %get3A = arith.index_cast %add3A_67 : i32 to index
      %get3A_82 = arith.constant 0 : index
      %get3A_83 = tpu.vector_load %arg8[%get3A, %get3A_82] {strides = array<i32>} : memref<128x128xf32, #tpu.memory_space<vmem>>, vector<16xf32>,
      %get3A_84 = arith.index_cast %add3A_67 : i32 to index
      %get3A_85 = arith.constant 16 : index
      %get3A_86 = tpu.vector_load %arg8[%get3A_84, %get3A_85] {strides = array<i32>} : memref<128x128xf32, #tpu.memory_space<vmem>>, vector<16xf32>,
      %get3A_87 = arith.index_cast %add3A_67 : i32 to index
      %get3A_88 = arith.constant 32 : index
      %get3A_89 = tpu.vector_load %arg8[%get3A_87, %get3A_88] {strides = array<i32>} : memref<128x128xf32, #tpu.memory_space<vmem>>, vector<16xf32>,
      %get3A_90 = arith.index_cast %add3A_67 : i32 to index
      %get3A_91 = arith.constant 48 : index
      %get3A_92 = tpu.vector_load %arg8[%get3A_90, %get3A_91] {strides = array<i32>} : memref<128x128xf32, #tpu.memory_space<vmem>>, vector<16xf32>,
      %get3A_93 = arith.index_cast %add3A_67 : i32 to index
      %get3A_94 = arith.constant 64 : index
      %get3A_95 = tpu.vector_load %arg8[%get3A_93, %get3A_94] {strides = array<i32>} : memref<128x128xf32, #tpu.memory_space<vmem>>, vector<16xf32>,
      %get3A_96 = arith.index_cast %add3A_67 : i32 to index
      %get3A_97 = arith.constant 80 : index
      %get3A_98 = tpu.vector_load %arg8[%get3A_96, %get3A_97] {strides = array<i32>} : memref<128x128xf32, #tpu.memory_space<vmem>>, vector<16xf32>,
      %get3A_99 = arith.index_cast %add3A_67 : i32 to index
      %get3A_100 = arith.constant 96 : index
      %get3A_101 = tpu.vector_load %arg8[%get3A_99, %get3A_100] {strides = array<i32>} : memref<128x128xf32, #tpu.memory_space<vmem>>, vector<16xf32>,
      %get3A_102 = arith.index_cast %add3A_67 : i32 to index
      %get3A_103 = arith.constant 112 : index
      %get3A_104 = tpu.vector_load %arg8[%get3A_102, %get3A_103] {strides = array<i32>} : memref<128x128xf32, #tpu.memory_space<vmem>>, vector<16xf32>,
      %scan3A_105 = arith.constant 0 : i32
      %scan3A_106 = arith.constant 0 : i32
      %scan3A_107 = arith.constant 14 : i32
      %scan3A_108 = arith.addi %scan3A_106, %scan3A_107 : i32
      %scan3A_109 = arith.constant 1 : i32
      scf.for %scan3A_189 = %scan3A_106 to %scan3A_108 step %scan3A_109  : i32 {
        %mul3A_190 = arith.constant 16 : i32
        %mul3A_191 = arith.muli %scan3A_189, %mul3A_190 : i32
        %broadcast_in_dim3A = vector.broadcast %mul3A_191 : i32 to vector<16xi32>
        %mul3A_192 = arith.constant 16 : i32
        %mul3A_193 = arith.muli %scan3A_189, %mul3A_192 : i32
        %add3A_194 = arith.constant 0 : i32
        %add3A_195 = arith.addi %add3A_194, %mul3A_193 : i32
        %add3A_196 = arith.constant 0 : i32
        %add3A_197 = arith.addi %add3A_195, %add3A_196 : i32
        %get3A_198 = arith.index_cast %add3A_197 : i32 to index
        %get3A_199 = arith.constant 0 : index
        %get3A_200 = tpu.vector_load %arg10[%get3A_198, %get3A_199] {strides = array<i32>} : memref<448x128xf32, #tpu.memory_space<vmem>>, vector<16xf32>,
        %mul3A_201 = arith.mulf %get3A_200, %get3A_83 : vector<16xf32>
        %get3A_202 = arith.index_cast %add3A_197 : i32 to index
        %get3A_203 = arith.constant 16 : index
        %get3A_204 = tpu.vector_load %arg10[%get3A_202, %get3A_203] {strides = array<i32>} : memref<448x128xf32, #tpu.memory_space<vmem>>, vector<16xf32>,
        %mul3A_205 = arith.mulf %get3A_204, %get3A_86 : vector<16xf32>
        %get3A_206 = arith.index_cast %add3A_197 : i32 to index
        %get3A_207 = arith.constant 32 : index
        %get3A_208 = tpu.vector_load %arg10[%get3A_206, %get3A_207] {strides = array<i32>} : memref<448x128xf32, #tpu.memory_space<vmem>>, vector<16xf32>,
        %mul3A_209 = arith.mulf %get3A_208, %get3A_89 : vector<16xf32>
        %get3A_210 = arith.index_cast %add3A_197 : i32 to index
        %get3A_211 = arith.constant 48 : index
        %get3A_212 = tpu.vector_load %arg10[%get3A_210, %get3A_211] {strides = array<i32>} : memref<448x128xf32, #tpu.memory_space<vmem>>, vector<16xf32>,
        %mul3A_213 = arith.mulf %get3A_212, %get3A_92 : vector<16xf32>
        %get3A_214 = arith.index_cast %add3A_197 : i32 to index
        %get3A_215 = arith.constant 64 : index
        %get3A_216 = tpu.vector_load %arg10[%get3A_214, %get3A_215] {strides = array<i32>} : memref<448x128xf32, #tpu.memory_space<vmem>>, vector<16xf32>,
        %mul3A_217 = arith.mulf %get3A_216, %get3A_95 : vector<16xf32>
        %get3A_218 = arith.index_cast %add3A_197 : i32 to index
        %get3A_219 = arith.constant 80 : index
        %get3A_220 = tpu.vector_load %arg10[%get3A_218, %get3A_219] {strides = array<i32>} : memref<448x128xf32, #tpu.memory_space<vmem>>, vector<16xf32>,
        %mul3A_221 = arith.mulf %get3A_220, %get3A_98 : vector<16xf32>
        %get3A_222 = arith.index_cast %add3A_197 : i32 to index
        %get3A_223 = arith.constant 96 : index
        %get3A_224 = tpu.vector_load %arg10[%get3A_222, %get3A_223] {strides = array<i32>} : memref<448x128xf32, #tpu.memory_space<vmem>>, vector<16xf32>,
        %mul3A_225 = arith.mulf %get3A_224, %get3A_101 : vector<16xf32>
        %get3A_226 = arith.index_cast %add3A_197 : i32 to index
        %get3A_227 = arith.constant 112 : index
        %get3A_228 = tpu.vector_load %arg10[%get3A_226, %get3A_227] {strides = array<i32>} : memref<448x128xf32, #tpu.memory_space<vmem>>, vector<16xf32>,
        %mul3A_229 = arith.mulf %get3A_228, %get3A_104 : vector<16xf32>
        %add3A_230 = arith.addf %mul3A_201, %mul3A_205 : vector<16xf32>
        %add3A_231 = arith.addf %mul3A_209, %mul3A_213 : vector<16xf32>
        %add3A_232 = arith.addf %add3A_230, %add3A_231 : vector<16xf32>
        %add3A_233 = arith.addf %mul3A_217, %mul3A_221 : vector<16xf32>
        %add3A_234 = arith.addf %mul3A_225, %mul3A_229 : vector<16xf32>
        %add3A_235 = arith.addf %add3A_233, %add3A_234 : vector<16xf32>
        %add3A_236 = arith.addf %add3A_232, %add3A_235 : vector<16xf32>
        %broadcast_in_dim3A_237 = arith.constant true
        %broadcast_in_dim3A_238 = vector.broadcast %broadcast_in_dim3A_237 : i1 to vector<16xi1>
        %masked_cumsum3A = tpu.scan <sum>, %add3A_236 masked %broadcast_in_dim3A_238 : vector<16xf32>, vector<16xi1> -> vector<16xf32>
        %add3A_239 = arith.constant 0 : i32
        %add3A_240 = vector.broadcast %add3A_239 : i32 to vector<16xi32>
        %add3A_241 = arith.addi %broadcast_in_dim3A, %add3A_240 : vector<16xi32>
        tpu.vector_store_idx %arg11[%add3A_241], %masked_cumsum3A masked %eq3A_10 : memref<224xf32, #tpu.memory_space<vmem>>[vector<16xi32>], vector<16xf32>, vector<16xi1>
        %mul3A_242 = arith.constant 16 : i32
        %mul3A_243 = arith.muli %scan3A_189, %mul3A_242 : i32
        %add3A_244 = arith.constant 0 : i32
        %add3A_245 = arith.addi %add3A_244, %mul3A_243 : i32
        %add3A_246 = arith.constant 1 : i32
        %add3A_247 = arith.addi %add3A_245, %add3A_246 : i32
        %get3A_248 = arith.index_cast %add3A_247 : i32 to index
        %get3A_249 = arith.constant 0 : index
        %get3A_250 = tpu.vector_load %arg10[%get3A_248, %get3A_249] {strides = array<i32>} : memref<448x128xf32, #tpu.memory_space<vmem>>, vector<16xf32>,
        %mul3A_251 = arith.mulf %get3A_250, %get3A_83 : vector<16xf32>
        %get3A_252 = arith.index_cast %add3A_247 : i32 to index
        %get3A_253 = arith.constant 16 : index
        %get3A_254 = tpu.vector_load %arg10[%get3A_252, %get3A_253] {strides = array<i32>} : memref<448x128xf32, #tpu.memory_space<vmem>>, vector<16xf32>,
        %mul3A_255 = arith.mulf %get3A_254, %get3A_86 : vector<16xf32>
        %get3A_256 = arith.index_cast %add3A_247 : i32 to index
        %get3A_257 = arith.constant 32 : index
        %get3A_258 = tpu.vector_load %arg10[%get3A_256, %get3A_257] {strides = array<i32>} : memref<448x128xf32, #tpu.memory_space<vmem>>, vector<16xf32>,
        %mul3A_259 = arith.mulf %get3A_258, %get3A_89 : vector<16xf32>
        %get3A_260 = arith.index_cast %add3A_247 : i32 to index
        %get3A_261 = arith.constant 48 : index
        %get3A_262 = tpu.vector_load %arg10[%get3A_260, %get3A_261] {strides = array<i32>} : memref<448x128xf32, #tpu.memory_space<vmem>>, vector<16xf32>,
        %mul3A_263 = arith.mulf %get3A_262, %get3A_92 : vector<16xf32>
        %get3A_264 = arith.index_cast %add3A_247 : i32 to index
        %get3A_265 = arith.constant 64 : index
        %get3A_266 = tpu.vector_load %arg10[%get3A_264, %get3A_265] {strides = array<i32>} : memref<448x128xf32, #tpu.memory_space<vmem>>, vector<16xf32>,
        %mul3A_267 = arith.mulf %get3A_266, %get3A_95 : vector<16xf32>
        %get3A_268 = arith.index_cast %add3A_247 : i32 to index
        %get3A_269 = arith.constant 80 : index
        %get3A_270 = tpu.vector_load %arg10[%get3A_268, %get3A_269] {strides = array<i32>} : memref<448x128xf32, #tpu.memory_space<vmem>>, vector<16xf32>,
        %mul3A_271 = arith.mulf %get3A_270, %get3A_98 : vector<16xf32>
        %get3A_272 = arith.index_cast %add3A_247 : i32 to index
        %get3A_273 = arith.constant 96 : index
        %get3A_274 = tpu.vector_load %arg10[%get3A_272, %get3A_273] {strides = array<i32>} : memref<448x128xf32, #tpu.memory_space<vmem>>, vector<16xf32>,
        %mul3A_275 = arith.mulf %get3A_274, %get3A_101 : vector<16xf32>
        %get3A_276 = arith.index_cast %add3A_247 : i32 to index
        %get3A_277 = arith.constant 112 : index
        %get3A_278 = tpu.vector_load %arg10[%get3A_276, %get3A_277] {strides = array<i32>} : memref<448x128xf32, #tpu.memory_space<vmem>>, vector<16xf32>,
        %mul3A_279 = arith.mulf %get3A_278, %get3A_104 : vector<16xf32>
        %add3A_280 = arith.addf %mul3A_251, %mul3A_255 : vector<16xf32>
        %add3A_281 = arith.addf %mul3A_259, %mul3A_263 : vector<16xf32>
        %add3A_282 = arith.addf %add3A_280, %add3A_281 : vector<16xf32>
        %add3A_283 = arith.addf %mul3A_267, %mul3A_271 : vector<16xf32>
        %add3A_284 = arith.addf %mul3A_275, %mul3A_279 : vector<16xf32>
        %add3A_285 = arith.addf %add3A_283, %add3A_284 : vector<16xf32>
        %add3A_286 = arith.addf %add3A_282, %add3A_285 : vector<16xf32>
        %broadcast_in_dim3A_287 = arith.constant true
        %broadcast_in_dim3A_288 = vector.broadcast %broadcast_in_dim3A_287 : i1 to vector<16xi1>
        %masked_cumsum3A_289 = tpu.scan <sum>, %add3A_286 masked %broadcast_in_dim3A_288 : vector<16xf32>, vector<16xi1> -> vector<16xf32>
        %add3A_290 = arith.constant 1 : i32
        %add3A_291 = vector.broadcast %add3A_290 : i32 to vector<16xi32>
        %add3A_292 = arith.addi %broadcast_in_dim3A, %add3A_291 : vector<16xi32>
        tpu.vector_store_idx %arg11[%add3A_292], %masked_cumsum3A_289 masked %eq3A_10 : memref<224xf32, #tpu.memory_space<vmem>>[vector<16xi32>], vector<16xf32>, vector<16xi1>
        %mul3A_293 = arith.constant 16 : i32
        %mul3A_294 = arith.muli %scan3A_189, %mul3A_293 : i32
        %add3A_295 = arith.constant 0 : i32
        %add3A_296 = arith.addi %add3A_295, %mul3A_294 : i32
        %add3A_297 = arith.constant 2 : i32
        %add3A_298 = arith.addi %add3A_296, %add3A_297 : i32
        %get3A_299 = arith.index_cast %add3A_298 : i32 to index
        %get3A_300 = arith.constant 0 : index
        %get3A_301 = tpu.vector_load %arg10[%get3A_299, %get3A_300] {strides = array<i32>} : memref<448x128xf32, #tpu.memory_space<vmem>>, vector<16xf32>,
        %mul3A_302 = arith.mulf %get3A_301, %get3A_83 : vector<16xf32>
        %get3A_303 = arith.index_cast %add3A_298 : i32 to index
        %get3A_304 = arith.constant 16 : index
        %get3A_305 = tpu.vector_load %arg10[%get3A_303, %get3A_304] {strides = array<i32>} : memref<448x128xf32, #tpu.memory_space<vmem>>, vector<16xf32>,
        %mul3A_306 = arith.mulf %get3A_305, %get3A_86 : vector<16xf32>
        %get3A_307 = arith.index_cast %add3A_298 : i32 to index
        %get3A_308 = arith.constant 32 : index
        %get3A_309 = tpu.vector_load %arg10[%get3A_307, %get3A_308] {strides = array<i32>} : memref<448x128xf32, #tpu.memory_space<vmem>>, vector<16xf32>,
        %mul3A_310 = arith.mulf %get3A_309, %get3A_89 : vector<16xf32>
        %get3A_311 = arith.index_cast %add3A_298 : i32 to index
        %get3A_312 = arith.constant 48 : index
        %get3A_313 = tpu.vector_load %arg10[%get3A_311, %get3A_312] {strides = array<i32>} : memref<448x128xf32, #tpu.memory_space<vmem>>, vector<16xf32>,
        %mul3A_314 = arith.mulf %get3A_313, %get3A_92 : vector<16xf32>
        %get3A_315 = arith.index_cast %add3A_298 : i32 to index
        %get3A_316 = arith.constant 64 : index
        %get3A_317 = tpu.vector_load %arg10[%get3A_315, %get3A_316] {strides = array<i32>} : memref<448x128xf32, #tpu.memory_space<vmem>>, vector<16xf32>,
        %mul3A_318 = arith.mulf %get3A_317, %get3A_95 : vector<16xf32>
        %get3A_319 = arith.index_cast %add3A_298 : i32 to index
        %get3A_320 = arith.constant 80 : index
        %get3A_321 = tpu.vector_load %arg10[%get3A_319, %get3A_320] {strides = array<i32>} : memref<448x128xf32, #tpu.memory_space<vmem>>, vector<16xf32>,
        %mul3A_322 = arith.mulf %get3A_321, %get3A_98 : vector<16xf32>
        %get3A_323 = arith.index_cast %add3A_298 : i32 to index
        %get3A_324 = arith.constant 96 : index
        %get3A_325 = tpu.vector_load %arg10[%get3A_323, %get3A_324] {strides = array<i32>} : memref<448x128xf32, #tpu.memory_space<vmem>>, vector<16xf32>,
        %mul3A_326 = arith.mulf %get3A_325, %get3A_101 : vector<16xf32>
        %get3A_327 = arith.index_cast %add3A_298 : i32 to index
        %get3A_328 = arith.constant 112 : index
        %get3A_329 = tpu.vector_load %arg10[%get3A_327, %get3A_328] {strides = array<i32>} : memref<448x128xf32, #tpu.memory_space<vmem>>, vector<16xf32>,
        %mul3A_330 = arith.mulf %get3A_329, %get3A_104 : vector<16xf32>
        %add3A_331 = arith.addf %mul3A_302, %mul3A_306 : vector<16xf32>
        %add3A_332 = arith.addf %mul3A_310, %mul3A_314 : vector<16xf32>
        %add3A_333 = arith.addf %add3A_331, %add3A_332 : vector<16xf32>
        %add3A_334 = arith.addf %mul3A_318, %mul3A_322 : vector<16xf32>
        %add3A_335 = arith.addf %mul3A_326, %mul3A_330 : vector<16xf32>
        %add3A_336 = arith.addf %add3A_334, %add3A_335 : vector<16xf32>
        %add3A_337 = arith.addf %add3A_333, %add3A_336 : vector<16xf32>
        %broadcast_in_dim3A_338 = arith.constant true
        %broadcast_in_dim3A_339 = vector.broadcast %broadcast_in_dim3A_338 : i1 to vector<16xi1>
        %masked_cumsum3A_340 = tpu.scan <sum>, %add3A_337 masked %broadcast_in_dim3A_339 : vector<16xf32>, vector<16xi1> -> vector<16xf32>
        %add3A_341 = arith.constant 2 : i32
        %add3A_342 = vector.broadcast %add3A_341 : i32 to vector<16xi32>
        %add3A_343 = arith.addi %broadcast_in_dim3A, %add3A_342 : vector<16xi32>
        tpu.vector_store_idx %arg11[%add3A_343], %masked_cumsum3A_340 masked %eq3A_10 : memref<224xf32, #tpu.memory_space<vmem>>[vector<16xi32>], vector<16xf32>, vector<16xi1>
        %mul3A_344 = arith.constant 16 : i32
        %mul3A_345 = arith.muli %scan3A_189, %mul3A_344 : i32
        %add3A_346 = arith.constant 0 : i32
        %add3A_347 = arith.addi %add3A_346, %mul3A_345 : i32
        %add3A_348 = arith.constant 3 : i32
        %add3A_349 = arith.addi %add3A_347, %add3A_348 : i32
        %get3A_350 = arith.index_cast %add3A_349 : i32 to index
        %get3A_351 = arith.constant 0 : index
        %get3A_352 = tpu.vector_load %arg10[%get3A_350, %get3A_351] {strides = array<i32>} : memref<448x128xf32, #tpu.memory_space<vmem>>, vector<16xf32>,
        %mul3A_353 = arith.mulf %get3A_352, %get3A_83 : vector<16xf32>
        %get3A_354 = arith.index_cast %add3A_349 : i32 to index
        %get3A_355 = arith.constant 16 : index
        %get3A_356 = tpu.vector_load %arg10[%get3A_354, %get3A_355] {strides = array<i32>} : memref<448x128xf32, #tpu.memory_space<vmem>>, vector<16xf32>,
        %mul3A_357 = arith.mulf %get3A_356, %get3A_86 : vector<16xf32>
        %get3A_358 = arith.index_cast %add3A_349 : i32 to index
        %get3A_359 = arith.constant 32 : index
        %get3A_360 = tpu.vector_load %arg10[%get3A_358, %get3A_359] {strides = array<i32>} : memref<448x128xf32, #tpu.memory_space<vmem>>, vector<16xf32>,
        %mul3A_361 = arith.mulf %get3A_360, %get3A_89 : vector<16xf32>
        %get3A_362 = arith.index_cast %add3A_349 : i32 to index
        %get3A_363 = arith.constant 48 : index
        %get3A_364 = tpu.vector_load %arg10[%get3A_362, %get3A_363] {strides = array<i32>} : memref<448x128xf32, #tpu.memory_space<vmem>>, vector<16xf32>,
        %mul3A_365 = arith.mulf %get3A_364, %get3A_92 : vector<16xf32>
        %get3A_366 = arith.index_cast %add3A_349 : i32 to index
        %get3A_367 = arith.constant 64 : index
        %get3A_368 = tpu.vector_load %arg10[%get3A_366, %get3A_367] {strides = array<i32>} : memref<448x128xf32, #tpu.memory_space<vmem>>, vector<16xf32>,
        %mul3A_369 = arith.mulf %get3A_368, %get3A_95 : vector<16xf32>
        %get3A_370 = arith.index_cast %add3A_349 : i32 to index
        %get3A_371 = arith.constant 80 : index
        %get3A_372 = tpu.vector_load %arg10[%get3A_370, %get3A_371] {strides = array<i32>} : memref<448x128xf32, #tpu.memory_space<vmem>>, vector<16xf32>,
        %mul3A_373 = arith.mulf %get3A_372, %get3A_98 : vector<16xf32>
        %get3A_374 = arith.index_cast %add3A_349 : i32 to index
        %get3A_375 = arith.constant 96 : index
        %get3A_376 = tpu.vector_load %arg10[%get3A_374, %get3A_375] {strides = array<i32>} : memref<448x128xf32, #tpu.memory_space<vmem>>, vector<16xf32>,
        %mul3A_377 = arith.mulf %get3A_376, %get3A_101 : vector<16xf32>
        %get3A_378 = arith.index_cast %add3A_349 : i32 to index
        %get3A_379 = arith.constant 112 : index
        %get3A_380 = tpu.vector_load %arg10[%get3A_378, %get3A_379] {strides = array<i32>} : memref<448x128xf32, #tpu.memory_space<vmem>>, vector<16xf32>,
        %mul3A_381 = arith.mulf %get3A_380, %get3A_104 : vector<16xf32>
        %add3A_382 = arith.addf %mul3A_353, %mul3A_357 : vector<16xf32>
        %add3A_383 = arith.addf %mul3A_361, %mul3A_365 : vector<16xf32>
        %add3A_384 = arith.addf %add3A_382, %add3A_383 : vector<16xf32>
        %add3A_385 = arith.addf %mul3A_369, %mul3A_373 : vector<16xf32>
        %add3A_386 = arith.addf %mul3A_377, %mul3A_381 : vector<16xf32>
        %add3A_387 = arith.addf %add3A_385, %add3A_386 : vector<16xf32>
        %add3A_388 = arith.addf %add3A_384, %add3A_387 : vector<16xf32>
        %broadcast_in_dim3A_389 = arith.constant true
        %broadcast_in_dim3A_390 = vector.broadcast %broadcast_in_dim3A_389 : i1 to vector<16xi1>
        %masked_cumsum3A_391 = tpu.scan <sum>, %add3A_388 masked %broadcast_in_dim3A_390 : vector<16xf32>, vector<16xi1> -> vector<16xf32>
        %add3A_392 = arith.constant 3 : i32
        %add3A_393 = vector.broadcast %add3A_392 : i32 to vector<16xi32>
        %add3A_394 = arith.addi %broadcast_in_dim3A, %add3A_393 : vector<16xi32>
        tpu.vector_store_idx %arg11[%add3A_394], %masked_cumsum3A_391 masked %eq3A_10 : memref<224xf32, #tpu.memory_space<vmem>>[vector<16xi32>], vector<16xf32>, vector<16xi1>
        %mul3A_395 = arith.constant 16 : i32
        %mul3A_396 = arith.muli %scan3A_189, %mul3A_395 : i32
        %add3A_397 = arith.constant 0 : i32
        %add3A_398 = arith.addi %add3A_397, %mul3A_396 : i32
        %add3A_399 = arith.constant 4 : i32
        %add3A_400 = arith.addi %add3A_398, %add3A_399 : i32
        %get3A_401 = arith.index_cast %add3A_400 : i32 to index
        %get3A_402 = arith.constant 0 : index
        %get3A_403 = tpu.vector_load %arg10[%get3A_401, %get3A_402] {strides = array<i32>} : memref<448x128xf32, #tpu.memory_space<vmem>>, vector<16xf32>,
        %mul3A_404 = arith.mulf %get3A_403, %get3A_83 : vector<16xf32>
        %get3A_405 = arith.index_cast %add3A_400 : i32 to index
        %get3A_406 = arith.constant 16 : index
        %get3A_407 = tpu.vector_load %arg10[%get3A_405, %get3A_406] {strides = array<i32>} : memref<448x128xf32, #tpu.memory_space<vmem>>, vector<16xf32>,
        %mul3A_408 = arith.mulf %get3A_407, %get3A_86 : vector<16xf32>
        %get3A_409 = arith.index_cast %add3A_400 : i32 to index
        %get3A_410 = arith.constant 32 : index
        %get3A_411 = tpu.vector_load %arg10[%get3A_409, %get3A_410] {strides = array<i32>} : memref<448x128xf32, #tpu.memory_space<vmem>>, vector<16xf32>,
        %mul3A_412 = arith.mulf %get3A_411, %get3A_89 : vector<16xf32>
        %get3A_413 = arith.index_cast %add3A_400 : i32 to index
        %get3A_414 = arith.constant 48 : index
        %get3A_415 = tpu.vector_load %arg10[%get3A_413, %get3A_414] {strides = array<i32>} : memref<448x128xf32, #tpu.memory_space<vmem>>, vector<16xf32>,
        %mul3A_416 = arith.mulf %get3A_415, %get3A_92 : vector<16xf32>
        %get3A_417 = arith.index_cast %add3A_400 : i32 to index
        %get3A_418 = arith.constant 64 : index
        %get3A_419 = tpu.vector_load %arg10[%get3A_417, %get3A_418] {strides = array<i32>} : memref<448x128xf32, #tpu.memory_space<vmem>>, vector<16xf32>,
        %mul3A_420 = arith.mulf %get3A_419, %get3A_95 : vector<16xf32>
        %get3A_421 = arith.index_cast %add3A_400 : i32 to index
        %get3A_422 = arith.constant 80 : index
        %get3A_423 = tpu.vector_load %arg10[%get3A_421, %get3A_422] {strides = array<i32>} : memref<448x128xf32, #tpu.memory_space<vmem>>, vector<16xf32>,
        %mul3A_424 = arith.mulf %get3A_423, %get3A_98 : vector<16xf32>
        %get3A_425 = arith.index_cast %add3A_400 : i32 to index
        %get3A_426 = arith.constant 96 : index
        %get3A_427 = tpu.vector_load %arg10[%get3A_425, %get3A_426] {strides = array<i32>} : memref<448x128xf32, #tpu.memory_space<vmem>>, vector<16xf32>,
        %mul3A_428 = arith.mulf %get3A_427, %get3A_101 : vector<16xf32>
        %get3A_429 = arith.index_cast %add3A_400 : i32 to index
        %get3A_430 = arith.constant 112 : index
        %get3A_431 = tpu.vector_load %arg10[%get3A_429, %get3A_430] {strides = array<i32>} : memref<448x128xf32, #tpu.memory_space<vmem>>, vector<16xf32>,
        %mul3A_432 = arith.mulf %get3A_431, %get3A_104 : vector<16xf32>
        %add3A_433 = arith.addf %mul3A_404, %mul3A_408 : vector<16xf32>
        %add3A_434 = arith.addf %mul3A_412, %mul3A_416 : vector<16xf32>
        %add3A_435 = arith.addf %add3A_433, %add3A_434 : vector<16xf32>
        %add3A_436 = arith.addf %mul3A_420, %mul3A_424 : vector<16xf32>
        %add3A_437 = arith.addf %mul3A_428, %mul3A_432 : vector<16xf32>
        %add3A_438 = arith.addf %add3A_436, %add3A_437 : vector<16xf32>
        %add3A_439 = arith.addf %add3A_435, %add3A_438 : vector<16xf32>
        %broadcast_in_dim3A_440 = arith.constant true
        %broadcast_in_dim3A_441 = vector.broadcast %broadcast_in_dim3A_440 : i1 to vector<16xi1>
        %masked_cumsum3A_442 = tpu.scan <sum>, %add3A_439 masked %broadcast_in_dim3A_441 : vector<16xf32>, vector<16xi1> -> vector<16xf32>
        %add3A_443 = arith.constant 4 : i32
        %add3A_444 = vector.broadcast %add3A_443 : i32 to vector<16xi32>
        %add3A_445 = arith.addi %broadcast_in_dim3A, %add3A_444 : vector<16xi32>
        tpu.vector_store_idx %arg11[%add3A_445], %masked_cumsum3A_442 masked %eq3A_10 : memref<224xf32, #tpu.memory_space<vmem>>[vector<16xi32>], vector<16xf32>, vector<16xi1>
        %mul3A_446 = arith.constant 16 : i32
        %mul3A_447 = arith.muli %scan3A_189, %mul3A_446 : i32
        %add3A_448 = arith.constant 0 : i32
        %add3A_449 = arith.addi %add3A_448, %mul3A_447 : i32
        %add3A_450 = arith.constant 5 : i32
        %add3A_451 = arith.addi %add3A_449, %add3A_450 : i32
        %get3A_452 = arith.index_cast %add3A_451 : i32 to index
        %get3A_453 = arith.constant 0 : index
        %get3A_454 = tpu.vector_load %arg10[%get3A_452, %get3A_453] {strides = array<i32>} : memref<448x128xf32, #tpu.memory_space<vmem>>, vector<16xf32>,
        %mul3A_455 = arith.mulf %get3A_454, %get3A_83 : vector<16xf32>
        %get3A_456 = arith.index_cast %add3A_451 : i32 to index
        %get3A_457 = arith.constant 16 : index
        %get3A_458 = tpu.vector_load %arg10[%get3A_456, %get3A_457] {strides = array<i32>} : memref<448x128xf32, #tpu.memory_space<vmem>>, vector<16xf32>,
        %mul3A_459 = arith.mulf %get3A_458, %get3A_86 : vector<16xf32>
        %get3A_460 = arith.index_cast %add3A_451 : i32 to index
        %get3A_461 = arith.constant 32 : index
        %get3A_462 = tpu.vector_load %arg10[%get3A_460, %get3A_461] {strides = array<i32>} : memref<448x128xf32, #tpu.memory_space<vmem>>, vector<16xf32>,
        %mul3A_463 = arith.mulf %get3A_462, %get3A_89 : vector<16xf32>
        %get3A_464 = arith.index_cast %add3A_451 : i32 to index
        %get3A_465 = arith.constant 48 : index
        %get3A_466 = tpu.vector_load %arg10[%get3A_464, %get3A_465] {strides = array<i32>} : memref<448x128xf32, #tpu.memory_space<vmem>>, vector<16xf32>,
        %mul3A_467 = arith.mulf %get3A_466, %get3A_92 : vector<16xf32>
        %get3A_468 = arith.index_cast %add3A_451 : i32 to index
        %get3A_469 = arith.constant 64 : index
        %get3A_470 = tpu.vector_load %arg10[%get3A_468, %get3A_469] {strides = array<i32>} : memref<448x128xf32, #tpu.memory_space<vmem>>, vector<16xf32>,
        %mul3A_471 = arith.mulf %get3A_470, %get3A_95 : vector<16xf32>
        %get3A_472 = arith.index_cast %add3A_451 : i32 to index
        %get3A_473 = arith.constant 80 : index
        %get3A_474 = tpu.vector_load %arg10[%get3A_472, %get3A_473] {strides = array<i32>} : memref<448x128xf32, #tpu.memory_space<vmem>>, vector<16xf32>,
        %mul3A_475 = arith.mulf %get3A_474, %get3A_98 : vector<16xf32>
        %get3A_476 = arith.index_cast %add3A_451 : i32 to index
        %get3A_477 = arith.constant 96 : index
        %get3A_478 = tpu.vector_load %arg10[%get3A_476, %get3A_477] {strides = array<i32>} : memref<448x128xf32, #tpu.memory_space<vmem>>, vector<16xf32>,
        %mul3A_479 = arith.mulf %get3A_478, %get3A_101 : vector<16xf32>
        %get3A_480 = arith.index_cast %add3A_451 : i32 to index
        %get3A_481 = arith.constant 112 : index
        %get3A_482 = tpu.vector_load %arg10[%get3A_480, %get3A_481] {strides = array<i32>} : memref<448x128xf32, #tpu.memory_space<vmem>>, vector<16xf32>,
        %mul3A_483 = arith.mulf %get3A_482, %get3A_104 : vector<16xf32>
        %add3A_484 = arith.addf %mul3A_455, %mul3A_459 : vector<16xf32>
        %add3A_485 = arith.addf %mul3A_463, %mul3A_467 : vector<16xf32>
        %add3A_486 = arith.addf %add3A_484, %add3A_485 : vector<16xf32>
        %add3A_487 = arith.addf %mul3A_471, %mul3A_475 : vector<16xf32>
        %add3A_488 = arith.addf %mul3A_479, %mul3A_483 : vector<16xf32>
        %add3A_489 = arith.addf %add3A_487, %add3A_488 : vector<16xf32>
        %add3A_490 = arith.addf %add3A_486, %add3A_489 : vector<16xf32>
        %broadcast_in_dim3A_491 = arith.constant true
        %broadcast_in_dim3A_492 = vector.broadcast %broadcast_in_dim3A_491 : i1 to vector<16xi1>
        %masked_cumsum3A_493 = tpu.scan <sum>, %add3A_490 masked %broadcast_in_dim3A_492 : vector<16xf32>, vector<16xi1> -> vector<16xf32>
        %add3A_494 = arith.constant 5 : i32
        %add3A_495 = vector.broadcast %add3A_494 : i32 to vector<16xi32>
        %add3A_496 = arith.addi %broadcast_in_dim3A, %add3A_495 : vector<16xi32>
        tpu.vector_store_idx %arg11[%add3A_496], %masked_cumsum3A_493 masked %eq3A_10 : memref<224xf32, #tpu.memory_space<vmem>>[vector<16xi32>], vector<16xf32>, vector<16xi1>
        %mul3A_497 = arith.constant 16 : i32
        %mul3A_498 = arith.muli %scan3A_189, %mul3A_497 : i32
        %add3A_499 = arith.constant 0 : i32
        %add3A_500 = arith.addi %add3A_499, %mul3A_498 : i32
        %add3A_501 = arith.constant 6 : i32
        %add3A_502 = arith.addi %add3A_500, %add3A_501 : i32
        %get3A_503 = arith.index_cast %add3A_502 : i32 to index
        %get3A_504 = arith.constant 0 : index
        %get3A_505 = tpu.vector_load %arg10[%get3A_503, %get3A_504] {strides = array<i32>} : memref<448x128xf32, #tpu.memory_space<vmem>>, vector<16xf32>,
        %mul3A_506 = arith.mulf %get3A_505, %get3A_83 : vector<16xf32>
        %get3A_507 = arith.index_cast %add3A_502 : i32 to index
        %get3A_508 = arith.constant 16 : index
        %get3A_509 = tpu.vector_load %arg10[%get3A_507, %get3A_508] {strides = array<i32>} : memref<448x128xf32, #tpu.memory_space<vmem>>, vector<16xf32>,
        %mul3A_510 = arith.mulf %get3A_509, %get3A_86 : vector<16xf32>
        %get3A_511 = arith.index_cast %add3A_502 : i32 to index
        %get3A_512 = arith.constant 32 : index
        %get3A_513 = tpu.vector_load %arg10[%get3A_511, %get3A_512] {strides = array<i32>} : memref<448x128xf32, #tpu.memory_space<vmem>>, vector<16xf32>,
        %mul3A_514 = arith.mulf %get3A_513, %get3A_89 : vector<16xf32>
        %get3A_515 = arith.index_cast %add3A_502 : i32 to index
        %get3A_516 = arith.constant 48 : index
        %get3A_517 = tpu.vector_load %arg10[%get3A_515, %get3A_516] {strides = array<i32>} : memref<448x128xf32, #tpu.memory_space<vmem>>, vector<16xf32>,
        %mul3A_518 = arith.mulf %get3A_517, %get3A_92 : vector<16xf32>
        %get3A_519 = arith.index_cast %add3A_502 : i32 to index
        %get3A_520 = arith.constant 64 : index
        %get3A_521 = tpu.vector_load %arg10[%get3A_519, %get3A_520] {strides = array<i32>} : memref<448x128xf32, #tpu.memory_space<vmem>>, vector<16xf32>,
        %mul3A_522 = arith.mulf %get3A_521, %get3A_95 : vector<16xf32>
        %get3A_523 = arith.index_cast %add3A_502 : i32 to index
        %get3A_524 = arith.constant 80 : index
        %get3A_525 = tpu.vector_load %arg10[%get3A_523, %get3A_524] {strides = array<i32>} : memref<448x128xf32, #tpu.memory_space<vmem>>, vector<16xf32>,
        %mul3A_526 = arith.mulf %get3A_525, %get3A_98 : vector<16xf32>
        %get3A_527 = arith.index_cast %add3A_502 : i32 to index
        %get3A_528 = arith.constant 96 : index
        %get3A_529 = tpu.vector_load %arg10[%get3A_527, %get3A_528] {strides = array<i32>} : memref<448x128xf32, #tpu.memory_space<vmem>>, vector<16xf32>,
        %mul3A_530 = arith.mulf %get3A_529, %get3A_101 : vector<16xf32>
        %get3A_531 = arith.index_cast %add3A_502 : i32 to index
        %get3A_532 = arith.constant 112 : index
        %get3A_533 = tpu.vector_load %arg10[%get3A_531, %get3A_532] {strides = array<i32>} : memref<448x128xf32, #tpu.memory_space<vmem>>, vector<16xf32>,
        %mul3A_534 = arith.mulf %get3A_533, %get3A_104 : vector<16xf32>
        %add3A_535 = arith.addf %mul3A_506, %mul3A_510 : vector<16xf32>
        %add3A_536 = arith.addf %mul3A_514, %mul3A_518 : vector<16xf32>
        %add3A_537 = arith.addf %add3A_535, %add3A_536 : vector<16xf32>
        %add3A_538 = arith.addf %mul3A_522, %mul3A_526 : vector<16xf32>
        %add3A_539 = arith.addf %mul3A_530, %mul3A_534 : vector<16xf32>
        %add3A_540 = arith.addf %add3A_538, %add3A_539 : vector<16xf32>
        %add3A_541 = arith.addf %add3A_537, %add3A_540 : vector<16xf32>
        %broadcast_in_dim3A_542 = arith.constant true
        %broadcast_in_dim3A_543 = vector.broadcast %broadcast_in_dim3A_542 : i1 to vector<16xi1>
        %masked_cumsum3A_544 = tpu.scan <sum>, %add3A_541 masked %broadcast_in_dim3A_543 : vector<16xf32>, vector<16xi1> -> vector<16xf32>
        %add3A_545 = arith.constant 6 : i32
        %add3A_546 = vector.broadcast %add3A_545 : i32 to vector<16xi32>
        %add3A_547 = arith.addi %broadcast_in_dim3A, %add3A_546 : vector<16xi32>
        tpu.vector_store_idx %arg11[%add3A_547], %masked_cumsum3A_544 masked %eq3A_10 : memref<224xf32, #tpu.memory_space<vmem>>[vector<16xi32>], vector<16xf32>, vector<16xi1>
        %mul3A_548 = arith.constant 16 : i32
        %mul3A_549 = arith.muli %scan3A_189, %mul3A_548 : i32
        %add3A_550 = arith.constant 0 : i32
        %add3A_551 = arith.addi %add3A_550, %mul3A_549 : i32
        %add3A_552 = arith.constant 7 : i32
        %add3A_553 = arith.addi %add3A_551, %add3A_552 : i32
        %get3A_554 = arith.index_cast %add3A_553 : i32 to index
        %get3A_555 = arith.constant 0 : index
        %get3A_556 = tpu.vector_load %arg10[%get3A_554, %get3A_555] {strides = array<i32>} : memref<448x128xf32, #tpu.memory_space<vmem>>, vector<16xf32>,
        %mul3A_557 = arith.mulf %get3A_556, %get3A_83 : vector<16xf32>
        %get3A_558 = arith.index_cast %add3A_553 : i32 to index
        %get3A_559 = arith.constant 16 : index
        %get3A_560 = tpu.vector_load %arg10[%get3A_558, %get3A_559] {strides = array<i32>} : memref<448x128xf32, #tpu.memory_space<vmem>>, vector<16xf32>,
        %mul3A_561 = arith.mulf %get3A_560, %get3A_86 : vector<16xf32>
        %get3A_562 = arith.index_cast %add3A_553 : i32 to index
        %get3A_563 = arith.constant 32 : index
        %get3A_564 = tpu.vector_load %arg10[%get3A_562, %get3A_563] {strides = array<i32>} : memref<448x128xf32, #tpu.memory_space<vmem>>, vector<16xf32>,
        %mul3A_565 = arith.mulf %get3A_564, %get3A_89 : vector<16xf32>
        %get3A_566 = arith.index_cast %add3A_553 : i32 to index
        %get3A_567 = arith.constant 48 : index
        %get3A_568 = tpu.vector_load %arg10[%get3A_566, %get3A_567] {strides = array<i32>} : memref<448x128xf32, #tpu.memory_space<vmem>>, vector<16xf32>,
        %mul3A_569 = arith.mulf %get3A_568, %get3A_92 : vector<16xf32>
        %get3A_570 = arith.index_cast %add3A_553 : i32 to index
        %get3A_571 = arith.constant 64 : index
        %get3A_572 = tpu.vector_load %arg10[%get3A_570, %get3A_571] {strides = array<i32>} : memref<448x128xf32, #tpu.memory_space<vmem>>, vector<16xf32>,
        %mul3A_573 = arith.mulf %get3A_572, %get3A_95 : vector<16xf32>
        %get3A_574 = arith.index_cast %add3A_553 : i32 to index
        %get3A_575 = arith.constant 80 : index
        %get3A_576 = tpu.vector_load %arg10[%get3A_574, %get3A_575] {strides = array<i32>} : memref<448x128xf32, #tpu.memory_space<vmem>>, vector<16xf32>,
        %mul3A_577 = arith.mulf %get3A_576, %get3A_98 : vector<16xf32>
        %get3A_578 = arith.index_cast %add3A_553 : i32 to index
        %get3A_579 = arith.constant 96 : index
        %get3A_580 = tpu.vector_load %arg10[%get3A_578, %get3A_579] {strides = array<i32>} : memref<448x128xf32, #tpu.memory_space<vmem>>, vector<16xf32>,
        %mul3A_581 = arith.mulf %get3A_580, %get3A_101 : vector<16xf32>
        %get3A_582 = arith.index_cast %add3A_553 : i32 to index
        %get3A_583 = arith.constant 112 : index
        %get3A_584 = tpu.vector_load %arg10[%get3A_582, %get3A_583] {strides = array<i32>} : memref<448x128xf32, #tpu.memory_space<vmem>>, vector<16xf32>,
        %mul3A_585 = arith.mulf %get3A_584, %get3A_104 : vector<16xf32>
        %add3A_586 = arith.addf %mul3A_557, %mul3A_561 : vector<16xf32>
        %add3A_587 = arith.addf %mul3A_565, %mul3A_569 : vector<16xf32>
        %add3A_588 = arith.addf %add3A_586, %add3A_587 : vector<16xf32>
        %add3A_589 = arith.addf %mul3A_573, %mul3A_577 : vector<16xf32>
        %add3A_590 = arith.addf %mul3A_581, %mul3A_585 : vector<16xf32>
        %add3A_591 = arith.addf %add3A_589, %add3A_590 : vector<16xf32>
        %add3A_592 = arith.addf %add3A_588, %add3A_591 : vector<16xf32>
        %broadcast_in_dim3A_593 = arith.constant true
        %broadcast_in_dim3A_594 = vector.broadcast %broadcast_in_dim3A_593 : i1 to vector<16xi1>
        %masked_cumsum3A_595 = tpu.scan <sum>, %add3A_592 masked %broadcast_in_dim3A_594 : vector<16xf32>, vector<16xi1> -> vector<16xf32>
        %add3A_596 = arith.constant 7 : i32
        %add3A_597 = vector.broadcast %add3A_596 : i32 to vector<16xi32>
        %add3A_598 = arith.addi %broadcast_in_dim3A, %add3A_597 : vector<16xi32>
        tpu.vector_store_idx %arg11[%add3A_598], %masked_cumsum3A_595 masked %eq3A_10 : memref<224xf32, #tpu.memory_space<vmem>>[vector<16xi32>], vector<16xf32>, vector<16xi1>
        %mul3A_599 = arith.constant 16 : i32
        %mul3A_600 = arith.muli %scan3A_189, %mul3A_599 : i32
        %add3A_601 = arith.constant 0 : i32
        %add3A_602 = arith.addi %add3A_601, %mul3A_600 : i32
        %add3A_603 = arith.constant 8 : i32
        %add3A_604 = arith.addi %add3A_602, %add3A_603 : i32
        %get3A_605 = arith.index_cast %add3A_604 : i32 to index
        %get3A_606 = arith.constant 0 : index
        %get3A_607 = tpu.vector_load %arg10[%get3A_605, %get3A_606] {strides = array<i32>} : memref<448x128xf32, #tpu.memory_space<vmem>>, vector<16xf32>,
        %mul3A_608 = arith.mulf %get3A_607, %get3A_83 : vector<16xf32>
        %get3A_609 = arith.index_cast %add3A_604 : i32 to index
        %get3A_610 = arith.constant 16 : index
        %get3A_611 = tpu.vector_load %arg10[%get3A_609, %get3A_610] {strides = array<i32>} : memref<448x128xf32, #tpu.memory_space<vmem>>, vector<16xf32>,
        %mul3A_612 = arith.mulf %get3A_611, %get3A_86 : vector<16xf32>
        %get3A_613 = arith.index_cast %add3A_604 : i32 to index
        %get3A_614 = arith.constant 32 : index
        %get3A_615 = tpu.vector_load %arg10[%get3A_613, %get3A_614] {strides = array<i32>} : memref<448x128xf32, #tpu.memory_space<vmem>>, vector<16xf32>,
        %mul3A_616 = arith.mulf %get3A_615, %get3A_89 : vector<16xf32>
        %get3A_617 = arith.index_cast %add3A_604 : i32 to index
        %get3A_618 = arith.constant 48 : index
        %get3A_619 = tpu.vector_load %arg10[%get3A_617, %get3A_618] {strides = array<i32>} : memref<448x128xf32, #tpu.memory_space<vmem>>, vector<16xf32>,
        %mul3A_620 = arith.mulf %get3A_619, %get3A_92 : vector<16xf32>
        %get3A_621 = arith.index_cast %add3A_604 : i32 to index
        %get3A_622 = arith.constant 64 : index
        %get3A_623 = tpu.vector_load %arg10[%get3A_621, %get3A_622] {strides = array<i32>} : memref<448x128xf32, #tpu.memory_space<vmem>>, vector<16xf32>,
        %mul3A_624 = arith.mulf %get3A_623, %get3A_95 : vector<16xf32>
        %get3A_625 = arith.index_cast %add3A_604 : i32 to index
        %get3A_626 = arith.constant 80 : index
        %get3A_627 = tpu.vector_load %arg10[%get3A_625, %get3A_626] {strides = array<i32>} : memref<448x128xf32, #tpu.memory_space<vmem>>, vector<16xf32>,
        %mul3A_628 = arith.mulf %get3A_627, %get3A_98 : vector<16xf32>
        %get3A_629 = arith.index_cast %add3A_604 : i32 to index
        %get3A_630 = arith.constant 96 : index
        %get3A_631 = tpu.vector_load %arg10[%get3A_629, %get3A_630] {strides = array<i32>} : memref<448x128xf32, #tpu.memory_space<vmem>>, vector<16xf32>,
        %mul3A_632 = arith.mulf %get3A_631, %get3A_101 : vector<16xf32>
        %get3A_633 = arith.index_cast %add3A_604 : i32 to index
        %get3A_634 = arith.constant 112 : index
        %get3A_635 = tpu.vector_load %arg10[%get3A_633, %get3A_634] {strides = array<i32>} : memref<448x128xf32, #tpu.memory_space<vmem>>, vector<16xf32>,
        %mul3A_636 = arith.mulf %get3A_635, %get3A_104 : vector<16xf32>
        %add3A_637 = arith.addf %mul3A_608, %mul3A_612 : vector<16xf32>
        %add3A_638 = arith.addf %mul3A_616, %mul3A_620 : vector<16xf32>
        %add3A_639 = arith.addf %add3A_637, %add3A_638 : vector<16xf32>
        %add3A_640 = arith.addf %mul3A_624, %mul3A_628 : vector<16xf32>
        %add3A_641 = arith.addf %mul3A_632, %mul3A_636 : vector<16xf32>
        %add3A_642 = arith.addf %add3A_640, %add3A_641 : vector<16xf32>
        %add3A_643 = arith.addf %add3A_639, %add3A_642 : vector<16xf32>
        %broadcast_in_dim3A_644 = arith.constant true
        %broadcast_in_dim3A_645 = vector.broadcast %broadcast_in_dim3A_644 : i1 to vector<16xi1>
        %masked_cumsum3A_646 = tpu.scan <sum>, %add3A_643 masked %broadcast_in_dim3A_645 : vector<16xf32>, vector<16xi1> -> vector<16xf32>
        %add3A_647 = arith.constant 8 : i32
        %add3A_648 = vector.broadcast %add3A_647 : i32 to vector<16xi32>
        %add3A_649 = arith.addi %broadcast_in_dim3A, %add3A_648 : vector<16xi32>
        tpu.vector_store_idx %arg11[%add3A_649], %masked_cumsum3A_646 masked %eq3A_10 : memref<224xf32, #tpu.memory_space<vmem>>[vector<16xi32>], vector<16xf32>, vector<16xi1>
        %mul3A_650 = arith.constant 16 : i32
        %mul3A_651 = arith.muli %scan3A_189, %mul3A_650 : i32
        %add3A_652 = arith.constant 0 : i32
        %add3A_653 = arith.addi %add3A_652, %mul3A_651 : i32
        %add3A_654 = arith.constant 9 : i32
        %add3A_655 = arith.addi %add3A_653, %add3A_654 : i32
        %get3A_656 = arith.index_cast %add3A_655 : i32 to index
        %get3A_657 = arith.constant 0 : index
        %get3A_658 = tpu.vector_load %arg10[%get3A_656, %get3A_657] {strides = array<i32>} : memref<448x128xf32, #tpu.memory_space<vmem>>, vector<16xf32>,
        %mul3A_659 = arith.mulf %get3A_658, %get3A_83 : vector<16xf32>
        %get3A_660 = arith.index_cast %add3A_655 : i32 to index
        %get3A_661 = arith.constant 16 : index
        %get3A_662 = tpu.vector_load %arg10[%get3A_660, %get3A_661] {strides = array<i32>} : memref<448x128xf32, #tpu.memory_space<vmem>>, vector<16xf32>,
        %mul3A_663 = arith.mulf %get3A_662, %get3A_86 : vector<16xf32>
        %get3A_664 = arith.index_cast %add3A_655 : i32 to index
        %get3A_665 = arith.constant 32 : index
        %get3A_666 = tpu.vector_load %arg10[%get3A_664, %get3A_665] {strides = array<i32>} : memref<448x128xf32, #tpu.memory_space<vmem>>, vector<16xf32>,
        %mul3A_667 = arith.mulf %get3A_666, %get3A_89 : vector<16xf32>
        %get3A_668 = arith.index_cast %add3A_655 : i32 to index
        %get3A_669 = arith.constant 48 : index
        %get3A_670 = tpu.vector_load %arg10[%get3A_668, %get3A_669] {strides = array<i32>} : memref<448x128xf32, #tpu.memory_space<vmem>>, vector<16xf32>,
        %mul3A_671 = arith.mulf %get3A_670, %get3A_92 : vector<16xf32>
        %get3A_672 = arith.index_cast %add3A_655 : i32 to index
        %get3A_673 = arith.constant 64 : index
        %get3A_674 = tpu.vector_load %arg10[%get3A_672, %get3A_673] {strides = array<i32>} : memref<448x128xf32, #tpu.memory_space<vmem>>, vector<16xf32>,
        %mul3A_675 = arith.mulf %get3A_674, %get3A_95 : vector<16xf32>
        %get3A_676 = arith.index_cast %add3A_655 : i32 to index
        %get3A_677 = arith.constant 80 : index
        %get3A_678 = tpu.vector_load %arg10[%get3A_676, %get3A_677] {strides = array<i32>} : memref<448x128xf32, #tpu.memory_space<vmem>>, vector<16xf32>,
        %mul3A_679 = arith.mulf %get3A_678, %get3A_98 : vector<16xf32>
        %get3A_680 = arith.index_cast %add3A_655 : i32 to index
        %get3A_681 = arith.constant 96 : index
        %get3A_682 = tpu.vector_load %arg10[%get3A_680, %get3A_681] {strides = array<i32>} : memref<448x128xf32, #tpu.memory_space<vmem>>, vector<16xf32>,
        %mul3A_683 = arith.mulf %get3A_682, %get3A_101 : vector<16xf32>
        %get3A_684 = arith.index_cast %add3A_655 : i32 to index
        %get3A_685 = arith.constant 112 : index
        %get3A_686 = tpu.vector_load %arg10[%get3A_684, %get3A_685] {strides = array<i32>} : memref<448x128xf32, #tpu.memory_space<vmem>>, vector<16xf32>,
        %mul3A_687 = arith.mulf %get3A_686, %get3A_104 : vector<16xf32>
        %add3A_688 = arith.addf %mul3A_659, %mul3A_663 : vector<16xf32>
        %add3A_689 = arith.addf %mul3A_667, %mul3A_671 : vector<16xf32>
        %add3A_690 = arith.addf %add3A_688, %add3A_689 : vector<16xf32>
        %add3A_691 = arith.addf %mul3A_675, %mul3A_679 : vector<16xf32>
        %add3A_692 = arith.addf %mul3A_683, %mul3A_687 : vector<16xf32>
        %add3A_693 = arith.addf %add3A_691, %add3A_692 : vector<16xf32>
        %add3A_694 = arith.addf %add3A_690, %add3A_693 : vector<16xf32>
        %broadcast_in_dim3A_695 = arith.constant true
        %broadcast_in_dim3A_696 = vector.broadcast %broadcast_in_dim3A_695 : i1 to vector<16xi1>
        %masked_cumsum3A_697 = tpu.scan <sum>, %add3A_694 masked %broadcast_in_dim3A_696 : vector<16xf32>, vector<16xi1> -> vector<16xf32>
        %add3A_698 = arith.constant 9 : i32
        %add3A_699 = vector.broadcast %add3A_698 : i32 to vector<16xi32>
        %add3A_700 = arith.addi %broadcast_in_dim3A, %add3A_699 : vector<16xi32>
        tpu.vector_store_idx %arg11[%add3A_700], %masked_cumsum3A_697 masked %eq3A_10 : memref<224xf32, #tpu.memory_space<vmem>>[vector<16xi32>], vector<16xf32>, vector<16xi1>
        %mul3A_701 = arith.constant 16 : i32
        %mul3A_702 = arith.muli %scan3A_189, %mul3A_701 : i32
        %add3A_703 = arith.constant 0 : i32
        %add3A_704 = arith.addi %add3A_703, %mul3A_702 : i32
        %add3A_705 = arith.constant 10 : i32
        %add3A_706 = arith.addi %add3A_704, %add3A_705 : i32
        %get3A_707 = arith.index_cast %add3A_706 : i32 to index
        %get3A_708 = arith.constant 0 : index
        %get3A_709 = tpu.vector_load %arg10[%get3A_707, %get3A_708] {strides = array<i32>} : memref<448x128xf32, #tpu.memory_space<vmem>>, vector<16xf32>,
        %mul3A_710 = arith.mulf %get3A_709, %get3A_83 : vector<16xf32>
        %get3A_711 = arith.index_cast %add3A_706 : i32 to index
        %get3A_712 = arith.constant 16 : index
        %get3A_713 = tpu.vector_load %arg10[%get3A_711, %get3A_712] {strides = array<i32>} : memref<448x128xf32, #tpu.memory_space<vmem>>, vector<16xf32>,
        %mul3A_714 = arith.mulf %get3A_713, %get3A_86 : vector<16xf32>
        %get3A_715 = arith.index_cast %add3A_706 : i32 to index
        %get3A_716 = arith.constant 32 : index
        %get3A_717 = tpu.vector_load %arg10[%get3A_715, %get3A_716] {strides = array<i32>} : memref<448x128xf32, #tpu.memory_space<vmem>>, vector<16xf32>,
        %mul3A_718 = arith.mulf %get3A_717, %get3A_89 : vector<16xf32>
        %get3A_719 = arith.index_cast %add3A_706 : i32 to index
        %get3A_720 = arith.constant 48 : index
        %get3A_721 = tpu.vector_load %arg10[%get3A_719, %get3A_720] {strides = array<i32>} : memref<448x128xf32, #tpu.memory_space<vmem>>, vector<16xf32>,
        %mul3A_722 = arith.mulf %get3A_721, %get3A_92 : vector<16xf32>
        %get3A_723 = arith.index_cast %add3A_706 : i32 to index
        %get3A_724 = arith.constant 64 : index
        %get3A_725 = tpu.vector_load %arg10[%get3A_723, %get3A_724] {strides = array<i32>} : memref<448x128xf32, #tpu.memory_space<vmem>>, vector<16xf32>,
        %mul3A_726 = arith.mulf %get3A_725, %get3A_95 : vector<16xf32>
        %get3A_727 = arith.index_cast %add3A_706 : i32 to index
        %get3A_728 = arith.constant 80 : index
        %get3A_729 = tpu.vector_load %arg10[%get3A_727, %get3A_728] {strides = array<i32>} : memref<448x128xf32, #tpu.memory_space<vmem>>, vector<16xf32>,
        %mul3A_730 = arith.mulf %get3A_729, %get3A_98 : vector<16xf32>
        %get3A_731 = arith.index_cast %add3A_706 : i32 to index
        %get3A_732 = arith.constant 96 : index
        %get3A_733 = tpu.vector_load %arg10[%get3A_731, %get3A_732] {strides = array<i32>} : memref<448x128xf32, #tpu.memory_space<vmem>>, vector<16xf32>,
        %mul3A_734 = arith.mulf %get3A_733, %get3A_101 : vector<16xf32>
        %get3A_735 = arith.index_cast %add3A_706 : i32 to index
        %get3A_736 = arith.constant 112 : index
        %get3A_737 = tpu.vector_load %arg10[%get3A_735, %get3A_736] {strides = array<i32>} : memref<448x128xf32, #tpu.memory_space<vmem>>, vector<16xf32>,
        %mul3A_738 = arith.mulf %get3A_737, %get3A_104 : vector<16xf32>
        %add3A_739 = arith.addf %mul3A_710, %mul3A_714 : vector<16xf32>
        %add3A_740 = arith.addf %mul3A_718, %mul3A_722 : vector<16xf32>
        %add3A_741 = arith.addf %add3A_739, %add3A_740 : vector<16xf32>
        %add3A_742 = arith.addf %mul3A_726, %mul3A_730 : vector<16xf32>
        %add3A_743 = arith.addf %mul3A_734, %mul3A_738 : vector<16xf32>
        %add3A_744 = arith.addf %add3A_742, %add3A_743 : vector<16xf32>
        %add3A_745 = arith.addf %add3A_741, %add3A_744 : vector<16xf32>
        %broadcast_in_dim3A_746 = arith.constant true
        %broadcast_in_dim3A_747 = vector.broadcast %broadcast_in_dim3A_746 : i1 to vector<16xi1>
        %masked_cumsum3A_748 = tpu.scan <sum>, %add3A_745 masked %broadcast_in_dim3A_747 : vector<16xf32>, vector<16xi1> -> vector<16xf32>
        %add3A_749 = arith.constant 10 : i32
        %add3A_750 = vector.broadcast %add3A_749 : i32 to vector<16xi32>
        %add3A_751 = arith.addi %broadcast_in_dim3A, %add3A_750 : vector<16xi32>
        tpu.vector_store_idx %arg11[%add3A_751], %masked_cumsum3A_748 masked %eq3A_10 : memref<224xf32, #tpu.memory_space<vmem>>[vector<16xi32>], vector<16xf32>, vector<16xi1>
        %mul3A_752 = arith.constant 16 : i32
        %mul3A_753 = arith.muli %scan3A_189, %mul3A_752 : i32
        %add3A_754 = arith.constant 0 : i32
        %add3A_755 = arith.addi %add3A_754, %mul3A_753 : i32
        %add3A_756 = arith.constant 11 : i32
        %add3A_757 = arith.addi %add3A_755, %add3A_756 : i32
        %get3A_758 = arith.index_cast %add3A_757 : i32 to index
        %get3A_759 = arith.constant 0 : index
        %get3A_760 = tpu.vector_load %arg10[%get3A_758, %get3A_759] {strides = array<i32>} : memref<448x128xf32, #tpu.memory_space<vmem>>, vector<16xf32>,
        %mul3A_761 = arith.mulf %get3A_760, %get3A_83 : vector<16xf32>
        %get3A_762 = arith.index_cast %add3A_757 : i32 to index
        %get3A_763 = arith.constant 16 : index
        %get3A_764 = tpu.vector_load %arg10[%get3A_762, %get3A_763] {strides = array<i32>} : memref<448x128xf32, #tpu.memory_space<vmem>>, vector<16xf32>,
        %mul3A_765 = arith.mulf %get3A_764, %get3A_86 : vector<16xf32>
        %get3A_766 = arith.index_cast %add3A_757 : i32 to index
        %get3A_767 = arith.constant 32 : index
        %get3A_768 = tpu.vector_load %arg10[%get3A_766, %get3A_767] {strides = array<i32>} : memref<448x128xf32, #tpu.memory_space<vmem>>, vector<16xf32>,
        %mul3A_769 = arith.mulf %get3A_768, %get3A_89 : vector<16xf32>
        %get3A_770 = arith.index_cast %add3A_757 : i32 to index
        %get3A_771 = arith.constant 48 : index
        %get3A_772 = tpu.vector_load %arg10[%get3A_770, %get3A_771] {strides = array<i32>} : memref<448x128xf32, #tpu.memory_space<vmem>>, vector<16xf32>,
        %mul3A_773 = arith.mulf %get3A_772, %get3A_92 : vector<16xf32>
        %get3A_774 = arith.index_cast %add3A_757 : i32 to index
        %get3A_775 = arith.constant 64 : index
        %get3A_776 = tpu.vector_load %arg10[%get3A_774, %get3A_775] {strides = array<i32>} : memref<448x128xf32, #tpu.memory_space<vmem>>, vector<16xf32>,
        %mul3A_777 = arith.mulf %get3A_776, %get3A_95 : vector<16xf32>
        %get3A_778 = arith.index_cast %add3A_757 : i32 to index
        %get3A_779 = arith.constant 80 : index
        %get3A_780 = tpu.vector_load %arg10[%get3A_778, %get3A_779] {strides = array<i32>} : memref<448x128xf32, #tpu.memory_space<vmem>>, vector<16xf32>,
        %mul3A_781 = arith.mulf %get3A_780, %get3A_98 : vector<16xf32>
        %get3A_782 = arith.index_cast %add3A_757 : i32 to index
        %get3A_783 = arith.constant 96 : index
        %get3A_784 = tpu.vector_load %arg10[%get3A_782, %get3A_783] {strides = array<i32>} : memref<448x128xf32, #tpu.memory_space<vmem>>, vector<16xf32>,
        %mul3A_785 = arith.mulf %get3A_784, %get3A_101 : vector<16xf32>
        %get3A_786 = arith.index_cast %add3A_757 : i32 to index
        %get3A_787 = arith.constant 112 : index
        %get3A_788 = tpu.vector_load %arg10[%get3A_786, %get3A_787] {strides = array<i32>} : memref<448x128xf32, #tpu.memory_space<vmem>>, vector<16xf32>,
        %mul3A_789 = arith.mulf %get3A_788, %get3A_104 : vector<16xf32>
        %add3A_790 = arith.addf %mul3A_761, %mul3A_765 : vector<16xf32>
        %add3A_791 = arith.addf %mul3A_769, %mul3A_773 : vector<16xf32>
        %add3A_792 = arith.addf %add3A_790, %add3A_791 : vector<16xf32>
        %add3A_793 = arith.addf %mul3A_777, %mul3A_781 : vector<16xf32>
        %add3A_794 = arith.addf %mul3A_785, %mul3A_789 : vector<16xf32>
        %add3A_795 = arith.addf %add3A_793, %add3A_794 : vector<16xf32>
        %add3A_796 = arith.addf %add3A_792, %add3A_795 : vector<16xf32>
        %broadcast_in_dim3A_797 = arith.constant true
        %broadcast_in_dim3A_798 = vector.broadcast %broadcast_in_dim3A_797 : i1 to vector<16xi1>
        %masked_cumsum3A_799 = tpu.scan <sum>, %add3A_796 masked %broadcast_in_dim3A_798 : vector<16xf32>, vector<16xi1> -> vector<16xf32>
        %add3A_800 = arith.constant 11 : i32
        %add3A_801 = vector.broadcast %add3A_800 : i32 to vector<16xi32>
        %add3A_802 = arith.addi %broadcast_in_dim3A, %add3A_801 : vector<16xi32>
        tpu.vector_store_idx %arg11[%add3A_802], %masked_cumsum3A_799 masked %eq3A_10 : memref<224xf32, #tpu.memory_space<vmem>>[vector<16xi32>], vector<16xf32>, vector<16xi1>
        %mul3A_803 = arith.constant 16 : i32
        %mul3A_804 = arith.muli %scan3A_189, %mul3A_803 : i32
        %add3A_805 = arith.constant 0 : i32
        %add3A_806 = arith.addi %add3A_805, %mul3A_804 : i32
        %add3A_807 = arith.constant 12 : i32
        %add3A_808 = arith.addi %add3A_806, %add3A_807 : i32
        %get3A_809 = arith.index_cast %add3A_808 : i32 to index
        %get3A_810 = arith.constant 0 : index
        %get3A_811 = tpu.vector_load %arg10[%get3A_809, %get3A_810] {strides = array<i32>} : memref<448x128xf32, #tpu.memory_space<vmem>>, vector<16xf32>,
        %mul3A_812 = arith.mulf %get3A_811, %get3A_83 : vector<16xf32>
        %get3A_813 = arith.index_cast %add3A_808 : i32 to index
        %get3A_814 = arith.constant 16 : index
        %get3A_815 = tpu.vector_load %arg10[%get3A_813, %get3A_814] {strides = array<i32>} : memref<448x128xf32, #tpu.memory_space<vmem>>, vector<16xf32>,
        %mul3A_816 = arith.mulf %get3A_815, %get3A_86 : vector<16xf32>
        %get3A_817 = arith.index_cast %add3A_808 : i32 to index
        %get3A_818 = arith.constant 32 : index
        %get3A_819 = tpu.vector_load %arg10[%get3A_817, %get3A_818] {strides = array<i32>} : memref<448x128xf32, #tpu.memory_space<vmem>>, vector<16xf32>,
        %mul3A_820 = arith.mulf %get3A_819, %get3A_89 : vector<16xf32>
        %get3A_821 = arith.index_cast %add3A_808 : i32 to index
        %get3A_822 = arith.constant 48 : index
        %get3A_823 = tpu.vector_load %arg10[%get3A_821, %get3A_822] {strides = array<i32>} : memref<448x128xf32, #tpu.memory_space<vmem>>, vector<16xf32>,
        %mul3A_824 = arith.mulf %get3A_823, %get3A_92 : vector<16xf32>
        %get3A_825 = arith.index_cast %add3A_808 : i32 to index
        %get3A_826 = arith.constant 64 : index
        %get3A_827 = tpu.vector_load %arg10[%get3A_825, %get3A_826] {strides = array<i32>} : memref<448x128xf32, #tpu.memory_space<vmem>>, vector<16xf32>,
        %mul3A_828 = arith.mulf %get3A_827, %get3A_95 : vector<16xf32>
        %get3A_829 = arith.index_cast %add3A_808 : i32 to index
        %get3A_830 = arith.constant 80 : index
        %get3A_831 = tpu.vector_load %arg10[%get3A_829, %get3A_830] {strides = array<i32>} : memref<448x128xf32, #tpu.memory_space<vmem>>, vector<16xf32>,
        %mul3A_832 = arith.mulf %get3A_831, %get3A_98 : vector<16xf32>
        %get3A_833 = arith.index_cast %add3A_808 : i32 to index
        %get3A_834 = arith.constant 96 : index
        %get3A_835 = tpu.vector_load %arg10[%get3A_833, %get3A_834] {strides = array<i32>} : memref<448x128xf32, #tpu.memory_space<vmem>>, vector<16xf32>,
        %mul3A_836 = arith.mulf %get3A_835, %get3A_101 : vector<16xf32>
        %get3A_837 = arith.index_cast %add3A_808 : i32 to index
        %get3A_838 = arith.constant 112 : index
        %get3A_839 = tpu.vector_load %arg10[%get3A_837, %get3A_838] {strides = array<i32>} : memref<448x128xf32, #tpu.memory_space<vmem>>, vector<16xf32>,
        %mul3A_840 = arith.mulf %get3A_839, %get3A_104 : vector<16xf32>
        %add3A_841 = arith.addf %mul3A_812, %mul3A_816 : vector<16xf32>
        %add3A_842 = arith.addf %mul3A_820, %mul3A_824 : vector<16xf32>
        %add3A_843 = arith.addf %add3A_841, %add3A_842 : vector<16xf32>
        %add3A_844 = arith.addf %mul3A_828, %mul3A_832 : vector<16xf32>
        %add3A_845 = arith.addf %mul3A_836, %mul3A_840 : vector<16xf32>
        %add3A_846 = arith.addf %add3A_844, %add3A_845 : vector<16xf32>
        %add3A_847 = arith.addf %add3A_843, %add3A_846 : vector<16xf32>
        %broadcast_in_dim3A_848 = arith.constant true
        %broadcast_in_dim3A_849 = vector.broadcast %broadcast_in_dim3A_848 : i1 to vector<16xi1>
        %masked_cumsum3A_850 = tpu.scan <sum>, %add3A_847 masked %broadcast_in_dim3A_849 : vector<16xf32>, vector<16xi1> -> vector<16xf32>
        %add3A_851 = arith.constant 12 : i32
        %add3A_852 = vector.broadcast %add3A_851 : i32 to vector<16xi32>
        %add3A_853 = arith.addi %broadcast_in_dim3A, %add3A_852 : vector<16xi32>
        tpu.vector_store_idx %arg11[%add3A_853], %masked_cumsum3A_850 masked %eq3A_10 : memref<224xf32, #tpu.memory_space<vmem>>[vector<16xi32>], vector<16xf32>, vector<16xi1>
        %mul3A_854 = arith.constant 16 : i32
        %mul3A_855 = arith.muli %scan3A_189, %mul3A_854 : i32
        %add3A_856 = arith.constant 0 : i32
        %add3A_857 = arith.addi %add3A_856, %mul3A_855 : i32
        %add3A_858 = arith.constant 13 : i32
        %add3A_859 = arith.addi %add3A_857, %add3A_858 : i32
        %get3A_860 = arith.index_cast %add3A_859 : i32 to index
        %get3A_861 = arith.constant 0 : index
        %get3A_862 = tpu.vector_load %arg10[%get3A_860, %get3A_861] {strides = array<i32>} : memref<448x128xf32, #tpu.memory_space<vmem>>, vector<16xf32>,
        %mul3A_863 = arith.mulf %get3A_862, %get3A_83 : vector<16xf32>
        %get3A_864 = arith.index_cast %add3A_859 : i32 to index
        %get3A_865 = arith.constant 16 : index
        %get3A_866 = tpu.vector_load %arg10[%get3A_864, %get3A_865] {strides = array<i32>} : memref<448x128xf32, #tpu.memory_space<vmem>>, vector<16xf32>,
        %mul3A_867 = arith.mulf %get3A_866, %get3A_86 : vector<16xf32>
        %get3A_868 = arith.index_cast %add3A_859 : i32 to index
        %get3A_869 = arith.constant 32 : index
        %get3A_870 = tpu.vector_load %arg10[%get3A_868, %get3A_869] {strides = array<i32>} : memref<448x128xf32, #tpu.memory_space<vmem>>, vector<16xf32>,
        %mul3A_871 = arith.mulf %get3A_870, %get3A_89 : vector<16xf32>
        %get3A_872 = arith.index_cast %add3A_859 : i32 to index
        %get3A_873 = arith.constant 48 : index
        %get3A_874 = tpu.vector_load %arg10[%get3A_872, %get3A_873] {strides = array<i32>} : memref<448x128xf32, #tpu.memory_space<vmem>>, vector<16xf32>,
        %mul3A_875 = arith.mulf %get3A_874, %get3A_92 : vector<16xf32>
        %get3A_876 = arith.index_cast %add3A_859 : i32 to index
        %get3A_877 = arith.constant 64 : index
        %get3A_878 = tpu.vector_load %arg10[%get3A_876, %get3A_877] {strides = array<i32>} : memref<448x128xf32, #tpu.memory_space<vmem>>, vector<16xf32>,
        %mul3A_879 = arith.mulf %get3A_878, %get3A_95 : vector<16xf32>
        %get3A_880 = arith.index_cast %add3A_859 : i32 to index
        %get3A_881 = arith.constant 80 : index
        %get3A_882 = tpu.vector_load %arg10[%get3A_880, %get3A_881] {strides = array<i32>} : memref<448x128xf32, #tpu.memory_space<vmem>>, vector<16xf32>,
        %mul3A_883 = arith.mulf %get3A_882, %get3A_98 : vector<16xf32>
        %get3A_884 = arith.index_cast %add3A_859 : i32 to index
        %get3A_885 = arith.constant 96 : index
        %get3A_886 = tpu.vector_load %arg10[%get3A_884, %get3A_885] {strides = array<i32>} : memref<448x128xf32, #tpu.memory_space<vmem>>, vector<16xf32>,
        %mul3A_887 = arith.mulf %get3A_886, %get3A_101 : vector<16xf32>
        %get3A_888 = arith.index_cast %add3A_859 : i32 to index
        %get3A_889 = arith.constant 112 : index
        %get3A_890 = tpu.vector_load %arg10[%get3A_888, %get3A_889] {strides = array<i32>} : memref<448x128xf32, #tpu.memory_space<vmem>>, vector<16xf32>,
        %mul3A_891 = arith.mulf %get3A_890, %get3A_104 : vector<16xf32>
        %add3A_892 = arith.addf %mul3A_863, %mul3A_867 : vector<16xf32>
        %add3A_893 = arith.addf %mul3A_871, %mul3A_875 : vector<16xf32>
        %add3A_894 = arith.addf %add3A_892, %add3A_893 : vector<16xf32>
        %add3A_895 = arith.addf %mul3A_879, %mul3A_883 : vector<16xf32>
        %add3A_896 = arith.addf %mul3A_887, %mul3A_891 : vector<16xf32>
        %add3A_897 = arith.addf %add3A_895, %add3A_896 : vector<16xf32>
        %add3A_898 = arith.addf %add3A_894, %add3A_897 : vector<16xf32>
        %broadcast_in_dim3A_899 = arith.constant true
        %broadcast_in_dim3A_900 = vector.broadcast %broadcast_in_dim3A_899 : i1 to vector<16xi1>
        %masked_cumsum3A_901 = tpu.scan <sum>, %add3A_898 masked %broadcast_in_dim3A_900 : vector<16xf32>, vector<16xi1> -> vector<16xf32>
        %add3A_902 = arith.constant 13 : i32
        %add3A_903 = vector.broadcast %add3A_902 : i32 to vector<16xi32>
        %add3A_904 = arith.addi %broadcast_in_dim3A, %add3A_903 : vector<16xi32>
        tpu.vector_store_idx %arg11[%add3A_904], %masked_cumsum3A_901 masked %eq3A_10 : memref<224xf32, #tpu.memory_space<vmem>>[vector<16xi32>], vector<16xf32>, vector<16xi1>
        %mul3A_905 = arith.constant 16 : i32
        %mul3A_906 = arith.muli %scan3A_189, %mul3A_905 : i32
        %add3A_907 = arith.constant 0 : i32
        %add3A_908 = arith.addi %add3A_907, %mul3A_906 : i32
        %add3A_909 = arith.constant 14 : i32
        %add3A_910 = arith.addi %add3A_908, %add3A_909 : i32
        %get3A_911 = arith.index_cast %add3A_910 : i32 to index
        %get3A_912 = arith.constant 0 : index
        %get3A_913 = tpu.vector_load %arg10[%get3A_911, %get3A_912] {strides = array<i32>} : memref<448x128xf32, #tpu.memory_space<vmem>>, vector<16xf32>,
        %mul3A_914 = arith.mulf %get3A_913, %get3A_83 : vector<16xf32>
        %get3A_915 = arith.index_cast %add3A_910 : i32 to index
        %get3A_916 = arith.constant 16 : index
        %get3A_917 = tpu.vector_load %arg10[%get3A_915, %get3A_916] {strides = array<i32>} : memref<448x128xf32, #tpu.memory_space<vmem>>, vector<16xf32>,
        %mul3A_918 = arith.mulf %get3A_917, %get3A_86 : vector<16xf32>
        %get3A_919 = arith.index_cast %add3A_910 : i32 to index
        %get3A_920 = arith.constant 32 : index
        %get3A_921 = tpu.vector_load %arg10[%get3A_919, %get3A_920] {strides = array<i32>} : memref<448x128xf32, #tpu.memory_space<vmem>>, vector<16xf32>,
        %mul3A_922 = arith.mulf %get3A_921, %get3A_89 : vector<16xf32>
        %get3A_923 = arith.index_cast %add3A_910 : i32 to index
        %get3A_924 = arith.constant 48 : index
        %get3A_925 = tpu.vector_load %arg10[%get3A_923, %get3A_924] {strides = array<i32>} : memref<448x128xf32, #tpu.memory_space<vmem>>, vector<16xf32>,
        %mul3A_926 = arith.mulf %get3A_925, %get3A_92 : vector<16xf32>
        %get3A_927 = arith.index_cast %add3A_910 : i32 to index
        %get3A_928 = arith.constant 64 : index
        %get3A_929 = tpu.vector_load %arg10[%get3A_927, %get3A_928] {strides = array<i32>} : memref<448x128xf32, #tpu.memory_space<vmem>>, vector<16xf32>,
        %mul3A_930 = arith.mulf %get3A_929, %get3A_95 : vector<16xf32>
        %get3A_931 = arith.index_cast %add3A_910 : i32 to index
        %get3A_932 = arith.constant 80 : index
        %get3A_933 = tpu.vector_load %arg10[%get3A_931, %get3A_932] {strides = array<i32>} : memref<448x128xf32, #tpu.memory_space<vmem>>, vector<16xf32>,
        %mul3A_934 = arith.mulf %get3A_933, %get3A_98 : vector<16xf32>
        %get3A_935 = arith.index_cast %add3A_910 : i32 to index
        %get3A_936 = arith.constant 96 : index
        %get3A_937 = tpu.vector_load %arg10[%get3A_935, %get3A_936] {strides = array<i32>} : memref<448x128xf32, #tpu.memory_space<vmem>>, vector<16xf32>,
        %mul3A_938 = arith.mulf %get3A_937, %get3A_101 : vector<16xf32>
        %get3A_939 = arith.index_cast %add3A_910 : i32 to index
        %get3A_940 = arith.constant 112 : index
        %get3A_941 = tpu.vector_load %arg10[%get3A_939, %get3A_940] {strides = array<i32>} : memref<448x128xf32, #tpu.memory_space<vmem>>, vector<16xf32>,
        %mul3A_942 = arith.mulf %get3A_941, %get3A_104 : vector<16xf32>
        %add3A_943 = arith.addf %mul3A_914, %mul3A_918 : vector<16xf32>
        %add3A_944 = arith.addf %mul3A_922, %mul3A_926 : vector<16xf32>
        %add3A_945 = arith.addf %add3A_943, %add3A_944 : vector<16xf32>
        %add3A_946 = arith.addf %mul3A_930, %mul3A_934 : vector<16xf32>
        %add3A_947 = arith.addf %mul3A_938, %mul3A_942 : vector<16xf32>
        %add3A_948 = arith.addf %add3A_946, %add3A_947 : vector<16xf32>
        %add3A_949 = arith.addf %add3A_945, %add3A_948 : vector<16xf32>
        %broadcast_in_dim3A_950 = arith.constant true
        %broadcast_in_dim3A_951 = vector.broadcast %broadcast_in_dim3A_950 : i1 to vector<16xi1>
        %masked_cumsum3A_952 = tpu.scan <sum>, %add3A_949 masked %broadcast_in_dim3A_951 : vector<16xf32>, vector<16xi1> -> vector<16xf32>
        %add3A_953 = arith.constant 14 : i32
        %add3A_954 = vector.broadcast %add3A_953 : i32 to vector<16xi32>
        %add3A_955 = arith.addi %broadcast_in_dim3A, %add3A_954 : vector<16xi32>
        tpu.vector_store_idx %arg11[%add3A_955], %masked_cumsum3A_952 masked %eq3A_10 : memref<224xf32, #tpu.memory_space<vmem>>[vector<16xi32>], vector<16xf32>, vector<16xi1>
        %mul3A_956 = arith.constant 16 : i32
        %mul3A_957 = arith.muli %scan3A_189, %mul3A_956 : i32
        %add3A_958 = arith.constant 0 : i32
        %add3A_959 = arith.addi %add3A_958, %mul3A_957 : i32
        %add3A_960 = arith.constant 15 : i32
        %add3A_961 = arith.addi %add3A_959, %add3A_960 : i32
        %get3A_962 = arith.index_cast %add3A_961 : i32 to index
        %get3A_963 = arith.constant 0 : index
        %get3A_964 = tpu.vector_load %arg10[%get3A_962, %get3A_963] {strides = array<i32>} : memref<448x128xf32, #tpu.memory_space<vmem>>, vector<16xf32>,
        %mul3A_965 = arith.mulf %get3A_964, %get3A_83 : vector<16xf32>
        %get3A_966 = arith.index_cast %add3A_961 : i32 to index
        %get3A_967 = arith.constant 16 : index
        %get3A_968 = tpu.vector_load %arg10[%get3A_966, %get3A_967] {strides = array<i32>} : memref<448x128xf32, #tpu.memory_space<vmem>>, vector<16xf32>,
        %mul3A_969 = arith.mulf %get3A_968, %get3A_86 : vector<16xf32>
        %get3A_970 = arith.index_cast %add3A_961 : i32 to index
        %get3A_971 = arith.constant 32 : index
        %get3A_972 = tpu.vector_load %arg10[%get3A_970, %get3A_971] {strides = array<i32>} : memref<448x128xf32, #tpu.memory_space<vmem>>, vector<16xf32>,
        %mul3A_973 = arith.mulf %get3A_972, %get3A_89 : vector<16xf32>
        %get3A_974 = arith.index_cast %add3A_961 : i32 to index
        %get3A_975 = arith.constant 48 : index
        %get3A_976 = tpu.vector_load %arg10[%get3A_974, %get3A_975] {strides = array<i32>} : memref<448x128xf32, #tpu.memory_space<vmem>>, vector<16xf32>,
        %mul3A_977 = arith.mulf %get3A_976, %get3A_92 : vector<16xf32>
        %get3A_978 = arith.index_cast %add3A_961 : i32 to index
        %get3A_979 = arith.constant 64 : index
        %get3A_980 = tpu.vector_load %arg10[%get3A_978, %get3A_979] {strides = array<i32>} : memref<448x128xf32, #tpu.memory_space<vmem>>, vector<16xf32>,
        %mul3A_981 = arith.mulf %get3A_980, %get3A_95 : vector<16xf32>
        %get3A_982 = arith.index_cast %add3A_961 : i32 to index
        %get3A_983 = arith.constant 80 : index
        %get3A_984 = tpu.vector_load %arg10[%get3A_982, %get3A_983] {strides = array<i32>} : memref<448x128xf32, #tpu.memory_space<vmem>>, vector<16xf32>,
        %mul3A_985 = arith.mulf %get3A_984, %get3A_98 : vector<16xf32>
        %get3A_986 = arith.index_cast %add3A_961 : i32 to index
        %get3A_987 = arith.constant 96 : index
        %get3A_988 = tpu.vector_load %arg10[%get3A_986, %get3A_987] {strides = array<i32>} : memref<448x128xf32, #tpu.memory_space<vmem>>, vector<16xf32>,
        %mul3A_989 = arith.mulf %get3A_988, %get3A_101 : vector<16xf32>
        %get3A_990 = arith.index_cast %add3A_961 : i32 to index
        %get3A_991 = arith.constant 112 : index
        %get3A_992 = tpu.vector_load %arg10[%get3A_990, %get3A_991] {strides = array<i32>} : memref<448x128xf32, #tpu.memory_space<vmem>>, vector<16xf32>,
        %mul3A_993 = arith.mulf %get3A_992, %get3A_104 : vector<16xf32>
        %add3A_994 = arith.addf %mul3A_965, %mul3A_969 : vector<16xf32>
        %add3A_995 = arith.addf %mul3A_973, %mul3A_977 : vector<16xf32>
        %add3A_996 = arith.addf %add3A_994, %add3A_995 : vector<16xf32>
        %add3A_997 = arith.addf %mul3A_981, %mul3A_985 : vector<16xf32>
        %add3A_998 = arith.addf %mul3A_989, %mul3A_993 : vector<16xf32>
        %add3A_999 = arith.addf %add3A_997, %add3A_998 : vector<16xf32>
        %add3A_1000 = arith.addf %add3A_996, %add3A_999 : vector<16xf32>
        %broadcast_in_dim3A_1001 = arith.constant true
        %broadcast_in_dim3A_1002 = vector.broadcast %broadcast_in_dim3A_1001 : i1 to vector<16xi1>
        %masked_cumsum3A_1003 = tpu.scan <sum>, %add3A_1000 masked %broadcast_in_dim3A_1002 : vector<16xf32>, vector<16xi1> -> vector<16xf32>
        %add3A_1004 = arith.constant 15 : i32
        %add3A_1005 = vector.broadcast %add3A_1004 : i32 to vector<16xi32>
        %add3A_1006 = arith.addi %broadcast_in_dim3A, %add3A_1005 : vector<16xi32>
        tpu.vector_store_idx %arg11[%add3A_1006], %masked_cumsum3A_1003 masked %eq3A_10 : memref<224xf32, #tpu.memory_space<vmem>>[vector<16xi32>], vector<16xf32>, vector<16xi1>
      }
      %scan3A_110 = arith.constant 14 : i32
      %add3A_111 = arith.constant 2 : i32
      %add3A_112 = arith.addi %add3A_67, %add3A_111 : i32
      %lt3A = arith.constant 128 : i32
      %lt3A_113 = arith.cmpi slt, %add3A_112, %lt3A : i32
      %convert_element_type3A_114 = arith.extui %lt3A_113 : i1 to i32
      %cond3A_115 = arith.constant 0 : i32
      %cond3A_116 = arith.cmpi ne, %convert_element_type3A_114, %cond3A_115 : i32
      scf.if %cond3A_116 {
        %add3A_189 = arith.constant 2 : i32
        %add3A_190 = arith.addi %add3A_67, %add3A_189 : i32
        %mul3A_191 = arith.constant 224 : i32
        %mul3A_192 = arith.muli %add3A_190, %mul3A_191 : i32
        %multiple_of3A_193 = tpu.assume_multiple %mul3A_192, 8 : i32
        %dma_start3A_194 = arith.constant 0 : i32
        %dma_start3A_195 = arith.constant 0 : i32
        %dma_start3A_196 = tpu.memref_slice %arg10[%dma_start3A_194, %dma_start3A_195] : memref<448x128xf32, #tpu.memory_space<vmem>> -> memref<112x128xf32, #tpu.memory_space<vmem>>
        %dma_start3A_197 = tpu.memref_slice %arg9[%multiple_of3A_193] : memref<28672xi32, #tpu.memory_space<vmem>> -> memref<112xi32, #tpu.memory_space<vmem>>
        %dma_start3A_198 = arith.constant 0 : i32
        %dma_start3A_199 = arith.constant 0 : i32
        %dma_start3A_200 = tpu.memref_slice %arg5[%dma_start3A_198, %dma_start3A_199] : memref<100000x128xf32, #tpu.memory_space<hbm>> -> memref<100000x128xf32, #tpu.memory_space<hbm>>
        tpu.enqueue_indirect_dma source(%dma_start3A_200 : memref<100000x128xf32, #tpu.memory_space<hbm>>) target(%dma_start3A_196 : memref<112x128xf32, #tpu.memory_space<vmem>>) offsets(%dma_start3A_197 : memref<112xi32, #tpu.memory_space<vmem>>) semaphore(%arg13 : memref<!tpu.dma_semaphore, #tpu.memory_space<semaphore_mem>>)
        %add3A_201 = arith.constant 112 : i32
        %add3A_202 = arith.addi %multiple_of3A_193, %add3A_201 : i32
        %dma_start3A_203 = arith.constant 112 : i32
        %dma_start3A_204 = arith.constant 0 : i32
        %dma_start3A_205 = tpu.memref_slice %arg10[%dma_start3A_203, %dma_start3A_204] : memref<448x128xf32, #tpu.memory_space<vmem>> -> memref<112x128xf32, #tpu.memory_space<vmem>>
        %dma_start3A_206 = tpu.memref_slice %arg9[%add3A_202] : memref<28672xi32, #tpu.memory_space<vmem>> -> memref<112xi32, #tpu.memory_space<vmem>>
        %dma_start3A_207 = arith.constant 0 : i32
        %dma_start3A_208 = arith.constant 0 : i32
        %dma_start3A_209 = tpu.memref_slice %arg5[%dma_start3A_207, %dma_start3A_208] : memref<100000x128xf32, #tpu.memory_space<hbm>> -> memref<100000x128xf32, #tpu.memory_space<hbm>>
        tpu.enqueue_indirect_dma source(%dma_start3A_209 : memref<100000x128xf32, #tpu.memory_space<hbm>>) target(%dma_start3A_205 : memref<112x128xf32, #tpu.memory_space<vmem>>) offsets(%dma_start3A_206 : memref<112xi32, #tpu.memory_space<vmem>>) semaphore(%arg13 : memref<!tpu.dma_semaphore, #tpu.memory_space<semaphore_mem>>)
      } else {
      }
      %add3A_117 = arith.addi %mul3A_2, %add3A_67 : i32
      %dma_start3A_118 = arith.constant 0 : i32
      %dma_start3A_119 = tpu.memref_slice %arg6[%add3A_117, %dma_start3A_118] : memref<4096x224xf32, #tpu.memory_space<hbm>> -> memref<1x224xf32, #tpu.memory_space<hbm>>
      %dma_start3A_120 = tpu.memref_squeeze %dma_start3A_119 : memref<1x224xf32, #tpu.memory_space<hbm>> -> memref<224xf32, #tpu.memory_space<hbm>>
      %dma_start3A_121 = arith.constant 0 : i32
      %dma_start3A_122 = tpu.memref_slice %arg6[%add3A_117, %dma_start3A_121] : memref<4096x224xf32, #tpu.memory_space<hbm>> -> memref<1x224xf32, #tpu.memory_space<hbm>>
      %dma_start3A_123 = tpu.memref_squeeze %dma_start3A_122 : memref<1x224xf32, #tpu.memory_space<hbm>> -> memref<224xf32, #tpu.memory_space<hbm>>
      tpu.enqueue_dma source(%arg11 : memref<224xf32, #tpu.memory_space<vmem>>) target(%dma_start3A_123 : memref<224xf32, #tpu.memory_space<hbm>>) target_semaphore(%arg15 : memref<!tpu.dma_semaphore, #tpu.memory_space<semaphore_mem>>)
      %mul3A_124 = arith.constant 2 : i32
      %mul3A_125 = arith.muli %mul3A_124, %scan3A_63 : i32
      %add3A_126 = arith.constant 1 : i32
      %add3A_127 = arith.addi %mul3A_125, %add3A_126 : i32
      %dma_wait3A_128 = arith.constant 224 : i32
      %dma_wait3A_129 = arith.constant 0 : i32
      %dma_wait3A_130 = tpu.memref_slice %arg10[%dma_wait3A_128, %dma_wait3A_129] : memref<448x128xf32, #tpu.memory_space<vmem>> -> memref<224x128xf32, #tpu.memory_space<vmem>>
      %dma_wait3A_131 = arith.constant 0 : i32
      %dma_wait3A_132 = arith.constant 0 : i32
      %dma_wait3A_133 = tpu.memref_slice %arg5[%dma_wait3A_131, %dma_wait3A_132] : memref<100000x128xf32, #tpu.memory_space<hbm>> -> memref<224x128xf32, #tpu.memory_space<hbm>>
      %dma_wait3A_134 = arith.constant 224 : i32
      %dma_wait3A_135 = arith.constant 0 : i32
      %dma_wait3A_136 = tpu.memref_slice %arg10[%dma_wait3A_134, %dma_wait3A_135] : memref<448x128xf32, #tpu.memory_space<vmem>> -> memref<224x128xf32, #tpu.memory_space<vmem>>
      %dma_wait3A_137 = arith.constant 0 : i32
      %dma_wait3A_138 = arith.constant 0 : i32
      %dma_wait3A_139 = tpu.memref_slice %arg5[%dma_wait3A_137, %dma_wait3A_138] : memref<100000x128xf32, #tpu.memory_space<hbm>> -> memref<224x128xf32, #tpu.memory_space<hbm>>
      tpu.wait_dma2 semaphore(%arg14 : memref<!tpu.dma_semaphore, #tpu.memory_space<semaphore_mem>>) src(%dma_wait3A_139 : memref<224x128xf32, #tpu.memory_space<hbm>>) dst(%dma_wait3A_136 : memref<224x128xf32, #tpu.memory_space<vmem>>)
      %gt3A_140 = arith.constant 0 : i32
      %gt3A_141 = arith.cmpi sgt, %scan3A_63, %gt3A_140 : i32
      %convert_element_type3A_142 = arith.extui %gt3A_141 : i1 to i32
      %cond3A_143 = arith.constant 0 : i32
      %cond3A_144 = arith.cmpi ne, %convert_element_type3A_142, %cond3A_143 : i32
      scf.if %cond3A_144 {
        %dma_wait3A_189 = arith.constant 0 : i32
        %dma_wait3A_190 = tpu.memref_slice %arg6[%mul3A_2, %dma_wait3A_189] : memref<4096x224xf32, #tpu.memory_space<hbm>> -> memref<1x224xf32, #tpu.memory_space<hbm>>
        %dma_wait3A_191 = tpu.memref_squeeze %dma_wait3A_190 : memref<1x224xf32, #tpu.memory_space<hbm>> -> memref<224xf32, #tpu.memory_space<hbm>>
        %dma_wait3A_192 = arith.constant 0 : i32
        %dma_wait3A_193 = tpu.memref_slice %arg6[%mul3A_2, %dma_wait3A_192] : memref<4096x224xf32, #tpu.memory_space<hbm>> -> memref<1x224xf32, #tpu.memory_space<hbm>>
        %dma_wait3A_194 = tpu.memref_squeeze %dma_wait3A_193 : memref<1x224xf32, #tpu.memory_space<hbm>> -> memref<224xf32, #tpu.memory_space<hbm>>
        tpu.wait_dma2 semaphore(%arg16 : memref<!tpu.dma_semaphore, #tpu.memory_space<semaphore_mem>>) src(%arg12 : memref<224xf32, #tpu.memory_space<vmem>>) dst(%dma_wait3A_194 : memref<224xf32, #tpu.memory_space<hbm>>)
      } else {
      }
      %get3A_145 = arith.index_cast %add3A_127 : i32 to index
      %get3A_146 = arith.constant 0 : index
      %get3A_147 = tpu.vector_load %arg8[%get3A_145, %get3A_146] {strides = array<i32>} : memref<128x128xf32, #tpu.memory_space<vmem>>, vector<16xf32>,
      %get3A_148 = arith.index_cast %add3A_127 : i32 to index
      %get3A_149 = arith.constant 16 : index
      %get3A_150 = tpu.vector_load %arg8[%get3A_148, %get3A_149] {strides = array<i32>} : memref<128x128xf32, #tpu.memory_space<vmem>>, vector<16xf32>,
      %get3A_151 = arith.index_cast %add3A_127 : i32 to index
      %get3A_152 = arith.constant 32 : index
      %get3A_153 = tpu.vector_load %arg8[%get3A_151, %get3A_152] {strides = array<i32>} : memref<128x128xf32, #tpu.memory_space<vmem>>, vector<16xf32>,
      %get3A_154 = arith.index_cast %add3A_127 : i32 to index
      %get3A_155 = arith.constant 48 : index
      %get3A_156 = tpu.vector_load %arg8[%get3A_154, %get3A_155] {strides = array<i32>} : memref<128x128xf32, #tpu.memory_space<vmem>>, vector<16xf32>,
      %get3A_157 = arith.index_cast %add3A_127 : i32 to index
      %get3A_158 = arith.constant 64 : index
      %get3A_159 = tpu.vector_load %arg8[%get3A_157, %get3A_158] {strides = array<i32>} : memref<128x128xf32, #tpu.memory_space<vmem>>, vector<16xf32>,
      %get3A_160 = arith.index_cast %add3A_127 : i32 to index
      %get3A_161 = arith.constant 80 : index
      %get3A_162 = tpu.vector_load %arg8[%get3A_160, %get3A_161] {strides = array<i32>} : memref<128x128xf32, #tpu.memory_space<vmem>>, vector<16xf32>,
      %get3A_163 = arith.index_cast %add3A_127 : i32 to index
      %get3A_164 = arith.constant 96 : index
      %get3A_165 = tpu.vector_load %arg8[%get3A_163, %get3A_164] {strides = array<i32>} : memref<128x128xf32, #tpu.memory_space<vmem>>, vector<16xf32>,
      %get3A_166 = arith.index_cast %add3A_127 : i32 to index
      %get3A_167 = arith.constant 112 : index
      %get3A_168 = tpu.vector_load %arg8[%get3A_166, %get3A_167] {strides = array<i32>} : memref<128x128xf32, #tpu.memory_space<vmem>>, vector<16xf32>,
      %scan3A_169 = arith.constant 0 : i32
      %scan3A_170 = arith.constant 0 : i32
      %scan3A_171 = arith.constant 14 : i32
      %scan3A_172 = arith.addi %scan3A_170, %scan3A_171 : i32
      %scan3A_173 = arith.constant 1 : i32
      scf.for %scan3A_189 = %scan3A_170 to %scan3A_172 step %scan3A_173  : i32 {
        %mul3A_190 = arith.constant 16 : i32
        %mul3A_191 = arith.muli %scan3A_189, %mul3A_190 : i32
        %broadcast_in_dim3A = vector.broadcast %mul3A_191 : i32 to vector<16xi32>
        %mul3A_192 = arith.constant 16 : i32
        %mul3A_193 = arith.muli %scan3A_189, %mul3A_192 : i32
        %add3A_194 = arith.constant 224 : i32
        %add3A_195 = arith.addi %add3A_194, %mul3A_193 : i32
        %add3A_196 = arith.constant 0 : i32
        %add3A_197 = arith.addi %add3A_195, %add3A_196 : i32
        %get3A_198 = arith.index_cast %add3A_197 : i32 to index
        %get3A_199 = arith.constant 0 : index
        %get3A_200 = tpu.vector_load %arg10[%get3A_198, %get3A_199] {strides = array<i32>} : memref<448x128xf32, #tpu.memory_space<vmem>>, vector<16xf32>,
        %mul3A_201 = arith.mulf %get3A_200, %get3A_147 : vector<16xf32>
        %get3A_202 = arith.index_cast %add3A_197 : i32 to index
        %get3A_203 = arith.constant 16 : index
        %get3A_204 = tpu.vector_load %arg10[%get3A_202, %get3A_203] {strides = array<i32>} : memref<448x128xf32, #tpu.memory_space<vmem>>, vector<16xf32>,
        %mul3A_205 = arith.mulf %get3A_204, %get3A_150 : vector<16xf32>
        %get3A_206 = arith.index_cast %add3A_197 : i32 to index
        %get3A_207 = arith.constant 32 : index
        %get3A_208 = tpu.vector_load %arg10[%get3A_206, %get3A_207] {strides = array<i32>} : memref<448x128xf32, #tpu.memory_space<vmem>>, vector<16xf32>,
        %mul3A_209 = arith.mulf %get3A_208, %get3A_153 : vector<16xf32>
        %get3A_210 = arith.index_cast %add3A_197 : i32 to index
        %get3A_211 = arith.constant 48 : index
        %get3A_212 = tpu.vector_load %arg10[%get3A_210, %get3A_211] {strides = array<i32>} : memref<448x128xf32, #tpu.memory_space<vmem>>, vector<16xf32>,
        %mul3A_213 = arith.mulf %get3A_212, %get3A_156 : vector<16xf32>
        %get3A_214 = arith.index_cast %add3A_197 : i32 to index
        %get3A_215 = arith.constant 64 : index
        %get3A_216 = tpu.vector_load %arg10[%get3A_214, %get3A_215] {strides = array<i32>} : memref<448x128xf32, #tpu.memory_space<vmem>>, vector<16xf32>,
        %mul3A_217 = arith.mulf %get3A_216, %get3A_159 : vector<16xf32>
        %get3A_218 = arith.index_cast %add3A_197 : i32 to index
        %get3A_219 = arith.constant 80 : index
        %get3A_220 = tpu.vector_load %arg10[%get3A_218, %get3A_219] {strides = array<i32>} : memref<448x128xf32, #tpu.memory_space<vmem>>, vector<16xf32>,
        %mul3A_221 = arith.mulf %get3A_220, %get3A_162 : vector<16xf32>
        %get3A_222 = arith.index_cast %add3A_197 : i32 to index
        %get3A_223 = arith.constant 96 : index
        %get3A_224 = tpu.vector_load %arg10[%get3A_222, %get3A_223] {strides = array<i32>} : memref<448x128xf32, #tpu.memory_space<vmem>>, vector<16xf32>,
        %mul3A_225 = arith.mulf %get3A_224, %get3A_165 : vector<16xf32>
        %get3A_226 = arith.index_cast %add3A_197 : i32 to index
        %get3A_227 = arith.constant 112 : index
        %get3A_228 = tpu.vector_load %arg10[%get3A_226, %get3A_227] {strides = array<i32>} : memref<448x128xf32, #tpu.memory_space<vmem>>, vector<16xf32>,
        %mul3A_229 = arith.mulf %get3A_228, %get3A_168 : vector<16xf32>
        %add3A_230 = arith.addf %mul3A_201, %mul3A_205 : vector<16xf32>
        %add3A_231 = arith.addf %mul3A_209, %mul3A_213 : vector<16xf32>
        %add3A_232 = arith.addf %add3A_230, %add3A_231 : vector<16xf32>
        %add3A_233 = arith.addf %mul3A_217, %mul3A_221 : vector<16xf32>
        %add3A_234 = arith.addf %mul3A_225, %mul3A_229 : vector<16xf32>
        %add3A_235 = arith.addf %add3A_233, %add3A_234 : vector<16xf32>
        %add3A_236 = arith.addf %add3A_232, %add3A_235 : vector<16xf32>
        %broadcast_in_dim3A_237 = arith.constant true
        %broadcast_in_dim3A_238 = vector.broadcast %broadcast_in_dim3A_237 : i1 to vector<16xi1>
        %masked_cumsum3A = tpu.scan <sum>, %add3A_236 masked %broadcast_in_dim3A_238 : vector<16xf32>, vector<16xi1> -> vector<16xf32>
        %add3A_239 = arith.constant 0 : i32
        %add3A_240 = vector.broadcast %add3A_239 : i32 to vector<16xi32>
        %add3A_241 = arith.addi %broadcast_in_dim3A, %add3A_240 : vector<16xi32>
        tpu.vector_store_idx %arg12[%add3A_241], %masked_cumsum3A masked %eq3A_10 : memref<224xf32, #tpu.memory_space<vmem>>[vector<16xi32>], vector<16xf32>, vector<16xi1>
        %mul3A_242 = arith.constant 16 : i32
        %mul3A_243 = arith.muli %scan3A_189, %mul3A_242 : i32
        %add3A_244 = arith.constant 224 : i32
        %add3A_245 = arith.addi %add3A_244, %mul3A_243 : i32
        %add3A_246 = arith.constant 1 : i32
        %add3A_247 = arith.addi %add3A_245, %add3A_246 : i32
        %get3A_248 = arith.index_cast %add3A_247 : i32 to index
        %get3A_249 = arith.constant 0 : index
        %get3A_250 = tpu.vector_load %arg10[%get3A_248, %get3A_249] {strides = array<i32>} : memref<448x128xf32, #tpu.memory_space<vmem>>, vector<16xf32>,
        %mul3A_251 = arith.mulf %get3A_250, %get3A_147 : vector<16xf32>
        %get3A_252 = arith.index_cast %add3A_247 : i32 to index
        %get3A_253 = arith.constant 16 : index
        %get3A_254 = tpu.vector_load %arg10[%get3A_252, %get3A_253] {strides = array<i32>} : memref<448x128xf32, #tpu.memory_space<vmem>>, vector<16xf32>,
        %mul3A_255 = arith.mulf %get3A_254, %get3A_150 : vector<16xf32>
        %get3A_256 = arith.index_cast %add3A_247 : i32 to index
        %get3A_257 = arith.constant 32 : index
        %get3A_258 = tpu.vector_load %arg10[%get3A_256, %get3A_257] {strides = array<i32>} : memref<448x128xf32, #tpu.memory_space<vmem>>, vector<16xf32>,
        %mul3A_259 = arith.mulf %get3A_258, %get3A_153 : vector<16xf32>
        %get3A_260 = arith.index_cast %add3A_247 : i32 to index
        %get3A_261 = arith.constant 48 : index
        %get3A_262 = tpu.vector_load %arg10[%get3A_260, %get3A_261] {strides = array<i32>} : memref<448x128xf32, #tpu.memory_space<vmem>>, vector<16xf32>,
        %mul3A_263 = arith.mulf %get3A_262, %get3A_156 : vector<16xf32>
        %get3A_264 = arith.index_cast %add3A_247 : i32 to index
        %get3A_265 = arith.constant 64 : index
        %get3A_266 = tpu.vector_load %arg10[%get3A_264, %get3A_265] {strides = array<i32>} : memref<448x128xf32, #tpu.memory_space<vmem>>, vector<16xf32>,
        %mul3A_267 = arith.mulf %get3A_266, %get3A_159 : vector<16xf32>
        %get3A_268 = arith.index_cast %add3A_247 : i32 to index
        %get3A_269 = arith.constant 80 : index
        %get3A_270 = tpu.vector_load %arg10[%get3A_268, %get3A_269] {strides = array<i32>} : memref<448x128xf32, #tpu.memory_space<vmem>>, vector<16xf32>,
        %mul3A_271 = arith.mulf %get3A_270, %get3A_162 : vector<16xf32>
        %get3A_272 = arith.index_cast %add3A_247 : i32 to index
        %get3A_273 = arith.constant 96 : index
        %get3A_274 = tpu.vector_load %arg10[%get3A_272, %get3A_273] {strides = array<i32>} : memref<448x128xf32, #tpu.memory_space<vmem>>, vector<16xf32>,
        %mul3A_275 = arith.mulf %get3A_274, %get3A_165 : vector<16xf32>
        %get3A_276 = arith.index_cast %add3A_247 : i32 to index
        %get3A_277 = arith.constant 112 : index
        %get3A_278 = tpu.vector_load %arg10[%get3A_276, %get3A_277] {strides = array<i32>} : memref<448x128xf32, #tpu.memory_space<vmem>>, vector<16xf32>,
        %mul3A_279 = arith.mulf %get3A_278, %get3A_168 : vector<16xf32>
        %add3A_280 = arith.addf %mul3A_251, %mul3A_255 : vector<16xf32>
        %add3A_281 = arith.addf %mul3A_259, %mul3A_263 : vector<16xf32>
        %add3A_282 = arith.addf %add3A_280, %add3A_281 : vector<16xf32>
        %add3A_283 = arith.addf %mul3A_267, %mul3A_271 : vector<16xf32>
        %add3A_284 = arith.addf %mul3A_275, %mul3A_279 : vector<16xf32>
        %add3A_285 = arith.addf %add3A_283, %add3A_284 : vector<16xf32>
        %add3A_286 = arith.addf %add3A_282, %add3A_285 : vector<16xf32>
        %broadcast_in_dim3A_287 = arith.constant true
        %broadcast_in_dim3A_288 = vector.broadcast %broadcast_in_dim3A_287 : i1 to vector<16xi1>
        %masked_cumsum3A_289 = tpu.scan <sum>, %add3A_286 masked %broadcast_in_dim3A_288 : vector<16xf32>, vector<16xi1> -> vector<16xf32>
        %add3A_290 = arith.constant 1 : i32
        %add3A_291 = vector.broadcast %add3A_290 : i32 to vector<16xi32>
        %add3A_292 = arith.addi %broadcast_in_dim3A, %add3A_291 : vector<16xi32>
        tpu.vector_store_idx %arg12[%add3A_292], %masked_cumsum3A_289 masked %eq3A_10 : memref<224xf32, #tpu.memory_space<vmem>>[vector<16xi32>], vector<16xf32>, vector<16xi1>
        %mul3A_293 = arith.constant 16 : i32
        %mul3A_294 = arith.muli %scan3A_189, %mul3A_293 : i32
        %add3A_295 = arith.constant 224 : i32
        %add3A_296 = arith.addi %add3A_295, %mul3A_294 : i32
        %add3A_297 = arith.constant 2 : i32
        %add3A_298 = arith.addi %add3A_296, %add3A_297 : i32
        %get3A_299 = arith.index_cast %add3A_298 : i32 to index
        %get3A_300 = arith.constant 0 : index
        %get3A_301 = tpu.vector_load %arg10[%get3A_299, %get3A_300] {strides = array<i32>} : memref<448x128xf32, #tpu.memory_space<vmem>>, vector<16xf32>,
        %mul3A_302 = arith.mulf %get3A_301, %get3A_147 : vector<16xf32>
        %get3A_303 = arith.index_cast %add3A_298 : i32 to index
        %get3A_304 = arith.constant 16 : index
        %get3A_305 = tpu.vector_load %arg10[%get3A_303, %get3A_304] {strides = array<i32>} : memref<448x128xf32, #tpu.memory_space<vmem>>, vector<16xf32>,
        %mul3A_306 = arith.mulf %get3A_305, %get3A_150 : vector<16xf32>
        %get3A_307 = arith.index_cast %add3A_298 : i32 to index
        %get3A_308 = arith.constant 32 : index
        %get3A_309 = tpu.vector_load %arg10[%get3A_307, %get3A_308] {strides = array<i32>} : memref<448x128xf32, #tpu.memory_space<vmem>>, vector<16xf32>,
        %mul3A_310 = arith.mulf %get3A_309, %get3A_153 : vector<16xf32>
        %get3A_311 = arith.index_cast %add3A_298 : i32 to index
        %get3A_312 = arith.constant 48 : index
        %get3A_313 = tpu.vector_load %arg10[%get3A_311, %get3A_312] {strides = array<i32>} : memref<448x128xf32, #tpu.memory_space<vmem>>, vector<16xf32>,
        %mul3A_314 = arith.mulf %get3A_313, %get3A_156 : vector<16xf32>
        %get3A_315 = arith.index_cast %add3A_298 : i32 to index
        %get3A_316 = arith.constant 64 : index
        %get3A_317 = tpu.vector_load %arg10[%get3A_315, %get3A_316] {strides = array<i32>} : memref<448x128xf32, #tpu.memory_space<vmem>>, vector<16xf32>,
        %mul3A_318 = arith.mulf %get3A_317, %get3A_159 : vector<16xf32>
        %get3A_319 = arith.index_cast %add3A_298 : i32 to index
        %get3A_320 = arith.constant 80 : index
        %get3A_321 = tpu.vector_load %arg10[%get3A_319, %get3A_320] {strides = array<i32>} : memref<448x128xf32, #tpu.memory_space<vmem>>, vector<16xf32>,
        %mul3A_322 = arith.mulf %get3A_321, %get3A_162 : vector<16xf32>
        %get3A_323 = arith.index_cast %add3A_298 : i32 to index
        %get3A_324 = arith.constant 96 : index
        %get3A_325 = tpu.vector_load %arg10[%get3A_323, %get3A_324] {strides = array<i32>} : memref<448x128xf32, #tpu.memory_space<vmem>>, vector<16xf32>,
        %mul3A_326 = arith.mulf %get3A_325, %get3A_165 : vector<16xf32>
        %get3A_327 = arith.index_cast %add3A_298 : i32 to index
        %get3A_328 = arith.constant 112 : index
        %get3A_329 = tpu.vector_load %arg10[%get3A_327, %get3A_328] {strides = array<i32>} : memref<448x128xf32, #tpu.memory_space<vmem>>, vector<16xf32>,
        %mul3A_330 = arith.mulf %get3A_329, %get3A_168 : vector<16xf32>
        %add3A_331 = arith.addf %mul3A_302, %mul3A_306 : vector<16xf32>
        %add3A_332 = arith.addf %mul3A_310, %mul3A_314 : vector<16xf32>
        %add3A_333 = arith.addf %add3A_331, %add3A_332 : vector<16xf32>
        %add3A_334 = arith.addf %mul3A_318, %mul3A_322 : vector<16xf32>
        %add3A_335 = arith.addf %mul3A_326, %mul3A_330 : vector<16xf32>
        %add3A_336 = arith.addf %add3A_334, %add3A_335 : vector<16xf32>
        %add3A_337 = arith.addf %add3A_333, %add3A_336 : vector<16xf32>
        %broadcast_in_dim3A_338 = arith.constant true
        %broadcast_in_dim3A_339 = vector.broadcast %broadcast_in_dim3A_338 : i1 to vector<16xi1>
        %masked_cumsum3A_340 = tpu.scan <sum>, %add3A_337 masked %broadcast_in_dim3A_339 : vector<16xf32>, vector<16xi1> -> vector<16xf32>
        %add3A_341 = arith.constant 2 : i32
        %add3A_342 = vector.broadcast %add3A_341 : i32 to vector<16xi32>
        %add3A_343 = arith.addi %broadcast_in_dim3A, %add3A_342 : vector<16xi32>
        tpu.vector_store_idx %arg12[%add3A_343], %masked_cumsum3A_340 masked %eq3A_10 : memref<224xf32, #tpu.memory_space<vmem>>[vector<16xi32>], vector<16xf32>, vector<16xi1>
        %mul3A_344 = arith.constant 16 : i32
        %mul3A_345 = arith.muli %scan3A_189, %mul3A_344 : i32
        %add3A_346 = arith.constant 224 : i32
        %add3A_347 = arith.addi %add3A_346, %mul3A_345 : i32
        %add3A_348 = arith.constant 3 : i32
        %add3A_349 = arith.addi %add3A_347, %add3A_348 : i32
        %get3A_350 = arith.index_cast %add3A_349 : i32 to index
        %get3A_351 = arith.constant 0 : index
        %get3A_352 = tpu.vector_load %arg10[%get3A_350, %get3A_351] {strides = array<i32>} : memref<448x128xf32, #tpu.memory_space<vmem>>, vector<16xf32>,
        %mul3A_353 = arith.mulf %get3A_352, %get3A_147 : vector<16xf32>
        %get3A_354 = arith.index_cast %add3A_349 : i32 to index
        %get3A_355 = arith.constant 16 : index
        %get3A_356 = tpu.vector_load %arg10[%get3A_354, %get3A_355] {strides = array<i32>} : memref<448x128xf32, #tpu.memory_space<vmem>>, vector<16xf32>,
        %mul3A_357 = arith.mulf %get3A_356, %get3A_150 : vector<16xf32>
        %get3A_358 = arith.index_cast %add3A_349 : i32 to index
        %get3A_359 = arith.constant 32 : index
        %get3A_360 = tpu.vector_load %arg10[%get3A_358, %get3A_359] {strides = array<i32>} : memref<448x128xf32, #tpu.memory_space<vmem>>, vector<16xf32>,
        %mul3A_361 = arith.mulf %get3A_360, %get3A_153 : vector<16xf32>
        %get3A_362 = arith.index_cast %add3A_349 : i32 to index
        %get3A_363 = arith.constant 48 : index
        %get3A_364 = tpu.vector_load %arg10[%get3A_362, %get3A_363] {strides = array<i32>} : memref<448x128xf32, #tpu.memory_space<vmem>>, vector<16xf32>,
        %mul3A_365 = arith.mulf %get3A_364, %get3A_156 : vector<16xf32>
        %get3A_366 = arith.index_cast %add3A_349 : i32 to index
        %get3A_367 = arith.constant 64 : index
        %get3A_368 = tpu.vector_load %arg10[%get3A_366, %get3A_367] {strides = array<i32>} : memref<448x128xf32, #tpu.memory_space<vmem>>, vector<16xf32>,
        %mul3A_369 = arith.mulf %get3A_368, %get3A_159 : vector<16xf32>
        %get3A_370 = arith.index_cast %add3A_349 : i32 to index
        %get3A_371 = arith.constant 80 : index
        %get3A_372 = tpu.vector_load %arg10[%get3A_370, %get3A_371] {strides = array<i32>} : memref<448x128xf32, #tpu.memory_space<vmem>>, vector<16xf32>,
        %mul3A_373 = arith.mulf %get3A_372, %get3A_162 : vector<16xf32>
        %get3A_374 = arith.index_cast %add3A_349 : i32 to index
        %get3A_375 = arith.constant 96 : index
        %get3A_376 = tpu.vector_load %arg10[%get3A_374, %get3A_375] {strides = array<i32>} : memref<448x128xf32, #tpu.memory_space<vmem>>, vector<16xf32>,
        %mul3A_377 = arith.mulf %get3A_376, %get3A_165 : vector<16xf32>
        %get3A_378 = arith.index_cast %add3A_349 : i32 to index
        %get3A_379 = arith.constant 112 : index
        %get3A_380 = tpu.vector_load %arg10[%get3A_378, %get3A_379] {strides = array<i32>} : memref<448x128xf32, #tpu.memory_space<vmem>>, vector<16xf32>,
        %mul3A_381 = arith.mulf %get3A_380, %get3A_168 : vector<16xf32>
        %add3A_382 = arith.addf %mul3A_353, %mul3A_357 : vector<16xf32>
        %add3A_383 = arith.addf %mul3A_361, %mul3A_365 : vector<16xf32>
        %add3A_384 = arith.addf %add3A_382, %add3A_383 : vector<16xf32>
        %add3A_385 = arith.addf %mul3A_369, %mul3A_373 : vector<16xf32>
        %add3A_386 = arith.addf %mul3A_377, %mul3A_381 : vector<16xf32>
        %add3A_387 = arith.addf %add3A_385, %add3A_386 : vector<16xf32>
        %add3A_388 = arith.addf %add3A_384, %add3A_387 : vector<16xf32>
        %broadcast_in_dim3A_389 = arith.constant true
        %broadcast_in_dim3A_390 = vector.broadcast %broadcast_in_dim3A_389 : i1 to vector<16xi1>
        %masked_cumsum3A_391 = tpu.scan <sum>, %add3A_388 masked %broadcast_in_dim3A_390 : vector<16xf32>, vector<16xi1> -> vector<16xf32>
        %add3A_392 = arith.constant 3 : i32
        %add3A_393 = vector.broadcast %add3A_392 : i32 to vector<16xi32>
        %add3A_394 = arith.addi %broadcast_in_dim3A, %add3A_393 : vector<16xi32>
        tpu.vector_store_idx %arg12[%add3A_394], %masked_cumsum3A_391 masked %eq3A_10 : memref<224xf32, #tpu.memory_space<vmem>>[vector<16xi32>], vector<16xf32>, vector<16xi1>
        %mul3A_395 = arith.constant 16 : i32
        %mul3A_396 = arith.muli %scan3A_189, %mul3A_395 : i32
        %add3A_397 = arith.constant 224 : i32
        %add3A_398 = arith.addi %add3A_397, %mul3A_396 : i32
        %add3A_399 = arith.constant 4 : i32
        %add3A_400 = arith.addi %add3A_398, %add3A_399 : i32
        %get3A_401 = arith.index_cast %add3A_400 : i32 to index
        %get3A_402 = arith.constant 0 : index
        %get3A_403 = tpu.vector_load %arg10[%get3A_401, %get3A_402] {strides = array<i32>} : memref<448x128xf32, #tpu.memory_space<vmem>>, vector<16xf32>,
        %mul3A_404 = arith.mulf %get3A_403, %get3A_147 : vector<16xf32>
        %get3A_405 = arith.index_cast %add3A_400 : i32 to index
        %get3A_406 = arith.constant 16 : index
        %get3A_407 = tpu.vector_load %arg10[%get3A_405, %get3A_406] {strides = array<i32>} : memref<448x128xf32, #tpu.memory_space<vmem>>, vector<16xf32>,
        %mul3A_408 = arith.mulf %get3A_407, %get3A_150 : vector<16xf32>
        %get3A_409 = arith.index_cast %add3A_400 : i32 to index
        %get3A_410 = arith.constant 32 : index
        %get3A_411 = tpu.vector_load %arg10[%get3A_409, %get3A_410] {strides = array<i32>} : memref<448x128xf32, #tpu.memory_space<vmem>>, vector<16xf32>,
        %mul3A_412 = arith.mulf %get3A_411, %get3A_153 : vector<16xf32>
        %get3A_413 = arith.index_cast %add3A_400 : i32 to index
        %get3A_414 = arith.constant 48 : index
        %get3A_415 = tpu.vector_load %arg10[%get3A_413, %get3A_414] {strides = array<i32>} : memref<448x128xf32, #tpu.memory_space<vmem>>, vector<16xf32>,
        %mul3A_416 = arith.mulf %get3A_415, %get3A_156 : vector<16xf32>
        %get3A_417 = arith.index_cast %add3A_400 : i32 to index
        %get3A_418 = arith.constant 64 : index
        %get3A_419 = tpu.vector_load %arg10[%get3A_417, %get3A_418] {strides = array<i32>} : memref<448x128xf32, #tpu.memory_space<vmem>>, vector<16xf32>,
        %mul3A_420 = arith.mulf %get3A_419, %get3A_159 : vector<16xf32>
        %get3A_421 = arith.index_cast %add3A_400 : i32 to index
        %get3A_422 = arith.constant 80 : index
        %get3A_423 = tpu.vector_load %arg10[%get3A_421, %get3A_422] {strides = array<i32>} : memref<448x128xf32, #tpu.memory_space<vmem>>, vector<16xf32>,
        %mul3A_424 = arith.mulf %get3A_423, %get3A_162 : vector<16xf32>
        %get3A_425 = arith.index_cast %add3A_400 : i32 to index
        %get3A_426 = arith.constant 96 : index
        %get3A_427 = tpu.vector_load %arg10[%get3A_425, %get3A_426] {strides = array<i32>} : memref<448x128xf32, #tpu.memory_space<vmem>>, vector<16xf32>,
        %mul3A_428 = arith.mulf %get3A_427, %get3A_165 : vector<16xf32>
        %get3A_429 = arith.index_cast %add3A_400 : i32 to index
        %get3A_430 = arith.constant 112 : index
        %get3A_431 = tpu.vector_load %arg10[%get3A_429, %get3A_430] {strides = array<i32>} : memref<448x128xf32, #tpu.memory_space<vmem>>, vector<16xf32>,
        %mul3A_432 = arith.mulf %get3A_431, %get3A_168 : vector<16xf32>
        %add3A_433 = arith.addf %mul3A_404, %mul3A_408 : vector<16xf32>
        %add3A_434 = arith.addf %mul3A_412, %mul3A_416 : vector<16xf32>
        %add3A_435 = arith.addf %add3A_433, %add3A_434 : vector<16xf32>
        %add3A_436 = arith.addf %mul3A_420, %mul3A_424 : vector<16xf32>
        %add3A_437 = arith.addf %mul3A_428, %mul3A_432 : vector<16xf32>
        %add3A_438 = arith.addf %add3A_436, %add3A_437 : vector<16xf32>
        %add3A_439 = arith.addf %add3A_435, %add3A_438 : vector<16xf32>
        %broadcast_in_dim3A_440 = arith.constant true
        %broadcast_in_dim3A_441 = vector.broadcast %broadcast_in_dim3A_440 : i1 to vector<16xi1>
        %masked_cumsum3A_442 = tpu.scan <sum>, %add3A_439 masked %broadcast_in_dim3A_441 : vector<16xf32>, vector<16xi1> -> vector<16xf32>
        %add3A_443 = arith.constant 4 : i32
        %add3A_444 = vector.broadcast %add3A_443 : i32 to vector<16xi32>
        %add3A_445 = arith.addi %broadcast_in_dim3A, %add3A_444 : vector<16xi32>
        tpu.vector_store_idx %arg12[%add3A_445], %masked_cumsum3A_442 masked %eq3A_10 : memref<224xf32, #tpu.memory_space<vmem>>[vector<16xi32>], vector<16xf32>, vector<16xi1>
        %mul3A_446 = arith.constant 16 : i32
        %mul3A_447 = arith.muli %scan3A_189, %mul3A_446 : i32
        %add3A_448 = arith.constant 224 : i32
        %add3A_449 = arith.addi %add3A_448, %mul3A_447 : i32
        %add3A_450 = arith.constant 5 : i32
        %add3A_451 = arith.addi %add3A_449, %add3A_450 : i32
        %get3A_452 = arith.index_cast %add3A_451 : i32 to index
        %get3A_453 = arith.constant 0 : index
        %get3A_454 = tpu.vector_load %arg10[%get3A_452, %get3A_453] {strides = array<i32>} : memref<448x128xf32, #tpu.memory_space<vmem>>, vector<16xf32>,
        %mul3A_455 = arith.mulf %get3A_454, %get3A_147 : vector<16xf32>
        %get3A_456 = arith.index_cast %add3A_451 : i32 to index
        %get3A_457 = arith.constant 16 : index
        %get3A_458 = tpu.vector_load %arg10[%get3A_456, %get3A_457] {strides = array<i32>} : memref<448x128xf32, #tpu.memory_space<vmem>>, vector<16xf32>,
        %mul3A_459 = arith.mulf %get3A_458, %get3A_150 : vector<16xf32>
        %get3A_460 = arith.index_cast %add3A_451 : i32 to index
        %get3A_461 = arith.constant 32 : index
        %get3A_462 = tpu.vector_load %arg10[%get3A_460, %get3A_461] {strides = array<i32>} : memref<448x128xf32, #tpu.memory_space<vmem>>, vector<16xf32>,
        %mul3A_463 = arith.mulf %get3A_462, %get3A_153 : vector<16xf32>
        %get3A_464 = arith.index_cast %add3A_451 : i32 to index
        %get3A_465 = arith.constant 48 : index
        %get3A_466 = tpu.vector_load %arg10[%get3A_464, %get3A_465] {strides = array<i32>} : memref<448x128xf32, #tpu.memory_space<vmem>>, vector<16xf32>,
        %mul3A_467 = arith.mulf %get3A_466, %get3A_156 : vector<16xf32>
        %get3A_468 = arith.index_cast %add3A_451 : i32 to index
        %get3A_469 = arith.constant 64 : index
        %get3A_470 = tpu.vector_load %arg10[%get3A_468, %get3A_469] {strides = array<i32>} : memref<448x128xf32, #tpu.memory_space<vmem>>, vector<16xf32>,
        %mul3A_471 = arith.mulf %get3A_470, %get3A_159 : vector<16xf32>
        %get3A_472 = arith.index_cast %add3A_451 : i32 to index
        %get3A_473 = arith.constant 80 : index
        %get3A_474 = tpu.vector_load %arg10[%get3A_472, %get3A_473] {strides = array<i32>} : memref<448x128xf32, #tpu.memory_space<vmem>>, vector<16xf32>,
        %mul3A_475 = arith.mulf %get3A_474, %get3A_162 : vector<16xf32>
        %get3A_476 = arith.index_cast %add3A_451 : i32 to index
        %get3A_477 = arith.constant 96 : index
        %get3A_478 = tpu.vector_load %arg10[%get3A_476, %get3A_477] {strides = array<i32>} : memref<448x128xf32, #tpu.memory_space<vmem>>, vector<16xf32>,
        %mul3A_479 = arith.mulf %get3A_478, %get3A_165 : vector<16xf32>
        %get3A_480 = arith.index_cast %add3A_451 : i32 to index
        %get3A_481 = arith.constant 112 : index
        %get3A_482 = tpu.vector_load %arg10[%get3A_480, %get3A_481] {strides = array<i32>} : memref<448x128xf32, #tpu.memory_space<vmem>>, vector<16xf32>,
        %mul3A_483 = arith.mulf %get3A_482, %get3A_168 : vector<16xf32>
        %add3A_484 = arith.addf %mul3A_455, %mul3A_459 : vector<16xf32>
        %add3A_485 = arith.addf %mul3A_463, %mul3A_467 : vector<16xf32>
        %add3A_486 = arith.addf %add3A_484, %add3A_485 : vector<16xf32>
        %add3A_487 = arith.addf %mul3A_471, %mul3A_475 : vector<16xf32>
        %add3A_488 = arith.addf %mul3A_479, %mul3A_483 : vector<16xf32>
        %add3A_489 = arith.addf %add3A_487, %add3A_488 : vector<16xf32>
        %add3A_490 = arith.addf %add3A_486, %add3A_489 : vector<16xf32>
        %broadcast_in_dim3A_491 = arith.constant true
        %broadcast_in_dim3A_492 = vector.broadcast %broadcast_in_dim3A_491 : i1 to vector<16xi1>
        %masked_cumsum3A_493 = tpu.scan <sum>, %add3A_490 masked %broadcast_in_dim3A_492 : vector<16xf32>, vector<16xi1> -> vector<16xf32>
        %add3A_494 = arith.constant 5 : i32
        %add3A_495 = vector.broadcast %add3A_494 : i32 to vector<16xi32>
        %add3A_496 = arith.addi %broadcast_in_dim3A, %add3A_495 : vector<16xi32>
        tpu.vector_store_idx %arg12[%add3A_496], %masked_cumsum3A_493 masked %eq3A_10 : memref<224xf32, #tpu.memory_space<vmem>>[vector<16xi32>], vector<16xf32>, vector<16xi1>
        %mul3A_497 = arith.constant 16 : i32
        %mul3A_498 = arith.muli %scan3A_189, %mul3A_497 : i32
        %add3A_499 = arith.constant 224 : i32
        %add3A_500 = arith.addi %add3A_499, %mul3A_498 : i32
        %add3A_501 = arith.constant 6 : i32
        %add3A_502 = arith.addi %add3A_500, %add3A_501 : i32
        %get3A_503 = arith.index_cast %add3A_502 : i32 to index
        %get3A_504 = arith.constant 0 : index
        %get3A_505 = tpu.vector_load %arg10[%get3A_503, %get3A_504] {strides = array<i32>} : memref<448x128xf32, #tpu.memory_space<vmem>>, vector<16xf32>,
        %mul3A_506 = arith.mulf %get3A_505, %get3A_147 : vector<16xf32>
        %get3A_507 = arith.index_cast %add3A_502 : i32 to index
        %get3A_508 = arith.constant 16 : index
        %get3A_509 = tpu.vector_load %arg10[%get3A_507, %get3A_508] {strides = array<i32>} : memref<448x128xf32, #tpu.memory_space<vmem>>, vector<16xf32>,
        %mul3A_510 = arith.mulf %get3A_509, %get3A_150 : vector<16xf32>
        %get3A_511 = arith.index_cast %add3A_502 : i32 to index
        %get3A_512 = arith.constant 32 : index
        %get3A_513 = tpu.vector_load %arg10[%get3A_511, %get3A_512] {strides = array<i32>} : memref<448x128xf32, #tpu.memory_space<vmem>>, vector<16xf32>,
        %mul3A_514 = arith.mulf %get3A_513, %get3A_153 : vector<16xf32>
        %get3A_515 = arith.index_cast %add3A_502 : i32 to index
        %get3A_516 = arith.constant 48 : index
        %get3A_517 = tpu.vector_load %arg10[%get3A_515, %get3A_516] {strides = array<i32>} : memref<448x128xf32, #tpu.memory_space<vmem>>, vector<16xf32>,
        %mul3A_518 = arith.mulf %get3A_517, %get3A_156 : vector<16xf32>
        %get3A_519 = arith.index_cast %add3A_502 : i32 to index
        %get3A_520 = arith.constant 64 : index
        %get3A_521 = tpu.vector_load %arg10[%get3A_519, %get3A_520] {strides = array<i32>} : memref<448x128xf32, #tpu.memory_space<vmem>>, vector<16xf32>,
        %mul3A_522 = arith.mulf %get3A_521, %get3A_159 : vector<16xf32>
        %get3A_523 = arith.index_cast %add3A_502 : i32 to index
        %get3A_524 = arith.constant 80 : index
        %get3A_525 = tpu.vector_load %arg10[%get3A_523, %get3A_524] {strides = array<i32>} : memref<448x128xf32, #tpu.memory_space<vmem>>, vector<16xf32>,
        %mul3A_526 = arith.mulf %get3A_525, %get3A_162 : vector<16xf32>
        %get3A_527 = arith.index_cast %add3A_502 : i32 to index
        %get3A_528 = arith.constant 96 : index
        %get3A_529 = tpu.vector_load %arg10[%get3A_527, %get3A_528] {strides = array<i32>} : memref<448x128xf32, #tpu.memory_space<vmem>>, vector<16xf32>,
        %mul3A_530 = arith.mulf %get3A_529, %get3A_165 : vector<16xf32>
        %get3A_531 = arith.index_cast %add3A_502 : i32 to index
        %get3A_532 = arith.constant 112 : index
        %get3A_533 = tpu.vector_load %arg10[%get3A_531, %get3A_532] {strides = array<i32>} : memref<448x128xf32, #tpu.memory_space<vmem>>, vector<16xf32>,
        %mul3A_534 = arith.mulf %get3A_533, %get3A_168 : vector<16xf32>
        %add3A_535 = arith.addf %mul3A_506, %mul3A_510 : vector<16xf32>
        %add3A_536 = arith.addf %mul3A_514, %mul3A_518 : vector<16xf32>
        %add3A_537 = arith.addf %add3A_535, %add3A_536 : vector<16xf32>
        %add3A_538 = arith.addf %mul3A_522, %mul3A_526 : vector<16xf32>
        %add3A_539 = arith.addf %mul3A_530, %mul3A_534 : vector<16xf32>
        %add3A_540 = arith.addf %add3A_538, %add3A_539 : vector<16xf32>
        %add3A_541 = arith.addf %add3A_537, %add3A_540 : vector<16xf32>
        %broadcast_in_dim3A_542 = arith.constant true
        %broadcast_in_dim3A_543 = vector.broadcast %broadcast_in_dim3A_542 : i1 to vector<16xi1>
        %masked_cumsum3A_544 = tpu.scan <sum>, %add3A_541 masked %broadcast_in_dim3A_543 : vector<16xf32>, vector<16xi1> -> vector<16xf32>
        %add3A_545 = arith.constant 6 : i32
        %add3A_546 = vector.broadcast %add3A_545 : i32 to vector<16xi32>
        %add3A_547 = arith.addi %broadcast_in_dim3A, %add3A_546 : vector<16xi32>
        tpu.vector_store_idx %arg12[%add3A_547], %masked_cumsum3A_544 masked %eq3A_10 : memref<224xf32, #tpu.memory_space<vmem>>[vector<16xi32>], vector<16xf32>, vector<16xi1>
        %mul3A_548 = arith.constant 16 : i32
        %mul3A_549 = arith.muli %scan3A_189, %mul3A_548 : i32
        %add3A_550 = arith.constant 224 : i32
        %add3A_551 = arith.addi %add3A_550, %mul3A_549 : i32
        %add3A_552 = arith.constant 7 : i32
        %add3A_553 = arith.addi %add3A_551, %add3A_552 : i32
        %get3A_554 = arith.index_cast %add3A_553 : i32 to index
        %get3A_555 = arith.constant 0 : index
        %get3A_556 = tpu.vector_load %arg10[%get3A_554, %get3A_555] {strides = array<i32>} : memref<448x128xf32, #tpu.memory_space<vmem>>, vector<16xf32>,
        %mul3A_557 = arith.mulf %get3A_556, %get3A_147 : vector<16xf32>
        %get3A_558 = arith.index_cast %add3A_553 : i32 to index
        %get3A_559 = arith.constant 16 : index
        %get3A_560 = tpu.vector_load %arg10[%get3A_558, %get3A_559] {strides = array<i32>} : memref<448x128xf32, #tpu.memory_space<vmem>>, vector<16xf32>,
        %mul3A_561 = arith.mulf %get3A_560, %get3A_150 : vector<16xf32>
        %get3A_562 = arith.index_cast %add3A_553 : i32 to index
        %get3A_563 = arith.constant 32 : index
        %get3A_564 = tpu.vector_load %arg10[%get3A_562, %get3A_563] {strides = array<i32>} : memref<448x128xf32, #tpu.memory_space<vmem>>, vector<16xf32>,
        %mul3A_565 = arith.mulf %get3A_564, %get3A_153 : vector<16xf32>
        %get3A_566 = arith.index_cast %add3A_553 : i32 to index
        %get3A_567 = arith.constant 48 : index
        %get3A_568 = tpu.vector_load %arg10[%get3A_566, %get3A_567] {strides = array<i32>} : memref<448x128xf32, #tpu.memory_space<vmem>>, vector<16xf32>,
        %mul3A_569 = arith.mulf %get3A_568, %get3A_156 : vector<16xf32>
        %get3A_570 = arith.index_cast %add3A_553 : i32 to index
        %get3A_571 = arith.constant 64 : index
        %get3A_572 = tpu.vector_load %arg10[%get3A_570, %get3A_571] {strides = array<i32>} : memref<448x128xf32, #tpu.memory_space<vmem>>, vector<16xf32>,
        %mul3A_573 = arith.mulf %get3A_572, %get3A_159 : vector<16xf32>
        %get3A_574 = arith.index_cast %add3A_553 : i32 to index
        %get3A_575 = arith.constant 80 : index
        %get3A_576 = tpu.vector_load %arg10[%get3A_574, %get3A_575] {strides = array<i32>} : memref<448x128xf32, #tpu.memory_space<vmem>>, vector<16xf32>,
        %mul3A_577 = arith.mulf %get3A_576, %get3A_162 : vector<16xf32>
        %get3A_578 = arith.index_cast %add3A_553 : i32 to index
        %get3A_579 = arith.constant 96 : index
        %get3A_580 = tpu.vector_load %arg10[%get3A_578, %get3A_579] {strides = array<i32>} : memref<448x128xf32, #tpu.memory_space<vmem>>, vector<16xf32>,
        %mul3A_581 = arith.mulf %get3A_580, %get3A_165 : vector<16xf32>
        %get3A_582 = arith.index_cast %add3A_553 : i32 to index
        %get3A_583 = arith.constant 112 : index
        %get3A_584 = tpu.vector_load %arg10[%get3A_582, %get3A_583] {strides = array<i32>} : memref<448x128xf32, #tpu.memory_space<vmem>>, vector<16xf32>,
        %mul3A_585 = arith.mulf %get3A_584, %get3A_168 : vector<16xf32>
        %add3A_586 = arith.addf %mul3A_557, %mul3A_561 : vector<16xf32>
        %add3A_587 = arith.addf %mul3A_565, %mul3A_569 : vector<16xf32>
        %add3A_588 = arith.addf %add3A_586, %add3A_587 : vector<16xf32>
        %add3A_589 = arith.addf %mul3A_573, %mul3A_577 : vector<16xf32>
        %add3A_590 = arith.addf %mul3A_581, %mul3A_585 : vector<16xf32>
        %add3A_591 = arith.addf %add3A_589, %add3A_590 : vector<16xf32>
        %add3A_592 = arith.addf %add3A_588, %add3A_591 : vector<16xf32>
        %broadcast_in_dim3A_593 = arith.constant true
        %broadcast_in_dim3A_594 = vector.broadcast %broadcast_in_dim3A_593 : i1 to vector<16xi1>
        %masked_cumsum3A_595 = tpu.scan <sum>, %add3A_592 masked %broadcast_in_dim3A_594 : vector<16xf32>, vector<16xi1> -> vector<16xf32>
        %add3A_596 = arith.constant 7 : i32
        %add3A_597 = vector.broadcast %add3A_596 : i32 to vector<16xi32>
        %add3A_598 = arith.addi %broadcast_in_dim3A, %add3A_597 : vector<16xi32>
        tpu.vector_store_idx %arg12[%add3A_598], %masked_cumsum3A_595 masked %eq3A_10 : memref<224xf32, #tpu.memory_space<vmem>>[vector<16xi32>], vector<16xf32>, vector<16xi1>
        %mul3A_599 = arith.constant 16 : i32
        %mul3A_600 = arith.muli %scan3A_189, %mul3A_599 : i32
        %add3A_601 = arith.constant 224 : i32
        %add3A_602 = arith.addi %add3A_601, %mul3A_600 : i32
        %add3A_603 = arith.constant 8 : i32
        %add3A_604 = arith.addi %add3A_602, %add3A_603 : i32
        %get3A_605 = arith.index_cast %add3A_604 : i32 to index
        %get3A_606 = arith.constant 0 : index
        %get3A_607 = tpu.vector_load %arg10[%get3A_605, %get3A_606] {strides = array<i32>} : memref<448x128xf32, #tpu.memory_space<vmem>>, vector<16xf32>,
        %mul3A_608 = arith.mulf %get3A_607, %get3A_147 : vector<16xf32>
        %get3A_609 = arith.index_cast %add3A_604 : i32 to index
        %get3A_610 = arith.constant 16 : index
        %get3A_611 = tpu.vector_load %arg10[%get3A_609, %get3A_610] {strides = array<i32>} : memref<448x128xf32, #tpu.memory_space<vmem>>, vector<16xf32>,
        %mul3A_612 = arith.mulf %get3A_611, %get3A_150 : vector<16xf32>
        %get3A_613 = arith.index_cast %add3A_604 : i32 to index
        %get3A_614 = arith.constant 32 : index
        %get3A_615 = tpu.vector_load %arg10[%get3A_613, %get3A_614] {strides = array<i32>} : memref<448x128xf32, #tpu.memory_space<vmem>>, vector<16xf32>,
        %mul3A_616 = arith.mulf %get3A_615, %get3A_153 : vector<16xf32>
        %get3A_617 = arith.index_cast %add3A_604 : i32 to index
        %get3A_618 = arith.constant 48 : index
        %get3A_619 = tpu.vector_load %arg10[%get3A_617, %get3A_618] {strides = array<i32>} : memref<448x128xf32, #tpu.memory_space<vmem>>, vector<16xf32>,
        %mul3A_620 = arith.mulf %get3A_619, %get3A_156 : vector<16xf32>
        %get3A_621 = arith.index_cast %add3A_604 : i32 to index
        %get3A_622 = arith.constant 64 : index
        %get3A_623 = tpu.vector_load %arg10[%get3A_621, %get3A_622] {strides = array<i32>} : memref<448x128xf32, #tpu.memory_space<vmem>>, vector<16xf32>,
        %mul3A_624 = arith.mulf %get3A_623, %get3A_159 : vector<16xf32>
        %get3A_625 = arith.index_cast %add3A_604 : i32 to index
        %get3A_626 = arith.constant 80 : index
        %get3A_627 = tpu.vector_load %arg10[%get3A_625, %get3A_626] {strides = array<i32>} : memref<448x128xf32, #tpu.memory_space<vmem>>, vector<16xf32>,
        %mul3A_628 = arith.mulf %get3A_627, %get3A_162 : vector<16xf32>
        %get3A_629 = arith.index_cast %add3A_604 : i32 to index
        %get3A_630 = arith.constant 96 : index
        %get3A_631 = tpu.vector_load %arg10[%get3A_629, %get3A_630] {strides = array<i32>} : memref<448x128xf32, #tpu.memory_space<vmem>>, vector<16xf32>,
        %mul3A_632 = arith.mulf %get3A_631, %get3A_165 : vector<16xf32>
        %get3A_633 = arith.index_cast %add3A_604 : i32 to index
        %get3A_634 = arith.constant 112 : index
        %get3A_635 = tpu.vector_load %arg10[%get3A_633, %get3A_634] {strides = array<i32>} : memref<448x128xf32, #tpu.memory_space<vmem>>, vector<16xf32>,
        %mul3A_636 = arith.mulf %get3A_635, %get3A_168 : vector<16xf32>
        %add3A_637 = arith.addf %mul3A_608, %mul3A_612 : vector<16xf32>
        %add3A_638 = arith.addf %mul3A_616, %mul3A_620 : vector<16xf32>
        %add3A_639 = arith.addf %add3A_637, %add3A_638 : vector<16xf32>
        %add3A_640 = arith.addf %mul3A_624, %mul3A_628 : vector<16xf32>
        %add3A_641 = arith.addf %mul3A_632, %mul3A_636 : vector<16xf32>
        %add3A_642 = arith.addf %add3A_640, %add3A_641 : vector<16xf32>
        %add3A_643 = arith.addf %add3A_639, %add3A_642 : vector<16xf32>
        %broadcast_in_dim3A_644 = arith.constant true
        %broadcast_in_dim3A_645 = vector.broadcast %broadcast_in_dim3A_644 : i1 to vector<16xi1>
        %masked_cumsum3A_646 = tpu.scan <sum>, %add3A_643 masked %broadcast_in_dim3A_645 : vector<16xf32>, vector<16xi1> -> vector<16xf32>
        %add3A_647 = arith.constant 8 : i32
        %add3A_648 = vector.broadcast %add3A_647 : i32 to vector<16xi32>
        %add3A_649 = arith.addi %broadcast_in_dim3A, %add3A_648 : vector<16xi32>
        tpu.vector_store_idx %arg12[%add3A_649], %masked_cumsum3A_646 masked %eq3A_10 : memref<224xf32, #tpu.memory_space<vmem>>[vector<16xi32>], vector<16xf32>, vector<16xi1>
        %mul3A_650 = arith.constant 16 : i32
        %mul3A_651 = arith.muli %scan3A_189, %mul3A_650 : i32
        %add3A_652 = arith.constant 224 : i32
        %add3A_653 = arith.addi %add3A_652, %mul3A_651 : i32
        %add3A_654 = arith.constant 9 : i32
        %add3A_655 = arith.addi %add3A_653, %add3A_654 : i32
        %get3A_656 = arith.index_cast %add3A_655 : i32 to index
        %get3A_657 = arith.constant 0 : index
        %get3A_658 = tpu.vector_load %arg10[%get3A_656, %get3A_657] {strides = array<i32>} : memref<448x128xf32, #tpu.memory_space<vmem>>, vector<16xf32>,
        %mul3A_659 = arith.mulf %get3A_658, %get3A_147 : vector<16xf32>
        %get3A_660 = arith.index_cast %add3A_655 : i32 to index
        %get3A_661 = arith.constant 16 : index
        %get3A_662 = tpu.vector_load %arg10[%get3A_660, %get3A_661] {strides = array<i32>} : memref<448x128xf32, #tpu.memory_space<vmem>>, vector<16xf32>,
        %mul3A_663 = arith.mulf %get3A_662, %get3A_150 : vector<16xf32>
        %get3A_664 = arith.index_cast %add3A_655 : i32 to index
        %get3A_665 = arith.constant 32 : index
        %get3A_666 = tpu.vector_load %arg10[%get3A_664, %get3A_665] {strides = array<i32>} : memref<448x128xf32, #tpu.memory_space<vmem>>, vector<16xf32>,
        %mul3A_667 = arith.mulf %get3A_666, %get3A_153 : vector<16xf32>
        %get3A_668 = arith.index_cast %add3A_655 : i32 to index
        %get3A_669 = arith.constant 48 : index
        %get3A_670 = tpu.vector_load %arg10[%get3A_668, %get3A_669] {strides = array<i32>} : memref<448x128xf32, #tpu.memory_space<vmem>>, vector<16xf32>,
        %mul3A_671 = arith.mulf %get3A_670, %get3A_156 : vector<16xf32>
        %get3A_672 = arith.index_cast %add3A_655 : i32 to index
        %get3A_673 = arith.constant 64 : index
        %get3A_674 = tpu.vector_load %arg10[%get3A_672, %get3A_673] {strides = array<i32>} : memref<448x128xf32, #tpu.memory_space<vmem>>, vector<16xf32>,
        %mul3A_675 = arith.mulf %get3A_674, %get3A_159 : vector<16xf32>
        %get3A_676 = arith.index_cast %add3A_655 : i32 to index
        %get3A_677 = arith.constant 80 : index
        %get3A_678 = tpu.vector_load %arg10[%get3A_676, %get3A_677] {strides = array<i32>} : memref<448x128xf32, #tpu.memory_space<vmem>>, vector<16xf32>,
        %mul3A_679 = arith.mulf %get3A_678, %get3A_162 : vector<16xf32>
        %get3A_680 = arith.index_cast %add3A_655 : i32 to index
        %get3A_681 = arith.constant 96 : index
        %get3A_682 = tpu.vector_load %arg10[%get3A_680, %get3A_681] {strides = array<i32>} : memref<448x128xf32, #tpu.memory_space<vmem>>, vector<16xf32>,
        %mul3A_683 = arith.mulf %get3A_682, %get3A_165 : vector<16xf32>
        %get3A_684 = arith.index_cast %add3A_655 : i32 to index
        %get3A_685 = arith.constant 112 : index
        %get3A_686 = tpu.vector_load %arg10[%get3A_684, %get3A_685] {strides = array<i32>} : memref<448x128xf32, #tpu.memory_space<vmem>>, vector<16xf32>,
        %mul3A_687 = arith.mulf %get3A_686, %get3A_168 : vector<16xf32>
        %add3A_688 = arith.addf %mul3A_659, %mul3A_663 : vector<16xf32>
        %add3A_689 = arith.addf %mul3A_667, %mul3A_671 : vector<16xf32>
        %add3A_690 = arith.addf %add3A_688, %add3A_689 : vector<16xf32>
        %add3A_691 = arith.addf %mul3A_675, %mul3A_679 : vector<16xf32>
        %add3A_692 = arith.addf %mul3A_683, %mul3A_687 : vector<16xf32>
        %add3A_693 = arith.addf %add3A_691, %add3A_692 : vector<16xf32>
        %add3A_694 = arith.addf %add3A_690, %add3A_693 : vector<16xf32>
        %broadcast_in_dim3A_695 = arith.constant true
        %broadcast_in_dim3A_696 = vector.broadcast %broadcast_in_dim3A_695 : i1 to vector<16xi1>
        %masked_cumsum3A_697 = tpu.scan <sum>, %add3A_694 masked %broadcast_in_dim3A_696 : vector<16xf32>, vector<16xi1> -> vector<16xf32>
        %add3A_698 = arith.constant 9 : i32
        %add3A_699 = vector.broadcast %add3A_698 : i32 to vector<16xi32>
        %add3A_700 = arith.addi %broadcast_in_dim3A, %add3A_699 : vector<16xi32>
        tpu.vector_store_idx %arg12[%add3A_700], %masked_cumsum3A_697 masked %eq3A_10 : memref<224xf32, #tpu.memory_space<vmem>>[vector<16xi32>], vector<16xf32>, vector<16xi1>
        %mul3A_701 = arith.constant 16 : i32
        %mul3A_702 = arith.muli %scan3A_189, %mul3A_701 : i32
        %add3A_703 = arith.constant 224 : i32
        %add3A_704 = arith.addi %add3A_703, %mul3A_702 : i32
        %add3A_705 = arith.constant 10 : i32
        %add3A_706 = arith.addi %add3A_704, %add3A_705 : i32
        %get3A_707 = arith.index_cast %add3A_706 : i32 to index
        %get3A_708 = arith.constant 0 : index
        %get3A_709 = tpu.vector_load %arg10[%get3A_707, %get3A_708] {strides = array<i32>} : memref<448x128xf32, #tpu.memory_space<vmem>>, vector<16xf32>,
        %mul3A_710 = arith.mulf %get3A_709, %get3A_147 : vector<16xf32>
        %get3A_711 = arith.index_cast %add3A_706 : i32 to index
        %get3A_712 = arith.constant 16 : index
        %get3A_713 = tpu.vector_load %arg10[%get3A_711, %get3A_712] {strides = array<i32>} : memref<448x128xf32, #tpu.memory_space<vmem>>, vector<16xf32>,
        %mul3A_714 = arith.mulf %get3A_713, %get3A_150 : vector<16xf32>
        %get3A_715 = arith.index_cast %add3A_706 : i32 to index
        %get3A_716 = arith.constant 32 : index
        %get3A_717 = tpu.vector_load %arg10[%get3A_715, %get3A_716] {strides = array<i32>} : memref<448x128xf32, #tpu.memory_space<vmem>>, vector<16xf32>,
        %mul3A_718 = arith.mulf %get3A_717, %get3A_153 : vector<16xf32>
        %get3A_719 = arith.index_cast %add3A_706 : i32 to index
        %get3A_720 = arith.constant 48 : index
        %get3A_721 = tpu.vector_load %arg10[%get3A_719, %get3A_720] {strides = array<i32>} : memref<448x128xf32, #tpu.memory_space<vmem>>, vector<16xf32>,
        %mul3A_722 = arith.mulf %get3A_721, %get3A_156 : vector<16xf32>
        %get3A_723 = arith.index_cast %add3A_706 : i32 to index
        %get3A_724 = arith.constant 64 : index
        %get3A_725 = tpu.vector_load %arg10[%get3A_723, %get3A_724] {strides = array<i32>} : memref<448x128xf32, #tpu.memory_space<vmem>>, vector<16xf32>,
        %mul3A_726 = arith.mulf %get3A_725, %get3A_159 : vector<16xf32>
        %get3A_727 = arith.index_cast %add3A_706 : i32 to index
        %get3A_728 = arith.constant 80 : index
        %get3A_729 = tpu.vector_load %arg10[%get3A_727, %get3A_728] {strides = array<i32>} : memref<448x128xf32, #tpu.memory_space<vmem>>, vector<16xf32>,
        %mul3A_730 = arith.mulf %get3A_729, %get3A_162 : vector<16xf32>
        %get3A_731 = arith.index_cast %add3A_706 : i32 to index
        %get3A_732 = arith.constant 96 : index
        %get3A_733 = tpu.vector_load %arg10[%get3A_731, %get3A_732] {strides = array<i32>} : memref<448x128xf32, #tpu.memory_space<vmem>>, vector<16xf32>,
        %mul3A_734 = arith.mulf %get3A_733, %get3A_165 : vector<16xf32>
        %get3A_735 = arith.index_cast %add3A_706 : i32 to index
        %get3A_736 = arith.constant 112 : index
        %get3A_737 = tpu.vector_load %arg10[%get3A_735, %get3A_736] {strides = array<i32>} : memref<448x128xf32, #tpu.memory_space<vmem>>, vector<16xf32>,
        %mul3A_738 = arith.mulf %get3A_737, %get3A_168 : vector<16xf32>
        %add3A_739 = arith.addf %mul3A_710, %mul3A_714 : vector<16xf32>
        %add3A_740 = arith.addf %mul3A_718, %mul3A_722 : vector<16xf32>
        %add3A_741 = arith.addf %add3A_739, %add3A_740 : vector<16xf32>
        %add3A_742 = arith.addf %mul3A_726, %mul3A_730 : vector<16xf32>
        %add3A_743 = arith.addf %mul3A_734, %mul3A_738 : vector<16xf32>
        %add3A_744 = arith.addf %add3A_742, %add3A_743 : vector<16xf32>
        %add3A_745 = arith.addf %add3A_741, %add3A_744 : vector<16xf32>
        %broadcast_in_dim3A_746 = arith.constant true
        %broadcast_in_dim3A_747 = vector.broadcast %broadcast_in_dim3A_746 : i1 to vector<16xi1>
        %masked_cumsum3A_748 = tpu.scan <sum>, %add3A_745 masked %broadcast_in_dim3A_747 : vector<16xf32>, vector<16xi1> -> vector<16xf32>
        %add3A_749 = arith.constant 10 : i32
        %add3A_750 = vector.broadcast %add3A_749 : i32 to vector<16xi32>
        %add3A_751 = arith.addi %broadcast_in_dim3A, %add3A_750 : vector<16xi32>
        tpu.vector_store_idx %arg12[%add3A_751], %masked_cumsum3A_748 masked %eq3A_10 : memref<224xf32, #tpu.memory_space<vmem>>[vector<16xi32>], vector<16xf32>, vector<16xi1>
        %mul3A_752 = arith.constant 16 : i32
        %mul3A_753 = arith.muli %scan3A_189, %mul3A_752 : i32
        %add3A_754 = arith.constant 224 : i32
        %add3A_755 = arith.addi %add3A_754, %mul3A_753 : i32
        %add3A_756 = arith.constant 11 : i32
        %add3A_757 = arith.addi %add3A_755, %add3A_756 : i32
        %get3A_758 = arith.index_cast %add3A_757 : i32 to index
        %get3A_759 = arith.constant 0 : index
        %get3A_760 = tpu.vector_load %arg10[%get3A_758, %get3A_759] {strides = array<i32>} : memref<448x128xf32, #tpu.memory_space<vmem>>, vector<16xf32>,
        %mul3A_761 = arith.mulf %get3A_760, %get3A_147 : vector<16xf32>
        %get3A_762 = arith.index_cast %add3A_757 : i32 to index
        %get3A_763 = arith.constant 16 : index
        %get3A_764 = tpu.vector_load %arg10[%get3A_762, %get3A_763] {strides = array<i32>} : memref<448x128xf32, #tpu.memory_space<vmem>>, vector<16xf32>,
        %mul3A_765 = arith.mulf %get3A_764, %get3A_150 : vector<16xf32>
        %get3A_766 = arith.index_cast %add3A_757 : i32 to index
        %get3A_767 = arith.constant 32 : index
        %get3A_768 = tpu.vector_load %arg10[%get3A_766, %get3A_767] {strides = array<i32>} : memref<448x128xf32, #tpu.memory_space<vmem>>, vector<16xf32>,
        %mul3A_769 = arith.mulf %get3A_768, %get3A_153 : vector<16xf32>
        %get3A_770 = arith.index_cast %add3A_757 : i32 to index
        %get3A_771 = arith.constant 48 : index
        %get3A_772 = tpu.vector_load %arg10[%get3A_770, %get3A_771] {strides = array<i32>} : memref<448x128xf32, #tpu.memory_space<vmem>>, vector<16xf32>,
        %mul3A_773 = arith.mulf %get3A_772, %get3A_156 : vector<16xf32>
        %get3A_774 = arith.index_cast %add3A_757 : i32 to index
        %get3A_775 = arith.constant 64 : index
        %get3A_776 = tpu.vector_load %arg10[%get3A_774, %get3A_775] {strides = array<i32>} : memref<448x128xf32, #tpu.memory_space<vmem>>, vector<16xf32>,
        %mul3A_777 = arith.mulf %get3A_776, %get3A_159 : vector<16xf32>
        %get3A_778 = arith.index_cast %add3A_757 : i32 to index
        %get3A_779 = arith.constant 80 : index
        %get3A_780 = tpu.vector_load %arg10[%get3A_778, %get3A_779] {strides = array<i32>} : memref<448x128xf32, #tpu.memory_space<vmem>>, vector<16xf32>,
        %mul3A_781 = arith.mulf %get3A_780, %get3A_162 : vector<16xf32>
        %get3A_782 = arith.index_cast %add3A_757 : i32 to index
        %get3A_783 = arith.constant 96 : index
        %get3A_784 = tpu.vector_load %arg10[%get3A_782, %get3A_783] {strides = array<i32>} : memref<448x128xf32, #tpu.memory_space<vmem>>, vector<16xf32>,
        %mul3A_785 = arith.mulf %get3A_784, %get3A_165 : vector<16xf32>
        %get3A_786 = arith.index_cast %add3A_757 : i32 to index
        %get3A_787 = arith.constant 112 : index
        %get3A_788 = tpu.vector_load %arg10[%get3A_786, %get3A_787] {strides = array<i32>} : memref<448x128xf32, #tpu.memory_space<vmem>>, vector<16xf32>,
        %mul3A_789 = arith.mulf %get3A_788, %get3A_168 : vector<16xf32>
        %add3A_790 = arith.addf %mul3A_761, %mul3A_765 : vector<16xf32>
        %add3A_791 = arith.addf %mul3A_769, %mul3A_773 : vector<16xf32>
        %add3A_792 = arith.addf %add3A_790, %add3A_791 : vector<16xf32>
        %add3A_793 = arith.addf %mul3A_777, %mul3A_781 : vector<16xf32>
        %add3A_794 = arith.addf %mul3A_785, %mul3A_789 : vector<16xf32>
        %add3A_795 = arith.addf %add3A_793, %add3A_794 : vector<16xf32>
        %add3A_796 = arith.addf %add3A_792, %add3A_795 : vector<16xf32>
        %broadcast_in_dim3A_797 = arith.constant true
        %broadcast_in_dim3A_798 = vector.broadcast %broadcast_in_dim3A_797 : i1 to vector<16xi1>
        %masked_cumsum3A_799 = tpu.scan <sum>, %add3A_796 masked %broadcast_in_dim3A_798 : vector<16xf32>, vector<16xi1> -> vector<16xf32>
        %add3A_800 = arith.constant 11 : i32
        %add3A_801 = vector.broadcast %add3A_800 : i32 to vector<16xi32>
        %add3A_802 = arith.addi %broadcast_in_dim3A, %add3A_801 : vector<16xi32>
        tpu.vector_store_idx %arg12[%add3A_802], %masked_cumsum3A_799 masked %eq3A_10 : memref<224xf32, #tpu.memory_space<vmem>>[vector<16xi32>], vector<16xf32>, vector<16xi1>
        %mul3A_803 = arith.constant 16 : i32
        %mul3A_804 = arith.muli %scan3A_189, %mul3A_803 : i32
        %add3A_805 = arith.constant 224 : i32
        %add3A_806 = arith.addi %add3A_805, %mul3A_804 : i32
        %add3A_807 = arith.constant 12 : i32
        %add3A_808 = arith.addi %add3A_806, %add3A_807 : i32
        %get3A_809 = arith.index_cast %add3A_808 : i32 to index
        %get3A_810 = arith.constant 0 : index
        %get3A_811 = tpu.vector_load %arg10[%get3A_809, %get3A_810] {strides = array<i32>} : memref<448x128xf32, #tpu.memory_space<vmem>>, vector<16xf32>,
        %mul3A_812 = arith.mulf %get3A_811, %get3A_147 : vector<16xf32>
        %get3A_813 = arith.index_cast %add3A_808 : i32 to index
        %get3A_814 = arith.constant 16 : index
        %get3A_815 = tpu.vector_load %arg10[%get3A_813, %get3A_814] {strides = array<i32>} : memref<448x128xf32, #tpu.memory_space<vmem>>, vector<16xf32>,
        %mul3A_816 = arith.mulf %get3A_815, %get3A_150 : vector<16xf32>
        %get3A_817 = arith.index_cast %add3A_808 : i32 to index
        %get3A_818 = arith.constant 32 : index
        %get3A_819 = tpu.vector_load %arg10[%get3A_817, %get3A_818] {strides = array<i32>} : memref<448x128xf32, #tpu.memory_space<vmem>>, vector<16xf32>,
        %mul3A_820 = arith.mulf %get3A_819, %get3A_153 : vector<16xf32>
        %get3A_821 = arith.index_cast %add3A_808 : i32 to index
        %get3A_822 = arith.constant 48 : index
        %get3A_823 = tpu.vector_load %arg10[%get3A_821, %get3A_822] {strides = array<i32>} : memref<448x128xf32, #tpu.memory_space<vmem>>, vector<16xf32>,
        %mul3A_824 = arith.mulf %get3A_823, %get3A_156 : vector<16xf32>
        %get3A_825 = arith.index_cast %add3A_808 : i32 to index
        %get3A_826 = arith.constant 64 : index
        %get3A_827 = tpu.vector_load %arg10[%get3A_825, %get3A_826] {strides = array<i32>} : memref<448x128xf32, #tpu.memory_space<vmem>>, vector<16xf32>,
        %mul3A_828 = arith.mulf %get3A_827, %get3A_159 : vector<16xf32>
        %get3A_829 = arith.index_cast %add3A_808 : i32 to index
        %get3A_830 = arith.constant 80 : index
        %get3A_831 = tpu.vector_load %arg10[%get3A_829, %get3A_830] {strides = array<i32>} : memref<448x128xf32, #tpu.memory_space<vmem>>, vector<16xf32>,
        %mul3A_832 = arith.mulf %get3A_831, %get3A_162 : vector<16xf32>
        %get3A_833 = arith.index_cast %add3A_808 : i32 to index
        %get3A_834 = arith.constant 96 : index
        %get3A_835 = tpu.vector_load %arg10[%get3A_833, %get3A_834] {strides = array<i32>} : memref<448x128xf32, #tpu.memory_space<vmem>>, vector<16xf32>,
        %mul3A_836 = arith.mulf %get3A_835, %get3A_165 : vector<16xf32>
        %get3A_837 = arith.index_cast %add3A_808 : i32 to index
        %get3A_838 = arith.constant 112 : index
        %get3A_839 = tpu.vector_load %arg10[%get3A_837, %get3A_838] {strides = array<i32>} : memref<448x128xf32, #tpu.memory_space<vmem>>, vector<16xf32>,
        %mul3A_840 = arith.mulf %get3A_839, %get3A_168 : vector<16xf32>
        %add3A_841 = arith.addf %mul3A_812, %mul3A_816 : vector<16xf32>
        %add3A_842 = arith.addf %mul3A_820, %mul3A_824 : vector<16xf32>
        %add3A_843 = arith.addf %add3A_841, %add3A_842 : vector<16xf32>
        %add3A_844 = arith.addf %mul3A_828, %mul3A_832 : vector<16xf32>
        %add3A_845 = arith.addf %mul3A_836, %mul3A_840 : vector<16xf32>
        %add3A_846 = arith.addf %add3A_844, %add3A_845 : vector<16xf32>
        %add3A_847 = arith.addf %add3A_843, %add3A_846 : vector<16xf32>
        %broadcast_in_dim3A_848 = arith.constant true
        %broadcast_in_dim3A_849 = vector.broadcast %broadcast_in_dim3A_848 : i1 to vector<16xi1>
        %masked_cumsum3A_850 = tpu.scan <sum>, %add3A_847 masked %broadcast_in_dim3A_849 : vector<16xf32>, vector<16xi1> -> vector<16xf32>
        %add3A_851 = arith.constant 12 : i32
        %add3A_852 = vector.broadcast %add3A_851 : i32 to vector<16xi32>
        %add3A_853 = arith.addi %broadcast_in_dim3A, %add3A_852 : vector<16xi32>
        tpu.vector_store_idx %arg12[%add3A_853], %masked_cumsum3A_850 masked %eq3A_10 : memref<224xf32, #tpu.memory_space<vmem>>[vector<16xi32>], vector<16xf32>, vector<16xi1>
        %mul3A_854 = arith.constant 16 : i32
        %mul3A_855 = arith.muli %scan3A_189, %mul3A_854 : i32
        %add3A_856 = arith.constant 224 : i32
        %add3A_857 = arith.addi %add3A_856, %mul3A_855 : i32
        %add3A_858 = arith.constant 13 : i32
        %add3A_859 = arith.addi %add3A_857, %add3A_858 : i32
        %get3A_860 = arith.index_cast %add3A_859 : i32 to index
        %get3A_861 = arith.constant 0 : index
        %get3A_862 = tpu.vector_load %arg10[%get3A_860, %get3A_861] {strides = array<i32>} : memref<448x128xf32, #tpu.memory_space<vmem>>, vector<16xf32>,
        %mul3A_863 = arith.mulf %get3A_862, %get3A_147 : vector<16xf32>
        %get3A_864 = arith.index_cast %add3A_859 : i32 to index
        %get3A_865 = arith.constant 16 : index
        %get3A_866 = tpu.vector_load %arg10[%get3A_864, %get3A_865] {strides = array<i32>} : memref<448x128xf32, #tpu.memory_space<vmem>>, vector<16xf32>,
        %mul3A_867 = arith.mulf %get3A_866, %get3A_150 : vector<16xf32>
        %get3A_868 = arith.index_cast %add3A_859 : i32 to index
        %get3A_869 = arith.constant 32 : index
        %get3A_870 = tpu.vector_load %arg10[%get3A_868, %get3A_869] {strides = array<i32>} : memref<448x128xf32, #tpu.memory_space<vmem>>, vector<16xf32>,
        %mul3A_871 = arith.mulf %get3A_870, %get3A_153 : vector<16xf32>
        %get3A_872 = arith.index_cast %add3A_859 : i32 to index
        %get3A_873 = arith.constant 48 : index
        %get3A_874 = tpu.vector_load %arg10[%get3A_872, %get3A_873] {strides = array<i32>} : memref<448x128xf32, #tpu.memory_space<vmem>>, vector<16xf32>,
        %mul3A_875 = arith.mulf %get3A_874, %get3A_156 : vector<16xf32>
        %get3A_876 = arith.index_cast %add3A_859 : i32 to index
        %get3A_877 = arith.constant 64 : index
        %get3A_878 = tpu.vector_load %arg10[%get3A_876, %get3A_877] {strides = array<i32>} : memref<448x128xf32, #tpu.memory_space<vmem>>, vector<16xf32>,
        %mul3A_879 = arith.mulf %get3A_878, %get3A_159 : vector<16xf32>
        %get3A_880 = arith.index_cast %add3A_859 : i32 to index
        %get3A_881 = arith.constant 80 : index
        %get3A_882 = tpu.vector_load %arg10[%get3A_880, %get3A_881] {strides = array<i32>} : memref<448x128xf32, #tpu.memory_space<vmem>>, vector<16xf32>,
        %mul3A_883 = arith.mulf %get3A_882, %get3A_162 : vector<16xf32>
        %get3A_884 = arith.index_cast %add3A_859 : i32 to index
        %get3A_885 = arith.constant 96 : index
        %get3A_886 = tpu.vector_load %arg10[%get3A_884, %get3A_885] {strides = array<i32>} : memref<448x128xf32, #tpu.memory_space<vmem>>, vector<16xf32>,
        %mul3A_887 = arith.mulf %get3A_886, %get3A_165 : vector<16xf32>
        %get3A_888 = arith.index_cast %add3A_859 : i32 to index
        %get3A_889 = arith.constant 112 : index
        %get3A_890 = tpu.vector_load %arg10[%get3A_888, %get3A_889] {strides = array<i32>} : memref<448x128xf32, #tpu.memory_space<vmem>>, vector<16xf32>,
        %mul3A_891 = arith.mulf %get3A_890, %get3A_168 : vector<16xf32>
        %add3A_892 = arith.addf %mul3A_863, %mul3A_867 : vector<16xf32>
        %add3A_893 = arith.addf %mul3A_871, %mul3A_875 : vector<16xf32>
        %add3A_894 = arith.addf %add3A_892, %add3A_893 : vector<16xf32>
        %add3A_895 = arith.addf %mul3A_879, %mul3A_883 : vector<16xf32>
        %add3A_896 = arith.addf %mul3A_887, %mul3A_891 : vector<16xf32>
        %add3A_897 = arith.addf %add3A_895, %add3A_896 : vector<16xf32>
        %add3A_898 = arith.addf %add3A_894, %add3A_897 : vector<16xf32>
        %broadcast_in_dim3A_899 = arith.constant true
        %broadcast_in_dim3A_900 = vector.broadcast %broadcast_in_dim3A_899 : i1 to vector<16xi1>
        %masked_cumsum3A_901 = tpu.scan <sum>, %add3A_898 masked %broadcast_in_dim3A_900 : vector<16xf32>, vector<16xi1> -> vector<16xf32>
        %add3A_902 = arith.constant 13 : i32
        %add3A_903 = vector.broadcast %add3A_902 : i32 to vector<16xi32>
        %add3A_904 = arith.addi %broadcast_in_dim3A, %add3A_903 : vector<16xi32>
        tpu.vector_store_idx %arg12[%add3A_904], %masked_cumsum3A_901 masked %eq3A_10 : memref<224xf32, #tpu.memory_space<vmem>>[vector<16xi32>], vector<16xf32>, vector<16xi1>
        %mul3A_905 = arith.constant 16 : i32
        %mul3A_906 = arith.muli %scan3A_189, %mul3A_905 : i32
        %add3A_907 = arith.constant 224 : i32
        %add3A_908 = arith.addi %add3A_907, %mul3A_906 : i32
        %add3A_909 = arith.constant 14 : i32
        %add3A_910 = arith.addi %add3A_908, %add3A_909 : i32
        %get3A_911 = arith.index_cast %add3A_910 : i32 to index
        %get3A_912 = arith.constant 0 : index
        %get3A_913 = tpu.vector_load %arg10[%get3A_911, %get3A_912] {strides = array<i32>} : memref<448x128xf32, #tpu.memory_space<vmem>>, vector<16xf32>,
        %mul3A_914 = arith.mulf %get3A_913, %get3A_147 : vector<16xf32>
        %get3A_915 = arith.index_cast %add3A_910 : i32 to index
        %get3A_916 = arith.constant 16 : index
        %get3A_917 = tpu.vector_load %arg10[%get3A_915, %get3A_916] {strides = array<i32>} : memref<448x128xf32, #tpu.memory_space<vmem>>, vector<16xf32>,
        %mul3A_918 = arith.mulf %get3A_917, %get3A_150 : vector<16xf32>
        %get3A_919 = arith.index_cast %add3A_910 : i32 to index
        %get3A_920 = arith.constant 32 : index
        %get3A_921 = tpu.vector_load %arg10[%get3A_919, %get3A_920] {strides = array<i32>} : memref<448x128xf32, #tpu.memory_space<vmem>>, vector<16xf32>,
        %mul3A_922 = arith.mulf %get3A_921, %get3A_153 : vector<16xf32>
        %get3A_923 = arith.index_cast %add3A_910 : i32 to index
        %get3A_924 = arith.constant 48 : index
        %get3A_925 = tpu.vector_load %arg10[%get3A_923, %get3A_924] {strides = array<i32>} : memref<448x128xf32, #tpu.memory_space<vmem>>, vector<16xf32>,
        %mul3A_926 = arith.mulf %get3A_925, %get3A_156 : vector<16xf32>
        %get3A_927 = arith.index_cast %add3A_910 : i32 to index
        %get3A_928 = arith.constant 64 : index
        %get3A_929 = tpu.vector_load %arg10[%get3A_927, %get3A_928] {strides = array<i32>} : memref<448x128xf32, #tpu.memory_space<vmem>>, vector<16xf32>,
        %mul3A_930 = arith.mulf %get3A_929, %get3A_159 : vector<16xf32>
        %get3A_931 = arith.index_cast %add3A_910 : i32 to index
        %get3A_932 = arith.constant 80 : index
        %get3A_933 = tpu.vector_load %arg10[%get3A_931, %get3A_932] {strides = array<i32>} : memref<448x128xf32, #tpu.memory_space<vmem>>, vector<16xf32>,
        %mul3A_934 = arith.mulf %get3A_933, %get3A_162 : vector<16xf32>
        %get3A_935 = arith.index_cast %add3A_910 : i32 to index
        %get3A_936 = arith.constant 96 : index
        %get3A_937 = tpu.vector_load %arg10[%get3A_935, %get3A_936] {strides = array<i32>} : memref<448x128xf32, #tpu.memory_space<vmem>>, vector<16xf32>,
        %mul3A_938 = arith.mulf %get3A_937, %get3A_165 : vector<16xf32>
        %get3A_939 = arith.index_cast %add3A_910 : i32 to index
        %get3A_940 = arith.constant 112 : index
        %get3A_941 = tpu.vector_load %arg10[%get3A_939, %get3A_940] {strides = array<i32>} : memref<448x128xf32, #tpu.memory_space<vmem>>, vector<16xf32>,
        %mul3A_942 = arith.mulf %get3A_941, %get3A_168 : vector<16xf32>
        %add3A_943 = arith.addf %mul3A_914, %mul3A_918 : vector<16xf32>
        %add3A_944 = arith.addf %mul3A_922, %mul3A_926 : vector<16xf32>
        %add3A_945 = arith.addf %add3A_943, %add3A_944 : vector<16xf32>
        %add3A_946 = arith.addf %mul3A_930, %mul3A_934 : vector<16xf32>
        %add3A_947 = arith.addf %mul3A_938, %mul3A_942 : vector<16xf32>
        %add3A_948 = arith.addf %add3A_946, %add3A_947 : vector<16xf32>
        %add3A_949 = arith.addf %add3A_945, %add3A_948 : vector<16xf32>
        %broadcast_in_dim3A_950 = arith.constant true
        %broadcast_in_dim3A_951 = vector.broadcast %broadcast_in_dim3A_950 : i1 to vector<16xi1>
        %masked_cumsum3A_952 = tpu.scan <sum>, %add3A_949 masked %broadcast_in_dim3A_951 : vector<16xf32>, vector<16xi1> -> vector<16xf32>
        %add3A_953 = arith.constant 14 : i32
        %add3A_954 = vector.broadcast %add3A_953 : i32 to vector<16xi32>
        %add3A_955 = arith.addi %broadcast_in_dim3A, %add3A_954 : vector<16xi32>
        tpu.vector_store_idx %arg12[%add3A_955], %masked_cumsum3A_952 masked %eq3A_10 : memref<224xf32, #tpu.memory_space<vmem>>[vector<16xi32>], vector<16xf32>, vector<16xi1>
        %mul3A_956 = arith.constant 16 : i32
        %mul3A_957 = arith.muli %scan3A_189, %mul3A_956 : i32
        %add3A_958 = arith.constant 224 : i32
        %add3A_959 = arith.addi %add3A_958, %mul3A_957 : i32
        %add3A_960 = arith.constant 15 : i32
        %add3A_961 = arith.addi %add3A_959, %add3A_960 : i32
        %get3A_962 = arith.index_cast %add3A_961 : i32 to index
        %get3A_963 = arith.constant 0 : index
        %get3A_964 = tpu.vector_load %arg10[%get3A_962, %get3A_963] {strides = array<i32>} : memref<448x128xf32, #tpu.memory_space<vmem>>, vector<16xf32>,
        %mul3A_965 = arith.mulf %get3A_964, %get3A_147 : vector<16xf32>
        %get3A_966 = arith.index_cast %add3A_961 : i32 to index
        %get3A_967 = arith.constant 16 : index
        %get3A_968 = tpu.vector_load %arg10[%get3A_966, %get3A_967] {strides = array<i32>} : memref<448x128xf32, #tpu.memory_space<vmem>>, vector<16xf32>,
        %mul3A_969 = arith.mulf %get3A_968, %get3A_150 : vector<16xf32>
        %get3A_970 = arith.index_cast %add3A_961 : i32 to index
        %get3A_971 = arith.constant 32 : index
        %get3A_972 = tpu.vector_load %arg10[%get3A_970, %get3A_971] {strides = array<i32>} : memref<448x128xf32, #tpu.memory_space<vmem>>, vector<16xf32>,
        %mul3A_973 = arith.mulf %get3A_972, %get3A_153 : vector<16xf32>
        %get3A_974 = arith.index_cast %add3A_961 : i32 to index
        %get3A_975 = arith.constant 48 : index
        %get3A_976 = tpu.vector_load %arg10[%get3A_974, %get3A_975] {strides = array<i32>} : memref<448x128xf32, #tpu.memory_space<vmem>>, vector<16xf32>,
        %mul3A_977 = arith.mulf %get3A_976, %get3A_156 : vector<16xf32>
        %get3A_978 = arith.index_cast %add3A_961 : i32 to index
        %get3A_979 = arith.constant 64 : index
        %get3A_980 = tpu.vector_load %arg10[%get3A_978, %get3A_979] {strides = array<i32>} : memref<448x128xf32, #tpu.memory_space<vmem>>, vector<16xf32>,
        %mul3A_981 = arith.mulf %get3A_980, %get3A_159 : vector<16xf32>
        %get3A_982 = arith.index_cast %add3A_961 : i32 to index
        %get3A_983 = arith.constant 80 : index
        %get3A_984 = tpu.vector_load %arg10[%get3A_982, %get3A_983] {strides = array<i32>} : memref<448x128xf32, #tpu.memory_space<vmem>>, vector<16xf32>,
        %mul3A_985 = arith.mulf %get3A_984, %get3A_162 : vector<16xf32>
        %get3A_986 = arith.index_cast %add3A_961 : i32 to index
        %get3A_987 = arith.constant 96 : index
        %get3A_988 = tpu.vector_load %arg10[%get3A_986, %get3A_987] {strides = array<i32>} : memref<448x128xf32, #tpu.memory_space<vmem>>, vector<16xf32>,
        %mul3A_989 = arith.mulf %get3A_988, %get3A_165 : vector<16xf32>
        %get3A_990 = arith.index_cast %add3A_961 : i32 to index
        %get3A_991 = arith.constant 112 : index
        %get3A_992 = tpu.vector_load %arg10[%get3A_990, %get3A_991] {strides = array<i32>} : memref<448x128xf32, #tpu.memory_space<vmem>>, vector<16xf32>,
        %mul3A_993 = arith.mulf %get3A_992, %get3A_168 : vector<16xf32>
        %add3A_994 = arith.addf %mul3A_965, %mul3A_969 : vector<16xf32>
        %add3A_995 = arith.addf %mul3A_973, %mul3A_977 : vector<16xf32>
        %add3A_996 = arith.addf %add3A_994, %add3A_995 : vector<16xf32>
        %add3A_997 = arith.addf %mul3A_981, %mul3A_985 : vector<16xf32>
        %add3A_998 = arith.addf %mul3A_989, %mul3A_993 : vector<16xf32>
        %add3A_999 = arith.addf %add3A_997, %add3A_998 : vector<16xf32>
        %add3A_1000 = arith.addf %add3A_996, %add3A_999 : vector<16xf32>
        %broadcast_in_dim3A_1001 = arith.constant true
        %broadcast_in_dim3A_1002 = vector.broadcast %broadcast_in_dim3A_1001 : i1 to vector<16xi1>
        %masked_cumsum3A_1003 = tpu.scan <sum>, %add3A_1000 masked %broadcast_in_dim3A_1002 : vector<16xf32>, vector<16xi1> -> vector<16xf32>
        %add3A_1004 = arith.constant 15 : i32
        %add3A_1005 = vector.broadcast %add3A_1004 : i32 to vector<16xi32>
        %add3A_1006 = arith.addi %broadcast_in_dim3A, %add3A_1005 : vector<16xi32>
        tpu.vector_store_idx %arg12[%add3A_1006], %masked_cumsum3A_1003 masked %eq3A_10 : memref<224xf32, #tpu.memory_space<vmem>>[vector<16xi32>], vector<16xf32>, vector<16xi1>
      }
      %scan3A_174 = arith.constant 14 : i32
      %add3A_175 = arith.constant 2 : i32
      %add3A_176 = arith.addi %add3A_127, %add3A_175 : i32
      %lt3A_177 = arith.constant 128 : i32
      %lt3A_178 = arith.cmpi slt, %add3A_176, %lt3A_177 : i32
      %convert_element_type3A_179 = arith.extui %lt3A_178 : i1 to i32
      %cond3A_180 = arith.constant 0 : i32
      %cond3A_181 = arith.cmpi ne, %convert_element_type3A_179, %cond3A_180 : i32
      scf.if %cond3A_181 {
        %add3A_189 = arith.constant 2 : i32
        %add3A_190 = arith.addi %add3A_127, %add3A_189 : i32
        %mul3A_191 = arith.constant 224 : i32
        %mul3A_192 = arith.muli %add3A_190, %mul3A_191 : i32
        %multiple_of3A_193 = tpu.assume_multiple %mul3A_192, 8 : i32
        %dma_start3A_194 = arith.constant 224 : i32
        %dma_start3A_195 = arith.constant 0 : i32
        %dma_start3A_196 = tpu.memref_slice %arg10[%dma_start3A_194, %dma_start3A_195] : memref<448x128xf32, #tpu.memory_space<vmem>> -> memref<112x128xf32, #tpu.memory_space<vmem>>
        %dma_start3A_197 = tpu.memref_slice %arg9[%multiple_of3A_193] : memref<28672xi32, #tpu.memory_space<vmem>> -> memref<112xi32, #tpu.memory_space<vmem>>
        %dma_start3A_198 = arith.constant 0 : i32
        %dma_start3A_199 = arith.constant 0 : i32
        %dma_start3A_200 = tpu.memref_slice %arg5[%dma_start3A_198, %dma_start3A_199] : memref<100000x128xf32, #tpu.memory_space<hbm>> -> memref<100000x128xf32, #tpu.memory_space<hbm>>
        tpu.enqueue_indirect_dma source(%dma_start3A_200 : memref<100000x128xf32, #tpu.memory_space<hbm>>) target(%dma_start3A_196 : memref<112x128xf32, #tpu.memory_space<vmem>>) offsets(%dma_start3A_197 : memref<112xi32, #tpu.memory_space<vmem>>) semaphore(%arg14 : memref<!tpu.dma_semaphore, #tpu.memory_space<semaphore_mem>>)
        %add3A_201 = arith.constant 112 : i32
        %add3A_202 = arith.addi %multiple_of3A_193, %add3A_201 : i32
        %dma_start3A_203 = arith.constant 336 : i32
        %dma_start3A_204 = arith.constant 0 : i32
        %dma_start3A_205 = tpu.memref_slice %arg10[%dma_start3A_203, %dma_start3A_204] : memref<448x128xf32, #tpu.memory_space<vmem>> -> memref<112x128xf32, #tpu.memory_space<vmem>>
        %dma_start3A_206 = tpu.memref_slice %arg9[%add3A_202] : memref<28672xi32, #tpu.memory_space<vmem>> -> memref<112xi32, #tpu.memory_space<vmem>>
        %dma_start3A_207 = arith.constant 0 : i32
        %dma_start3A_208 = arith.constant 0 : i32
        %dma_start3A_209 = tpu.memref_slice %arg5[%dma_start3A_207, %dma_start3A_208] : memref<100000x128xf32, #tpu.memory_space<hbm>> -> memref<100000x128xf32, #tpu.memory_space<hbm>>
        tpu.enqueue_indirect_dma source(%dma_start3A_209 : memref<100000x128xf32, #tpu.memory_space<hbm>>) target(%dma_start3A_205 : memref<112x128xf32, #tpu.memory_space<vmem>>) offsets(%dma_start3A_206 : memref<112xi32, #tpu.memory_space<vmem>>) semaphore(%arg14 : memref<!tpu.dma_semaphore, #tpu.memory_space<semaphore_mem>>)
      } else {
      }
      %add3A_182 = arith.addi %mul3A_2, %add3A_127 : i32
      %dma_start3A_183 = arith.constant 0 : i32
      %dma_start3A_184 = tpu.memref_slice %arg6[%add3A_182, %dma_start3A_183] : memref<4096x224xf32, #tpu.memory_space<hbm>> -> memref<1x224xf32, #tpu.memory_space<hbm>>
      %dma_start3A_185 = tpu.memref_squeeze %dma_start3A_184 : memref<1x224xf32, #tpu.memory_space<hbm>> -> memref<224xf32, #tpu.memory_space<hbm>>
      %dma_start3A_186 = arith.constant 0 : i32
      %dma_start3A_187 = tpu.memref_slice %arg6[%add3A_182, %dma_start3A_186] : memref<4096x224xf32, #tpu.memory_space<hbm>> -> memref<1x224xf32, #tpu.memory_space<hbm>>
      %dma_start3A_188 = tpu.memref_squeeze %dma_start3A_187 : memref<1x224xf32, #tpu.memory_space<hbm>> -> memref<224xf32, #tpu.memory_space<hbm>>
      tpu.enqueue_dma source(%arg12 : memref<224xf32, #tpu.memory_space<vmem>>) target(%dma_start3A_188 : memref<224xf32, #tpu.memory_space<hbm>>) target_semaphore(%arg16 : memref<!tpu.dma_semaphore, #tpu.memory_space<semaphore_mem>>)
    }
    %scan3A_50 = arith.constant 64 : i32
    %dma_wait3A_51 = arith.constant 0 : i32
    %dma_wait3A_52 = tpu.memref_slice %arg6[%mul3A_2, %dma_wait3A_51] : memref<4096x224xf32, #tpu.memory_space<hbm>> -> memref<1x224xf32, #tpu.memory_space<hbm>>
    %dma_wait3A_53 = tpu.memref_squeeze %dma_wait3A_52 : memref<1x224xf32, #tpu.memory_space<hbm>> -> memref<224xf32, #tpu.memory_space<hbm>>
    %dma_wait3A_54 = arith.constant 0 : i32
    %dma_wait3A_55 = tpu.memref_slice %arg6[%mul3A_2, %dma_wait3A_54] : memref<4096x224xf32, #tpu.memory_space<hbm>> -> memref<1x224xf32, #tpu.memory_space<hbm>>
    %dma_wait3A_56 = tpu.memref_squeeze %dma_wait3A_55 : memref<1x224xf32, #tpu.memory_space<hbm>> -> memref<224xf32, #tpu.memory_space<hbm>>
    tpu.wait_dma2 semaphore(%arg15 : memref<!tpu.dma_semaphore, #tpu.memory_space<semaphore_mem>>) src(%arg11 : memref<224xf32, #tpu.memory_space<vmem>>) dst(%dma_wait3A_56 : memref<224xf32, #tpu.memory_space<hbm>>)
    %dma_wait3A_57 = arith.constant 0 : i32
    %dma_wait3A_58 = tpu.memref_slice %arg6[%mul3A_2, %dma_wait3A_57] : memref<4096x224xf32, #tpu.memory_space<hbm>> -> memref<1x224xf32, #tpu.memory_space<hbm>>
    %dma_wait3A_59 = tpu.memref_squeeze %dma_wait3A_58 : memref<1x224xf32, #tpu.memory_space<hbm>> -> memref<224xf32, #tpu.memory_space<hbm>>
    %dma_wait3A_60 = arith.constant 0 : i32
    %dma_wait3A_61 = tpu.memref_slice %arg6[%mul3A_2, %dma_wait3A_60] : memref<4096x224xf32, #tpu.memory_space<hbm>> -> memref<1x224xf32, #tpu.memory_space<hbm>>
    %dma_wait3A_62 = tpu.memref_squeeze %dma_wait3A_61 : memref<1x224xf32, #tpu.memory_space<hbm>> -> memref<224xf32, #tpu.memory_space<hbm>>
    tpu.wait_dma2 semaphore(%arg16 : memref<!tpu.dma_semaphore, #tpu.memory_space<semaphore_mem>>) src(%arg12 : memref<224xf32, #tpu.memory_space<vmem>>) dst(%dma_wait3A_62 : memref<224xf32, #tpu.memory_space<hbm>>)
    return
  }
}

module attributes {stable_mosaic.version = 14 : i64} {
  func.func @body(%arg0: i32, %arg1: memref<512x224xf32, #tpu.memory_space<vmem>>, %arg2: memref<512xf32, #tpu.memory_space<vmem>>) attributes {dimension_semantics = [#tpu.dimension_semantics<arbitrary>], iteration_bounds = array<i64: 8>, scalar_prefetch = 0 : i64, scratch_operands = 0 : i64, tpu.core_type = #tpu.core_type<tc>, window_params = [{transform_indices = @transform_0, window_bounds = array<i64: 512, 224>}, {transform_indices = @transform_1, window_bounds = array<i64: 512>}]} {
    %get3A = arith.constant 0 : index
    %get3A_0 = arith.constant 0 : index
    %get3A_1 = vector.load %arg1[%get3A, %get3A_0] : memref<512x224xf32, #tpu.memory_space<vmem>>, vector<512x224xf32>
    %iota3A = tpu.iota {dimensions = array<i32: 1>} : vector<512x224xi32>
    %lt3A = arith.constant 20 : i32
    %lt3A_2 = vector.broadcast %lt3A : i32 to vector<512x224xi32>
    %lt3A_3 = arith.cmpi slt, %iota3A, %lt3A_2 : vector<512x224xi32>
    %neg3A = arith.constant 0.000000e+00 : f32
    %neg3A_4 = vector.broadcast %neg3A : f32 to vector<512x224xf32>
    %neg3A_5 = arith.subf %neg3A_4, %get3A_1 : vector<512x224xf32>
    %select_n3A = arith.select %lt3A_3, %get3A_1, %neg3A_5 : vector<512x224xi1>, vector<512x224xf32>
    %neg3A_6 = arith.constant 0.000000e+00 : f32
    %neg3A_7 = vector.broadcast %neg3A_6 : f32 to vector<512x224xf32>
    %neg3A_8 = arith.subf %neg3A_7, %select_n3A : vector<512x224xf32>
    %custom_jvp_call3A = arith.constant 0.000000e+00 : f32
    %max3A = vector.broadcast %custom_jvp_call3A : f32 to vector<512x224xf32>
    %max3A_9 = arith.maximumf %neg3A_8, %max3A : vector<512x224xf32>
    %sub3A = vector.broadcast %custom_jvp_call3A : f32 to vector<512x224xf32>
    %sub3A_10 = arith.subf %neg3A_8, %sub3A : vector<512x224xf32>
    %ne3A = arith.cmpf one, %sub3A_10, %sub3A_10 : vector<512x224xf32>
    %add3A = vector.broadcast %custom_jvp_call3A : f32 to vector<512x224xf32>
    %add3A_11 = arith.addf %neg3A_8, %add3A : vector<512x224xf32>
    %abs3A = math.absf %sub3A_10 : vector<512x224xf32>
    %neg3A_12 = arith.constant 0.000000e+00 : f32
    %neg3A_13 = vector.broadcast %neg3A_12 : f32 to vector<512x224xf32>
    %neg3A_14 = arith.subf %neg3A_13, %abs3A : vector<512x224xf32>
    %exp3A = math.exp %neg3A_14 : vector<512x224xf32>
    %log1p3A = math.log1p %exp3A : vector<512x224xf32>
    %add3A_15 = arith.addf %max3A_9, %log1p3A : vector<512x224xf32>
    %select_n3A_16 = arith.select %ne3A, %add3A_11, %add3A_15 : vector<512x224xi1>, vector<512x224xf32>
    %neg3A_17 = arith.constant 0.000000e+00 : f32
    %neg3A_18 = vector.broadcast %neg3A_17 : f32 to vector<512x224xf32>
    %neg3A_19 = arith.subf %neg3A_18, %select_n3A_16 : vector<512x224xf32>
    %lt3A_20 = arith.constant 220 : i32
    %lt3A_21 = vector.broadcast %lt3A_20 : i32 to vector<512x224xi32>
    %lt3A_22 = arith.cmpi slt, %iota3A, %lt3A_21 : vector<512x224xi32>
    %jit3A = arith.constant 0.000000e+00 : f32
    %broadcast_in_dim3A = vector.broadcast %jit3A : f32 to vector<512x224xf32>
    %select_n3A_23 = arith.select %lt3A_22, %neg3A_19, %broadcast_in_dim3A : vector<512x224xi1>, vector<512x224xf32>
    %reduce_sum3A = arith.constant dense<0.000000e+00> : vector<512xf32>
    %reduce_sum3A_24 = vector.multi_reduction <add>, %select_n3A_23, %reduce_sum3A [1] : vector<512x224xf32> to vector<512xf32>
    %neg3A_25 = arith.constant 0.000000e+00 : f32
    %neg3A_26 = vector.broadcast %neg3A_25 : f32 to vector<512xf32>
    %neg3A_27 = arith.subf %neg3A_26, %reduce_sum3A_24 : vector<512xf32>
    %swap3A = arith.constant 0 : index
    %swap3A_28 = vector.load %arg2[%swap3A] : memref<512xf32, #tpu.memory_space<vmem>>, vector<512xf32>
    tpu.vector_store %arg2[%swap3A], %neg3A_27 {strides = array<i32>} : memref<512xf32, #tpu.memory_space<vmem>>, vector<512xf32>,
    return
  }
  func.func @transform_0(%arg0: i32) -> (i32, i32) {
    %c0_i32 = arith.constant 0 : i32
    %c0_i32_0 = arith.constant 0 : i32
    return %arg0, %c0_i32 : i32, i32
  }
  func.func @transform_1(%arg0: i32) -> i32 {
    %c0_i32 = arith.constant 0 : i32
    return %arg0 : i32
  }
}

</mosaic_0001>

<sc_bundles>
// kernel: kernel.4.cloned.1.call-start
scs
__scs_entry_jumppad:
0x0: {  	(pc) =	sbr.rel $0x88, $3  }
0x1: {  	(tag) =	ssettag $0x0;
	lr =	simm.s32 $0x1  }
0x2: {  	[smem:$0x3F9C] =	sst lr;
	_ =	strace $0xD0000000  }
0x3: {  	_ = 	snop  }
0x4: {  	_ = 	snop  }
0x5: {  	_ = 	snop  }
0x6: {  	_ = 	snop  }
0x7: {  	_ = 	snop  }
__scs_overlays_trampoline_lowered:
0x8: {  	[smem:$0x3FAB] =	sst s0  }
0x9: {  	[smem:$0x3FAC] =	sst s1  }
0xa: {  	[smem:$0x3FAD] =	sst s2  }
0xb: {  	[smem:$0x3FAE] =	sst s3  }
0xc: {  	[smem:$0x3FAF] =	sst s4  }
0xd: {  	[smem:$0x3FB0] =	sst s5  }
0xe: {  	[smem:$0x3FB1] =	sst s6  }
0xf: {  	[smem:$0x3FB2] =	sst s7  }
0x10: {  	[smem:$0x3FB3] =	sst s8  }
0x11: {  	[smem:$0x3FB4] =	sst s9;
	s0 =	simm.s32 @!p0 $0x0  }
0x12: {  	s1 =	sld [smem:$0x3F9A];
	s0 =	simm.s32 @p0 $0x1  }
0x13: {  	[smem:$0x3FB5] =	sst s0;
	s0 =	simm.s32 @!p1 $0x0  }
0x14: {  	s2 =	sld [smem:$0x3F99];
	s0 =	simm.s32 @p1 $0x1  }
0x15: {  	[smem:$0x3FB6] =	sst s0;
	s0 =	simm.s32 @!p2 $0x0  }
0x16: {  	s3 =	sld [smem:$0x3FDB];
	s0 =	simm.s32 @p2 $0x1  }
0x17: {  	s4 =	simm.s32 $0x1BF5;
	[smem:$0x3FB8] =	sst s0  }
0x18: {  	s0 =	sld [smem:$0x3F9B];
	_ =	swait.ge [sflag:s4], $0x0  }
0x19: {  	s7 =	sld [smem:$0x3F9C]  }
0x1a: {  	s8 =	sadd.s32 $0xFFFFE003, lr  }
0x1b: {  	s9 =	sadd.s32 $0xFFFFFEF7, lr;
	s5 =	simm.s32 $0xFFFFFFFF;
	p2 =	slt.u32 s8, $0xFFFFF086  }
0x1c: {  	p1 =	slt.u32 s9, $0xF7A;
	s5 =	simm.s32 @!p2 $0x0  }
0x1d: {  	s5 =	simm.s32 @p1 $0x1;
	p0 =	seq.s32 s7, s2  }
0x1e: {  	s7 =	smul.u32 @!p0 $0xF7A, s2;
	p2 =	seq.s32 @!p0 s5, $0x0  }
0x1f: {  	s9 =	smul.u32 $0xF7A, s1;
	s8 =	simm.s32 @!p0 $0x1BF5;
	p2 =	por !p2, p0  }
0x20: {  	[sflag:s8] =	ssyncset.s32 @!p0 $0xFFFFF086;
	s6 =	sadd.s32 @!p0 s3, s7;
	s7 =	simm.s32 @!p0 $0x108  }
0x21: {  	s3 =	sadd.s32 s3, s9;
	s6 =	sadd.s32 @!p0 $0x88, s6;
	s7 =	simm.s32 @p2 $0x1082  }
0x22: {  	[simem:s7], [sflag:s8] =	dma.local @!p0 [hbm:s6], $0xF7A  }
0x23: {  	s9 =	sor.u32 $0xD0000000, s2;
	s6 =	simm.s32 $0x108;
	_ =	swait.ge @!p0 [sflag:s8], $0x0  }
0x24: {  	s3 =	sadd.s32 $0x88, s3;
	s6 =	simm.s32 @!p1 $0x1082;
	[sflag:s4] =	ssyncset.s32 $0xFFFFF086  }
0x25: {  	[simem:s6], [sflag:s4] =	dma.local [hbm:s3], $0xF7A  }
0x26: {  	[smem:$0x3F9C] =	sst s1;
	(tag) =	ssettag s2;
	_ =	strace s9  }
0x27: {  	s1 =	sld [smem:$0x3FAC]  }
0x28: {  	s2 =	sld [smem:$0x3FAD]  }
0x29: {  	s4 =	sld [smem:$0x3FAF]  }
0x2a: {  	p0 =	seq.s32 s5, $0x0;
	s5 =	sld [smem:$0x3FB0]  }
0x2b: {  	s6 =	sld [smem:$0x3FB1]  }
0x2c: {  	s7 =	sld [smem:$0x3FB2]  }
0x2d: {  	s3 =	simm.s32 $0x108;
	s8 =	sld [smem:$0x3FB3]  }
0x2e: {  	s3 =	simm.s32 @!p0 $0x1082;
	s9 =	sld [smem:$0x3FB4]  }
0x2f: {  	lr =	sadd.s32 s0, s3;
	s0 =	sld [smem:$0x3FAB]  }
0x30: {  	s3 =	sld [smem:$0x3FAE]  }
0x31: {  	[smem:$0x3FB7] =	sst s10  }
0x32: {  	s10 =	sld [smem:$0x3FB5];
	_ =	sdelay $0x3  }
0x33: {  	p0 =	seq.s32 s10, $0x1;
	s10 =	sld [smem:$0x3FB7];
	_ =	sdelay $0x3  }
0x34: {  	[smem:$0x3FB7] =	sst s10  }
0x35: {  	s10 =	sld [smem:$0x3FB6];
	_ =	sdelay $0x3  }
0x36: {  	p1 =	seq.s32 s10, $0x1;
	s10 =	sld [smem:$0x3FB7];
	_ =	sdelay $0x3  }
0x37: {  	[smem:$0x3FB7] =	sst s10  }
0x38: {  	s10 =	sld [smem:$0x3FB8]  }
0x39: {  	_ = 	snop;
	(pc) =	sbr.ind lr, $3  }
0x3a: {  	_ = 	snop  }
0x3b: {  	_ = 	snop  }
0x3c: {  	p2 =	seq.s32 s10, $0x1;
	s10 =	sld [smem:$0x3FB7]  }
0x3d: {  	_ =	shalt  }
0x3e: {  	_ =	shalt  }
0x3f: {  	_ =	shalt  }
0x40: {  	_ =	shalt  }
0x41: {  	_ =	shalt  }
0x42: {  	_ =	shalt  }
0x43: {  	_ =	shalt  }
0x44: {  	_ =	shalt  }
0x45: {  	_ =	shalt  }
0x46: {  	_ =	shalt  }
0x47: {  	_ =	shalt  }
0x48: {  	_ =	shalt  }
0x49: {  	_ =	shalt  }
0x4a: {  	_ =	shalt  }
0x4b: {  	_ =	shalt  }
0x4c: {  	_ =	shalt  }
0x4d: {  	_ =	shalt  }
0x4e: {  	_ =	shalt  }
0x4f: {  	_ =	shalt  }
0x50: {  	_ =	shalt  }
0x51: {  	_ =	shalt  }
0x52: {  	_ =	shalt  }
0x53: {  	_ =	shalt  }
0x54: {  	_ =	shalt  }
0x55: {  	_ =	shalt  }
0x56: {  	_ =	shalt  }
0x57: {  	_ =	shalt  }
0x58: {  	_ =	shalt  }
0x59: {  	_ =	shalt  }
0x5a: {  	_ =	shalt  }
0x5b: {  	_ =	shalt  }
0x5c: {  	_ =	shalt  }
0x5d: {  	_ =	shalt  }
0x5e: {  	_ =	shalt  }
0x5f: {  	_ =	shalt  }
0x60: {  	_ =	shalt  }
0x61: {  	_ =	shalt  }
0x62: {  	_ =	shalt  }
0x63: {  	_ =	shalt  }
0x64: {  	_ =	shalt  }
0x65: {  	_ =	shalt  }
0x66: {  	_ =	shalt  }
0x67: {  	_ =	shalt  }
0x68: {  	_ =	shalt  }
0x69: {  	_ =	shalt  }
0x6a: {  	_ =	shalt  }
0x6b: {  	_ =	shalt  }
0x6c: {  	_ =	shalt  }
0x6d: {  	_ =	shalt  }
0x6e: {  	_ =	shalt  }
0x6f: {  	_ =	shalt  }
0x70: {  	_ =	shalt  }
0x71: {  	_ =	shalt  }
0x72: {  	_ =	shalt  }
0x73: {  	_ =	shalt  }
0x74: {  	_ =	shalt  }
0x75: {  	_ =	shalt  }
0x76: {  	_ =	shalt  }
0x77: {  	_ =	shalt  }
0x78: {  	_ =	shalt  }
0x79: {  	_ =	shalt  }
0x7a: {  	_ =	shalt  }
0x7b: {  	_ =	shalt  }
0x7c: {  	_ =	shalt  }
0x7d: {  	_ =	shalt  }
0x7e: {  	_ =	shalt  }
0x7f: {  	_ =	shalt  }
0x80: {  	_ =	shalt  }
0x81: {  	_ =	shalt  }
0x82: {  	_ =	shalt  }
0x83: {  	_ =	shalt  }
0x84: {  	_ =	shalt  }
0x85: {  	_ =	shalt  }
0x86: {  	_ =	shalt  }
0x87: {  	_ =	shalt  }
.Lfunc_end0:
.L_simem_size_0:
called_computation_lowered:
.L_overlay_start_0:
0x88: {  	s2 =	sld [smem:$0x3FD9]  }
0x89: {  	s3 =	sld [smem:$0x3FFE];
	_ =	sdelay $0x1  }
0x8a: {  	s1 =	srdreg.scid  }
0x8b: {  	s0 =	sand.u32 $0x1, s1  }
0x8c: {  	s17 =	sshll.u32 s0, $0xA;
	s2 =	sadd.s32 s3, s2  }
0x8d: {  	s2 =	sadd.s32 s2, s17  }
0x8e: {  	[smem:$0x3FC3] =	sst s2  }
0x8f: {  	_ = 	snop  }
0x90: {  	s2 =	sld [smem:$0x3FC9]  }
0x91: {  	s18 =	sld [smem:$0x3FC6]  }
0x92: {  	s4 =	sld [smem:$0x3FC5];
	(tm) =	ssettm $0x1  }
0x93: {  	s5 =	sld [smem:$0x3FFB];
	_ =	sdelay $0x3  }
0x94: {  	_ =	strace s5  }
0x95: {  	s5 =	sld [smem:$0x3FFC];
	_ =	sdelay $0x3  }
0x96: {  	_ =	strace s5  }
0x97: {  	s5 =	sld [smem:$0x3FFD];
	_ =	sdelay $0x3  }
0x98: {  	_ =	strace s5  }
0x99: {  	_ =	strace $0x8FFFFFFF  }
0x9a: {  	s19 =	sld [smem:$0x3FDB];
	_ =	sdelay $0x1  }
0x9b: {  	s6 =	simm.s32 $_scs_section_size  }
0x9c: {  	s7 =	simm.s32 $_size__tile_overlayer_lowered;
	s8 =	simm.s32 $_tile_overlayer_lowered  }
0x9d: {  	s22 =	simm.s32 $0x1BFF;
	s21 =	sshll.u32 s8, $0x1;
	s5 =	sadd.s32 s6, s19  }
0x9e: {  	s9 =	simm.s32 $0x0;
	s20 =	sshll.u32 s7, $0x1;
	s7 =	sadd.s32 s21, s5  }
0x9f: {  	[timem:s9], [sflag:s22] =	dma.local [hbm:s7], s20  }
0xa0: {  	_ =	swait.ge [sflag:s22], s20  }
0xa1: {  	s6 =	ssub.s32 $0x0, s20;
	[sflag:s22] =	ssyncset.done $0x0  }
0xa2: {  	[sflag:s22] =	ssyncadd.s32 s6;
	_ =	sdelay $0x1  }
0xa3: {  	s23 =	simm.s32 $0x1B8B  }
0xa4: {  	_ =	swait.ge [sflag:s23], $0x1  }
0xa5: {  	[sflag:s23] =	ssyncset.done $0x0  }
0xa6: {  	s25 =	simm.s32 $0x1B8E;
	s24 =	sld [smem:$0x3FFE];
	[sflag:s23] =	ssyncadd.s32 $0xFFFFFFFF  }
0xa7: {  	s26 =	simm.s32 $execute0_lowered;
	[smem:$0x3FD2] =	sst s25  }
0xa8: {  	s7 =	sshll.u32 s26, $0x1;
	_ =	strace $0x80000046;
	[dreg:$0x1] =	wrdreg $0xFFFFFFFF  }
0xa9: {  	s28 =	simm.s32 $_size_execute0_lowered;
	s5 =	sadd.s32 s5, s7;
	[dreg:$0x0] =	wrdreg $0x0  }
0xaa: {  	s7 =	sshll.u32 s28, $0x1;
	[dreg:$0x2] =	wrdreg s5  }
0xab: {  	[dreg:$0x3] =	wrdreg s7  }
0xac: {  	[dreg:$0x4] =	wrdreg $0xC0  }
0xad: {  	_ =	task [dreg:s9], $0x5FFFF  }
0xae: {  	[dreg:$0x1] =	wrdreg $0xFFFFFFFF  }
0xaf: {  	[dreg:$0x0] =	wrdreg $0x60  }
0xb0: {  	[dreg:$0x2] =	wrdreg s24  }
0xb1: {  	[dreg:$0x3] =	wrdreg s2  }
0xb2: {  	[dreg:$0x4] =	wrdreg s18  }
0xb3: {  	[dreg:$0x5] =	wrdreg s4  }
0xb4: {  	[dreg:$0x6] =	wrdreg $0x9  }
0xb5: {  	_ =	task.clear_ibuf [dreg:s9], $0x7FFFF;
	_ =	strace $0x90000046  }
0xb6: {  	s29 =	simm.s32 $0x9;
	_ =	strace $0x80000048  }
0xb7: {  	_ =	swait.ge [sflag:s29], $0x1  }
0xb8: {  	[sflag:s29] =	ssyncadd.s32 $0xFFFFFFFF  }
0xb9: {  	_ =	strace $0x90000048  }
0xba: {  	_ =	sfence  }
0xbb: {  	s30 =	sld [smem:$0x0];
	_ =	sdelay $0x2  }
0xbc: {  	s31 =	sshll.u32 s1, $0xD;
	s1 =	sshrl.u32 s1, $0x2  }
0xbd: {  	s3 =	sand.u32 $0x4000, s31;
	s1 =	sadd.s32 s1, s30  }
0xbe: {  	s0 =	sor.u32 s3, s0;
	s1 =	sshll.u32 s1, $0x11  }
0xbf: {  	s0 =	sor.u32 s1, s0  }
0xc0: {  	s0 =	sadd.s32 $0x8F2B, s0  }
0xc1: {  	[sflag:s0] =	ssyncadd.remote.s32 $0x1  }
0xc2: {  	_ =	sfence.sel $0xFFFF  }
0xc3: {  	[dreg:$0x0] =	wrdreg $0xFFFFFFFF;
	(pc) =	sbr.abs _section_cstart, $3  }
0xc4: {  	[dreg:$0x1] =	wrdreg $0xFFFFFFFF  }
0xc5: {  	_ =	task.clear_ibuf [dreg:s9], $0x2FFFF;
	_ =	strace $0x9FFFFFFF  }
0xc6: {  	(tm) =	ssettm $0x7FFFFFFF  }
0xc7: {  	_ =	shalt  }
tec
execute0_lowered:
.L_overlay_start_1:
0x0: {  	(tag) =	ssettag $0x1  }
0x1: {  	s0 =	rddreg [dreg:$0x0]  }
0x2: {  	s1 =	rddreg [dreg:$0x1];
	s2 =	srdreg.scid  }
0x3: {  	s3 =	stileid.u32;
	s10 =	simm.s32 $0x5;
	s11 =	simm.s32 $0x4080  }
0x4: {  	s12 =	simm.s32 $0x80;
	s13 =	simm.s32 $0x1;
	s14 =	simm.s32 $0x70  }
0x5: {  	s17 =	simm.s32 $0xE880;
	s18 =	simm.s32 $0x4160;
	s19 =	simm.s32 $0x12080  }
0x6: {  	s20 =	simm.s32 $0x41D0;
	s21 =	simm.s32 $0x15880;
	s22 =	simm.s32 $0x19080  }
0x7: {  	s23 =	simm.s32 $0x400;
	s24 =	simm.s32 $0x2;
	s25 =	simm.s32 $0x19180  }
0x8: {  	s26 =	simm.s32 $0x3;
	s28 =	simm.s32 $0x4;
	s29 =	simm.s32 $0x0  }
0x9: {  	s2 =	sand.u32 $0x1, s2;
	s4 =	sshll.u32 s3, $0x1;
	s3 =	rddreg [dreg:$0x3]  }
0xa: {  	s8 =	sor.u32 s2, s4;
	s4 =	simm.s32 $0x0;
	s2 =	ssub.s32 $0x2, s2  }
0xb: {  	s5 =	smul.u32 $0xE00, s8;
	[smem:$0x7FF] =	sst s4;
	s31 =	sshrl.u32 s2, $0x1  }
0xc: {  	s6 =	sshll.u32 s8, $0x4;
	s8 =	sshll.u32 s8, $0xC;
	_ =	strace $0x80000047  }
0xd: {  	s7 =	sadd.s32 s5, s0;
	s5 =	sadd.s32 $0x1C600, s0;
	s0 =	ssub.s32 s2, s31  }
0xe: {  	vm0 =	vcmask $0x3F3C;
	s6 =	sadd.s32 s1, s6;
	s7 =	sadd.s32 $0x600, s7;
	s9 =	smax.u32 s0, $0x1  }
.LBB2_1:
0xf: {  	[tilespmem:s4], [sflag:$0x5] =	stream.linear.gather [hbm4b:s6+s4], $0x80, $0x38;
	[tilespmem:$0x19280] =	vst v63  }
0x10: {  	_ =	swait.ge [sflag:s10], $0x80  }
0x11: {  	[sflag:s10] =	ssyncset.done $0x0  }
0x12: {  	[sflag:s10] =	ssyncadd.s32 $0xFFFFFF80  }
0x13: {  	[tilespmem:s11], [sflag:$0x5] =	stream.linear.gather [hbm4b:s7+s4], $0x7000, $0x38;
	[tilespmem:$0x19280] =	vst v63  }
0x14: {  	_ =	swait.ge [sflag:s10], $0x7000  }
0x15: {  	[sflag:s10] =	ssyncset.done $0x0  }
0x16: {  	[sflag:s10] =	ssyncadd.s32 $0xFFFF9000  }
0x17: {  	s0 =	rddreg [dreg:$0x2]  }
0x18: {  	[tilespmem:s12], [sflag:$0x1] =	stream.indirect.gather [hbm4b:s0+s12], $0x80, s4, s12, $0xb8;
	[tilespmem:$0x19280] =	vst v63  }
0x19: {  	_ =	swait.ge [sflag:s13], $0x4000  }
0x1a: {  	[sflag:s13] =	ssyncset.done $0x0  }
0x1b: {  	s16 =	simm.s32 $0xB080;
	[sflag:s13] =	ssyncadd.s32 $0xFFFFC000  }
0x1c: {  	[tilespmem:s16], [sflag:$0x1] =	stream.indirect.gather [hbm4b:s3+s14], $0x80, s11, s14, $0xb8;
	[tilespmem:$0x19280] =	vst v63  }
0x1d: {  	s31 =	simm.s32 $0x40F0  }
0x1e: {  	[tilespmem:s17], [sflag:$0x1] =	stream.indirect.gather [hbm4b:s3+s14], $0x80, s31, s14, $0xb8;
	[tilespmem:$0x19280] =	vst v63  }
0x1f: {  	_ = 	snop  }
0x20: {  	[tilespmem:s19], [sflag:$0x2] =	stream.indirect.gather [hbm4b:s3+s14], $0x80, s18, s14, $0xb8;
	[tilespmem:$0x19280] =	vst v63  }
0x21: {  	s30 =	simm.s32 $0x0  }
0x22: {  	[tilespmem:s21], [sflag:$0x2] =	stream.indirect.gather [hbm4b:s3+s14], $0x80, s20, s14, $0xb8;
	[tilespmem:$0x19280] =	vst v63  }
.LBB2_2:
0x23: {  	_ =	swait.ge [sflag:s13], $0x7000  }
0x24: {  	p0 =	seq.s32 s30, $0x0;
	[sflag:s13] =	ssyncset.done $0x0  }
0x25: {  	s0 =	simm.s32 @!p0 $0x3;
	[sflag:s13] =	ssyncadd.s32 $0xFFFF9000  }
0x26: {  	_ =	swait.ge @!p0 [sflag:s0], $0x100  }
0x27: {  	s1 =	sshll.u32 s30, $0x8;
	[sflag:s0] =	ssyncset.done @!p0 $0x0  }
0x28: {  	s1 =	sand.u32 $0x3FFFFF00, s1;
	[sflag:s0] =	ssyncadd.s32 @!p0 $0xFFFFFF00  }
0x29: {  	v0 =	vld [tilespmem:s1+$0x80]  }
0x2a: {  	v1 =	vld [tilespmem:s1+$0x90]  }
0x2b: {  	v2 =	vld [tilespmem:s1+$0xA0]  }
0x2c: {  	v3 =	vld [tilespmem:s1+$0xB0]  }
0x2d: {  	v4 =	vld [tilespmem:s1+$0xC0]  }
0x2e: {  	v5 =	vld [tilespmem:s1+$0xD0]  }
0x2f: {  	v6 =	vld [tilespmem:s1+$0xE0]  }
0x30: {  	s2 =	simm.s32 $0xB480;
	s0 =	sshll.u32 s30, $0x1;
	v7 =	vld [tilespmem:s1+$0xF0];
	s1 =	simm.s32 $0x0  }
.LBB2_3:
0x31: {  	v8 =	vld [tilespmem:s2+$0xFFFFFC00]  }
0x32: {  	v9 =	vld [tilespmem:s2+$0xFFFFFC10]  }
0x33: {  	v10 =	vld [tilespmem:s2+$0xFFFFFC20]  }
0x34: {  	v11 =	vld [tilespmem:s2+$0xFFFFFC30]  }
0x35: {  	v12 =	vld [tilespmem:s2+$0xFFFFFC40]  }
0x36: {  	v13 =	vld [tilespmem:s2+$0xFFFFFC50]  }
0x37: {  	v14 =	vld [tilespmem:s2+$0xFFFFFC60]  }
0x38: {  	v15 =	vld [tilespmem:s2+$0xFFFFFC70];
	_ =	sdelay $0x1  }
0x39: {  	v8 =	vmul.f32 v8, v0;
	v9 =	vmul.f32 v9, v1  }
0x3a: {  	v10 =	vmul.f32 v10, v2;
	v11 =	vmul.f32 v11, v3  }
0x3b: {  	v12 =	vmul.f32 v12, v4;
	v13 =	vmul.f32 v13, v5  }
0x3c: {  	v14 =	vmul.f32 v14, v6;
	v15 =	vmul.f32 v15, v7  }
0x3d: {  	v8 =	vadd.f32 v9, v8;
	v16 =	vadd.f32 v11, v10  }
0x3e: {  	v17 =	vadd.f32 v13, v12;
	v18 =	vadd.f32 v15, v14;
	_ =	sdelay $0x1  }
0x3f: {  	v8 =	vadd.f32 v16, v8;
	v19 =	vadd.f32 v18, v17;
	_ =	sdelay $0x1  }
0x40: {  	v8 =	vadd.f32 v19, v8;
	_ =	sdelay $0x1  }
0x41: {  	(xrf2) =	vadd.scan.msk.f32 $0xffff, v8;
	_ =	sdelay $0x5  }
0x42: {  	v8 =	vmov s1;
	_ =	sdelay $0x3  }
0x43: {  	v20, _, _ =	vpop (xrf2)  }
0x44: {  	[tilespmem:v8+s22+$0x0] =	vst.idx.msk vm0, v20  }
0x45: {  	v9 =	vld [tilespmem:s2+$0xFFFFFC80]  }
0x46: {  	v21 =	vld [tilespmem:s2+$0xFFFFFC90]  }
0x47: {  	v22 =	vld [tilespmem:s2+$0xFFFFFCA0]  }
0x48: {  	v23 =	vld [tilespmem:s2+$0xFFFFFCB0]  }
0x49: {  	v24 =	vld [tilespmem:s2+$0xFFFFFCC0]  }
0x4a: {  	v25 =	vld [tilespmem:s2+$0xFFFFFCD0]  }
0x4b: {  	v26 =	vld [tilespmem:s2+$0xFFFFFCE0]  }
0x4c: {  	v16 =	vld [tilespmem:s2+$0xFFFFFCF0];
	_ =	sdelay $0x1  }
0x4d: {  	v9 =	vmul.f32 v9, v0;
	v10 =	vmul.f32 v21, v1  }
0x4e: {  	v11 =	vmul.f32 v22, v2;
	v12 =	vmul.f32 v23, v3  }
0x4f: {  	v13 =	vmul.f32 v24, v4;
	v14 =	vmul.f32 v25, v5  }
0x50: {  	v15 =	vmul.f32 v26, v6;
	v16 =	vmul.f32 v16, v7  }
0x51: {  	v9 =	vadd.f32 v10, v9;
	v27 =	vadd.f32 v12, v11  }
0x52: {  	v28 =	vadd.f32 v14, v13;
	v29 =	vadd.f32 v16, v15;
	_ =	sdelay $0x1  }
0x53: {  	v9 =	vadd.f32 v27, v9;
	v30 =	vadd.f32 v29, v28;
	_ =	sdelay $0x1  }
0x54: {  	v9 =	vadd.f32 v30, v9;
	_ =	sdelay $0x1  }
0x55: {  	(xrf2) =	vadd.scan.msk.f32 $0xffff, v9;
	_ =	sdelay $0x5  }
0x56: {  	v31 =	vor.u32 $0x1, v8;
	_ =	sdelay $0x3  }
0x57: {  	v32, _, _ =	vpop (xrf2)  }
0x58: {  	[tilespmem:v31+s22+$0x0] =	vst.idx.msk vm0, v32  }
0x59: {  	v9 =	vld [tilespmem:s2+$0xFFFFFD00]  }
0x5a: {  	v10 =	vld [tilespmem:s2+$0xFFFFFD10]  }
0x5b: {  	v33 =	vld [tilespmem:s2+$0xFFFFFD20]  }
0x5c: {  	v34 =	vld [tilespmem:s2+$0xFFFFFD30]  }
0x5d: {  	v35 =	vld [tilespmem:s2+$0xFFFFFD40]  }
0x5e: {  	v36 =	vld [tilespmem:s2+$0xFFFFFD50]  }
0x5f: {  	v37 =	vld [tilespmem:s2+$0xFFFFFD60]  }
0x60: {  	v38 =	vld [tilespmem:s2+$0xFFFFFD70];
	_ =	sdelay $0x1  }
0x61: {  	v9 =	vmul.f32 v9, v0;
	v10 =	vmul.f32 v10, v1  }
0x62: {  	v11 =	vmul.f32 v33, v2;
	v12 =	vmul.f32 v34, v3  }
0x63: {  	v13 =	vmul.f32 v35, v4;
	v14 =	vmul.f32 v36, v5  }
0x64: {  	v15 =	vmul.f32 v37, v6;
	v16 =	vmul.f32 v38, v7  }
0x65: {  	v9 =	vadd.f32 v10, v9;
	v39 =	vadd.f32 v12, v11  }
0x66: {  	v40 =	vadd.f32 v14, v13;
	v41 =	vadd.f32 v16, v15;
	_ =	sdelay $0x1  }
0x67: {  	v9 =	vadd.f32 v39, v9;
	v42 =	vadd.f32 v41, v40;
	_ =	sdelay $0x1  }
0x68: {  	v9 =	vadd.f32 v42, v9;
	_ =	sdelay $0x1  }
0x69: {  	(xrf2) =	vadd.scan.msk.f32 $0xffff, v9;
	_ =	sdelay $0x5  }
0x6a: {  	v43 =	vor.u32 $0x2, v8;
	_ =	sdelay $0x3  }
0x6b: {  	v44, _, _ =	vpop (xrf2)  }
0x6c: {  	[tilespmem:v43+s22+$0x0] =	vst.idx.msk vm0, v44  }
0x6d: {  	v9 =	vld [tilespmem:s2+$0xFFFFFD80]  }
0x6e: {  	v10 =	vld [tilespmem:s2+$0xFFFFFD90]  }
0x6f: {  	v45 =	vld [tilespmem:s2+$0xFFFFFDA0]  }
0x70: {  	v46 =	vld [tilespmem:s2+$0xFFFFFDB0]  }
0x71: {  	v47 =	vld [tilespmem:s2+$0xFFFFFDC0]  }
0x72: {  	v48 =	vld [tilespmem:s2+$0xFFFFFDD0]  }
0x73: {  	v49 =	vld [tilespmem:s2+$0xFFFFFDE0]  }
0x74: {  	v50 =	vld [tilespmem:s2+$0xFFFFFDF0];
	_ =	sdelay $0x1  }
0x75: {  	v9 =	vmul.f32 v9, v0;
	v10 =	vmul.f32 v10, v1  }
0x76: {  	v11 =	vmul.f32 v45, v2;
	v12 =	vmul.f32 v46, v3  }
0x77: {  	v13 =	vmul.f32 v47, v4;
	v14 =	vmul.f32 v48, v5  }
0x78: {  	v15 =	vmul.f32 v49, v6;
	v16 =	vmul.f32 v50, v7  }
0x79: {  	v9 =	vadd.f32 v10, v9;
	v51 =	vadd.f32 v12, v11  }
0x7a: {  	v52 =	vadd.f32 v14, v13;
	v53 =	vadd.f32 v16, v15;
	_ =	sdelay $0x1  }
0x7b: {  	v9 =	vadd.f32 v51, v9;
	v54 =	vadd.f32 v53, v52;
	_ =	sdelay $0x1  }
0x7c: {  	v9 =	vadd.f32 v54, v9;
	_ =	sdelay $0x1  }
0x7d: {  	(xrf2) =	vadd.scan.msk.f32 $0xffff, v9;
	_ =	sdelay $0x5  }
0x7e: {  	v55 =	vor.u32 $0x3, v8;
	_ =	sdelay $0x3  }
0x7f: {  	v56, _, _ =	vpop (xrf2)  }
0x80: {  	[tilespmem:v55+s22+$0x0] =	vst.idx.msk vm0, v56  }
0x81: {  	v9 =	vld [tilespmem:s2+$0xFFFFFE00]  }
0x82: {  	v10 =	vld [tilespmem:s2+$0xFFFFFE10]  }
0x83: {  	v57 =	vld [tilespmem:s2+$0xFFFFFE20]  }
0x84: {  	v58 =	vld [tilespmem:s2+$0xFFFFFE30]  }
0x85: {  	v59 =	vld [tilespmem:s2+$0xFFFFFE40]  }
0x86: {  	v60 =	vld [tilespmem:s2+$0xFFFFFE50]  }
0x87: {  	v61 =	vld [tilespmem:s2+$0xFFFFFE60]  }
0x88: {  	v62 =	vld [tilespmem:s2+$0xFFFFFE70];
	_ =	sdelay $0x1  }
0x89: {  	v9 =	vmul.f32 v9, v0;
	v10 =	vmul.f32 v10, v1  }
0x8a: {  	v11 =	vmul.f32 v57, v2;
	v12 =	vmul.f32 v58, v3  }
0x8b: {  	v13 =	vmul.f32 v59, v4;
	v14 =	vmul.f32 v60, v5  }
0x8c: {  	v15 =	vmul.f32 v61, v6;
	v16 =	vmul.f32 v62, v7  }
0x8d: {  	v9 =	vadd.f32 v10, v9;
	v63 =	vadd.f32 v12, v11  }
0x8e: {  	v17 =	vadd.f32 v14, v13;
	v18 =	vadd.f32 v16, v15;
	_ =	sdelay $0x1  }
0x8f: {  	v9 =	vadd.f32 v63, v9;
	v19 =	vadd.f32 v18, v17;
	_ =	sdelay $0x1  }
0x90: {  	v9 =	vadd.f32 v19, v9;
	_ =	sdelay $0x1  }
0x91: {  	(xrf2) =	vadd.scan.msk.f32 $0xffff, v9;
	_ =	sdelay $0x5  }
0x92: {  	v20 =	vor.u32 $0x4, v8;
	_ =	sdelay $0x3  }
0x93: {  	v21, _, _ =	vpop (xrf2)  }
0x94: {  	[tilespmem:v20+s22+$0x0] =	vst.idx.msk vm0, v21  }
0x95: {  	v9 =	vld [tilespmem:s2+$0xFFFFFE80]  }
0x96: {  	v10 =	vld [tilespmem:s2+$0xFFFFFE90]  }
0x97: {  	v22 =	vld [tilespmem:s2+$0xFFFFFEA0]  }
0x98: {  	v23 =	vld [tilespmem:s2+$0xFFFFFEB0]  }
0x99: {  	v24 =	vld [tilespmem:s2+$0xFFFFFEC0]  }
0x9a: {  	v25 =	vld [tilespmem:s2+$0xFFFFFED0]  }
0x9b: {  	v26 =	vld [tilespmem:s2+$0xFFFFFEE0]  }
0x9c: {  	v27 =	vld [tilespmem:s2+$0xFFFFFEF0];
	_ =	sdelay $0x1  }
0x9d: {  	v9 =	vmul.f32 v9, v0;
	v10 =	vmul.f32 v10, v1  }
0x9e: {  	v11 =	vmul.f32 v22, v2;
	v12 =	vmul.f32 v23, v3  }
0x9f: {  	v13 =	vmul.f32 v24, v4;
	v14 =	vmul.f32 v25, v5  }
0xa0: {  	v15 =	vmul.f32 v26, v6;
	v16 =	vmul.f32 v27, v7  }
0xa1: {  	v9 =	vadd.f32 v10, v9;
	v28 =	vadd.f32 v12, v11  }
0xa2: {  	v29 =	vadd.f32 v14, v13;
	v30 =	vadd.f32 v16, v15;
	_ =	sdelay $0x1  }
0xa3: {  	v9 =	vadd.f32 v28, v9;
	v31 =	vadd.f32 v30, v29;
	_ =	sdelay $0x1  }
0xa4: {  	v9 =	vadd.f32 v31, v9;
	_ =	sdelay $0x1  }
0xa5: {  	(xrf2) =	vadd.scan.msk.f32 $0xffff, v9;
	_ =	sdelay $0x5  }
0xa6: {  	v32 =	vor.u32 $0x5, v8;
	_ =	sdelay $0x3  }
0xa7: {  	v33, _, _ =	vpop (xrf2)  }
0xa8: {  	[tilespmem:v32+s22+$0x0] =	vst.idx.msk vm0, v33  }
0xa9: {  	v9 =	vld [tilespmem:s2+$0xFFFFFF00]  }
0xaa: {  	v10 =	vld [tilespmem:s2+$0xFFFFFF10]  }
0xab: {  	v34 =	vld [tilespmem:s2+$0xFFFFFF20]  }
0xac: {  	v35 =	vld [tilespmem:s2+$0xFFFFFF30]  }
0xad: {  	v36 =	vld [tilespmem:s2+$0xFFFFFF40]  }
0xae: {  	v37 =	vld [tilespmem:s2+$0xFFFFFF50]  }
0xaf: {  	v38 =	vld [tilespmem:s2+$0xFFFFFF60]  }
0xb0: {  	v39 =	vld [tilespmem:s2+$0xFFFFFF70];
	_ =	sdelay $0x1  }
0xb1: {  	v9 =	vmul.f32 v9, v0;
	v10 =	vmul.f32 v10, v1  }
0xb2: {  	v11 =	vmul.f32 v34, v2;
	v12 =	vmul.f32 v35, v3  }
0xb3: {  	v13 =	vmul.f32 v36, v4;
	v14 =	vmul.f32 v37, v5  }
0xb4: {  	v15 =	vmul.f32 v38, v6;
	v16 =	vmul.f32 v39, v7  }
0xb5: {  	v9 =	vadd.f32 v10, v9;
	v40 =	vadd.f32 v12, v11  }
0xb6: {  	v41 =	vadd.f32 v14, v13;
	v42 =	vadd.f32 v16, v15;
	_ =	sdelay $0x1  }
0xb7: {  	v9 =	vadd.f32 v40, v9;
	v43 =	vadd.f32 v42, v41;
	_ =	sdelay $0x1  }
0xb8: {  	v9 =	vadd.f32 v43, v9;
	_ =	sdelay $0x1  }
0xb9: {  	(xrf2) =	vadd.scan.msk.f32 $0xffff, v9;
	_ =	sdelay $0x5  }
0xba: {  	v44 =	vor.u32 $0x6, v8;
	_ =	sdelay $0x3  }
0xbb: {  	v45, _, _ =	vpop (xrf2)  }
0xbc: {  	[tilespmem:v44+s22+$0x0] =	vst.idx.msk vm0, v45  }
0xbd: {  	v9 =	vld [tilespmem:s2+$0xFFFFFF80]  }
0xbe: {  	v10 =	vld [tilespmem:s2+$0xFFFFFF90]  }
0xbf: {  	v46 =	vld [tilespmem:s2+$0xFFFFFFA0]  }
0xc0: {  	v47 =	vld [tilespmem:s2+$0xFFFFFFB0]  }
0xc1: {  	v48 =	vld [tilespmem:s2+$0xFFFFFFC0]  }
0xc2: {  	v49 =	vld [tilespmem:s2+$0xFFFFFFD0]  }
0xc3: {  	v50 =	vld [tilespmem:s2+$0xFFFFFFE0]  }
0xc4: {  	v51 =	vld [tilespmem:s2+$0xFFFFFFF0];
	_ =	sdelay $0x1  }
0xc5: {  	v9 =	vmul.f32 v9, v0;
	v10 =	vmul.f32 v10, v1  }
0xc6: {  	v11 =	vmul.f32 v46, v2;
	v12 =	vmul.f32 v47, v3  }
0xc7: {  	v13 =	vmul.f32 v48, v4;
	v14 =	vmul.f32 v49, v5  }
0xc8: {  	v15 =	vmul.f32 v50, v6;
	v16 =	vmul.f32 v51, v7  }
0xc9: {  	v9 =	vadd.f32 v10, v9;
	v52 =	vadd.f32 v12, v11  }
0xca: {  	v53 =	vadd.f32 v14, v13;
	v54 =	vadd.f32 v16, v15;
	_ =	sdelay $0x1  }
0xcb: {  	v9 =	vadd.f32 v52, v9;
	v55 =	vadd.f32 v54, v53;
	_ =	sdelay $0x1  }
0xcc: {  	v9 =	vadd.f32 v55, v9;
	_ =	sdelay $0x1  }
0xcd: {  	(xrf2) =	vadd.scan.msk.f32 $0xffff, v9;
	_ =	sdelay $0x5  }
0xce: {  	v56 =	vor.u32 $0x7, v8;
	_ =	sdelay $0x3  }
0xcf: {  	v57, _, _ =	vpop (xrf2)  }
0xd0: {  	[tilespmem:v56+s22+$0x0] =	vst.idx.msk vm0, v57  }
0xd1: {  	v9 =	vld [tilespmem:s2+$0x0]  }
0xd2: {  	v10 =	vld [tilespmem:s2+$0x10]  }
0xd3: {  	v58 =	vld [tilespmem:s2+$0x20]  }
0xd4: {  	v59 =	vld [tilespmem:s2+$0x30]  }
0xd5: {  	v60 =	vld [tilespmem:s2+$0x40]  }
0xd6: {  	v61 =	vld [tilespmem:s2+$0x50]  }
0xd7: {  	v62 =	vld [tilespmem:s2+$0x60]  }
0xd8: {  	v63 =	vld [tilespmem:s2+$0x70];
	_ =	sdelay $0x1  }
0xd9: {  	v9 =	vmul.f32 v9, v0;
	v10 =	vmul.f32 v10, v1  }
0xda: {  	v11 =	vmul.f32 v58, v2;
	v12 =	vmul.f32 v59, v3  }
0xdb: {  	v13 =	vmul.f32 v60, v4;
	v14 =	vmul.f32 v61, v5  }
0xdc: {  	v15 =	vmul.f32 v62, v6;
	v16 =	vmul.f32 v63, v7  }
0xdd: {  	v9 =	vadd.f32 v10, v9;
	v20 =	vadd.f32 v12, v11  }
0xde: {  	v21 =	vadd.f32 v14, v13;
	v22 =	vadd.f32 v16, v15;
	_ =	sdelay $0x1  }
0xdf: {  	v9 =	vadd.f32 v20, v9;
	v23 =	vadd.f32 v22, v21;
	_ =	sdelay $0x1  }
0xe0: {  	v9 =	vadd.f32 v23, v9;
	_ =	sdelay $0x1  }
0xe1: {  	(xrf2) =	vadd.scan.msk.f32 $0xffff, v9;
	_ =	sdelay $0x5  }
0xe2: {  	v24 =	vor.u32 $0x8, v8;
	_ =	sdelay $0x3  }
0xe3: {  	v25, _, _ =	vpop (xrf2)  }
0xe4: {  	[tilespmem:v24+s22+$0x0] =	vst.idx.msk vm0, v25  }
0xe5: {  	v9 =	vld [tilespmem:s2+$0x80]  }
0xe6: {  	v10 =	vld [tilespmem:s2+$0x90]  }
0xe7: {  	v26 =	vld [tilespmem:s2+$0xA0]  }
0xe8: {  	v27 =	vld [tilespmem:s2+$0xB0]  }
0xe9: {  	v28 =	vld [tilespmem:s2+$0xC0]  }
0xea: {  	v29 =	vld [tilespmem:s2+$0xD0]  }
0xeb: {  	v30 =	vld [tilespmem:s2+$0xE0]  }
0xec: {  	v31 =	vld [tilespmem:s2+$0xF0];
	_ =	sdelay $0x1  }
0xed: {  	v9 =	vmul.f32 v9, v0;
	v10 =	vmul.f32 v10, v1  }
0xee: {  	v11 =	vmul.f32 v26, v2;
	v12 =	vmul.f32 v27, v3  }
0xef: {  	v13 =	vmul.f32 v28, v4;
	v14 =	vmul.f32 v29, v5  }
0xf0: {  	v15 =	vmul.f32 v30, v6;
	v16 =	vmul.f32 v31, v7  }
0xf1: {  	v9 =	vadd.f32 v10, v9;
	v32 =	vadd.f32 v12, v11  }
0xf2: {  	v33 =	vadd.f32 v14, v13;
	v34 =	vadd.f32 v16, v15;
	_ =	sdelay $0x1  }
0xf3: {  	v9 =	vadd.f32 v32, v9;
	v35 =	vadd.f32 v34, v33;
	_ =	sdelay $0x1  }
0xf4: {  	v9 =	vadd.f32 v35, v9;
	_ =	sdelay $0x1  }
0xf5: {  	(xrf2) =	vadd.scan.msk.f32 $0xffff, v9;
	_ =	sdelay $0x5  }
0xf6: {  	v36 =	vor.u32 $0x9, v8;
	_ =	sdelay $0x3  }
0xf7: {  	v37, _, _ =	vpop (xrf2)  }
0xf8: {  	[tilespmem:v36+s22+$0x0] =	vst.idx.msk vm0, v37  }
0xf9: {  	v9 =	vld [tilespmem:s2+$0x100]  }
0xfa: {  	v10 =	vld [tilespmem:s2+$0x110]  }
0xfb: {  	v38 =	vld [tilespmem:s2+$0x120]  }
0xfc: {  	v39 =	vld [tilespmem:s2+$0x130]  }
0xfd: {  	v40 =	vld [tilespmem:s2+$0x140]  }
0xfe: {  	v41 =	vld [tilespmem:s2+$0x150]  }
0xff: {  	v42 =	vld [tilespmem:s2+$0x160]  }
0x100: {  	v43 =	vld [tilespmem:s2+$0x170];
	_ =	sdelay $0x1  }
0x101: {  	v9 =	vmul.f32 v9, v0;
	v10 =	vmul.f32 v10, v1  }
0x102: {  	v11 =	vmul.f32 v38, v2;
	v12 =	vmul.f32 v39, v3  }
0x103: {  	v13 =	vmul.f32 v40, v4;
	v14 =	vmul.f32 v41, v5  }
0x104: {  	v15 =	vmul.f32 v42, v6;
	v16 =	vmul.f32 v43, v7  }
0x105: {  	v9 =	vadd.f32 v10, v9;
	v44 =	vadd.f32 v12, v11  }
0x106: {  	v45 =	vadd.f32 v14, v13;
	v46 =	vadd.f32 v16, v15;
	_ =	sdelay $0x1  }
0x107: {  	v9 =	vadd.f32 v44, v9;
	v47 =	vadd.f32 v46, v45;
	_ =	sdelay $0x1  }
0x108: {  	v9 =	vadd.f32 v47, v9;
	_ =	sdelay $0x1  }
0x109: {  	(xrf2) =	vadd.scan.msk.f32 $0xffff, v9;
	_ =	sdelay $0x5  }
0x10a: {  	v48 =	vor.u32 $0xA, v8;
	_ =	sdelay $0x3  }
0x10b: {  	v49, _, _ =	vpop (xrf2)  }
0x10c: {  	[tilespmem:v48+s22+$0x0] =	vst.idx.msk vm0, v49  }
0x10d: {  	v9 =	vld [tilespmem:s2+$0x180]  }
0x10e: {  	v10 =	vld [tilespmem:s2+$0x190]  }
0x10f: {  	v50 =	vld [tilespmem:s2+$0x1A0]  }
0x110: {  	v51 =	vld [tilespmem:s2+$0x1B0]  }
0x111: {  	v52 =	vld [tilespmem:s2+$0x1C0]  }
0x112: {  	v53 =	vld [tilespmem:s2+$0x1D0]  }
0x113: {  	v54 =	vld [tilespmem:s2+$0x1E0]  }
0x114: {  	v55 =	vld [tilespmem:s2+$0x1F0];
	_ =	sdelay $0x1  }
0x115: {  	v9 =	vmul.f32 v9, v0;
	v10 =	vmul.f32 v10, v1  }
0x116: {  	v11 =	vmul.f32 v50, v2;
	v12 =	vmul.f32 v51, v3  }
0x117: {  	v13 =	vmul.f32 v52, v4;
	v14 =	vmul.f32 v53, v5  }
0x118: {  	v15 =	vmul.f32 v54, v6;
	v16 =	vmul.f32 v55, v7  }
0x119: {  	v9 =	vadd.f32 v10, v9;
	v56 =	vadd.f32 v12, v11  }
0x11a: {  	v57 =	vadd.f32 v14, v13;
	v58 =	vadd.f32 v16, v15;
	_ =	sdelay $0x1  }
0x11b: {  	v9 =	vadd.f32 v56, v9;
	v59 =	vadd.f32 v58, v57;
	_ =	sdelay $0x1  }
0x11c: {  	v9 =	vadd.f32 v59, v9;
	_ =	sdelay $0x1  }
0x11d: {  	(xrf2) =	vadd.scan.msk.f32 $0xffff, v9;
	_ =	sdelay $0x5  }
0x11e: {  	v60 =	vor.u32 $0xB, v8;
	_ =	sdelay $0x3  }
0x11f: {  	v61, _, _ =	vpop (xrf2)  }
0x120: {  	[tilespmem:v60+s22+$0x0] =	vst.idx.msk vm0, v61  }
0x121: {  	v9 =	vld [tilespmem:s2+$0x200]  }
0x122: {  	v10 =	vld [tilespmem:s2+$0x210]  }
0x123: {  	v62 =	vld [tilespmem:s2+$0x220]  }
0x124: {  	v63 =	vld [tilespmem:s2+$0x230]  }
0x125: {  	v20 =	vld [tilespmem:s2+$0x240]  }
0x126: {  	v21 =	vld [tilespmem:s2+$0x250]  }
0x127: {  	v22 =	vld [tilespmem:s2+$0x260]  }
0x128: {  	v23 =	vld [tilespmem:s2+$0x270];
	_ =	sdelay $0x1  }
0x129: {  	v9 =	vmul.f32 v9, v0;
	v10 =	vmul.f32 v10, v1  }
0x12a: {  	v11 =	vmul.f32 v62, v2;
	v12 =	vmul.f32 v63, v3  }
0x12b: {  	v13 =	vmul.f32 v20, v4;
	v14 =	vmul.f32 v21, v5  }
0x12c: {  	v15 =	vmul.f32 v22, v6;
	v16 =	vmul.f32 v23, v7  }
0x12d: {  	v9 =	vadd.f32 v10, v9;
	v24 =	vadd.f32 v12, v11  }
0x12e: {  	v25 =	vadd.f32 v14, v13;
	v26 =	vadd.f32 v16, v15;
	_ =	sdelay $0x1  }
0x12f: {  	v9 =	vadd.f32 v24, v9;
	v27 =	vadd.f32 v26, v25;
	_ =	sdelay $0x1  }
0x130: {  	v9 =	vadd.f32 v27, v9;
	_ =	sdelay $0x1  }
0x131: {  	(xrf2) =	vadd.scan.msk.f32 $0xffff, v9;
	_ =	sdelay $0x5  }
0x132: {  	v28 =	vor.u32 $0xC, v8;
	_ =	sdelay $0x3  }
0x133: {  	v29, _, _ =	vpop (xrf2)  }
0x134: {  	[tilespmem:v28+s22+$0x0] =	vst.idx.msk vm0, v29  }
0x135: {  	v9 =	vld [tilespmem:s2+$0x280]  }
0x136: {  	v10 =	vld [tilespmem:s2+$0x290]  }
0x137: {  	v30 =	vld [tilespmem:s2+$0x2A0]  }
0x138: {  	v31 =	vld [tilespmem:s2+$0x2B0]  }
0x139: {  	v32 =	vld [tilespmem:s2+$0x2C0]  }
0x13a: {  	v33 =	vld [tilespmem:s2+$0x2D0]  }
0x13b: {  	v34 =	vld [tilespmem:s2+$0x2E0]  }
0x13c: {  	v35 =	vld [tilespmem:s2+$0x2F0];
	_ =	sdelay $0x1  }
0x13d: {  	v9 =	vmul.f32 v9, v0;
	v10 =	vmul.f32 v10, v1  }
0x13e: {  	v11 =	vmul.f32 v30, v2;
	v12 =	vmul.f32 v31, v3  }
0x13f: {  	v13 =	vmul.f32 v32, v4;
	v14 =	vmul.f32 v33, v5  }
0x140: {  	v15 =	vmul.f32 v34, v6;
	v16 =	vmul.f32 v35, v7  }
0x141: {  	v9 =	vadd.f32 v10, v9;
	v36 =	vadd.f32 v12, v11  }
0x142: {  	v37 =	vadd.f32 v14, v13;
	v38 =	vadd.f32 v16, v15;
	_ =	sdelay $0x1  }
0x143: {  	v9 =	vadd.f32 v36, v9;
	v39 =	vadd.f32 v38, v37;
	_ =	sdelay $0x1  }
0x144: {  	v9 =	vadd.f32 v39, v9;
	_ =	sdelay $0x1  }
0x145: {  	(xrf2) =	vadd.scan.msk.f32 $0xffff, v9;
	_ =	sdelay $0x5  }
0x146: {  	v40 =	vor.u32 $0xD, v8;
	_ =	sdelay $0x3  }
0x147: {  	v41, _, _ =	vpop (xrf2)  }
0x148: {  	[tilespmem:v40+s22+$0x0] =	vst.idx.msk vm0, v41  }
0x149: {  	v9 =	vld [tilespmem:s2+$0x300]  }
0x14a: {  	v10 =	vld [tilespmem:s2+$0x310]  }
0x14b: {  	v42 =	vld [tilespmem:s2+$0x320]  }
0x14c: {  	v43 =	vld [tilespmem:s2+$0x330]  }
0x14d: {  	v44 =	vld [tilespmem:s2+$0x340]  }
0x14e: {  	v45 =	vld [tilespmem:s2+$0x350]  }
0x14f: {  	v46 =	vld [tilespmem:s2+$0x360]  }
0x150: {  	v47 =	vld [tilespmem:s2+$0x370];
	_ =	sdelay $0x1  }
0x151: {  	v9 =	vmul.f32 v9, v0;
	v10 =	vmul.f32 v10, v1  }
0x152: {  	v11 =	vmul.f32 v42, v2;
	v12 =	vmul.f32 v43, v3  }
0x153: {  	v13 =	vmul.f32 v44, v4;
	v14 =	vmul.f32 v45, v5  }
0x154: {  	v15 =	vmul.f32 v46, v6;
	v16 =	vmul.f32 v47, v7  }
0x155: {  	v9 =	vadd.f32 v10, v9;
	v48 =	vadd.f32 v12, v11  }
0x156: {  	v49 =	vadd.f32 v14, v13;
	v50 =	vadd.f32 v16, v15;
	_ =	sdelay $0x1  }
0x157: {  	v9 =	vadd.f32 v48, v9;
	v51 =	vadd.f32 v50, v49;
	_ =	sdelay $0x1  }
0x158: {  	v9 =	vadd.f32 v51, v9;
	_ =	sdelay $0x1  }
0x159: {  	(xrf2) =	vadd.scan.msk.f32 $0xffff, v9;
	_ =	sdelay $0x5  }
0x15a: {  	v52 =	vor.u32 $0xE, v8;
	_ =	sdelay $0x3  }
0x15b: {  	v53, _, _ =	vpop (xrf2)  }
0x15c: {  	[tilespmem:v52+s22+$0x0] =	vst.idx.msk vm0, v53  }
0x15d: {  	v9 =	vld [tilespmem:s2+$0x380]  }
0x15e: {  	v10 =	vld [tilespmem:s2+$0x390]  }
0x15f: {  	v54 =	vld [tilespmem:s2+$0x3A0]  }
0x160: {  	v55 =	vld [tilespmem:s2+$0x3B0]  }
0x161: {  	v56 =	vld [tilespmem:s2+$0x3C0]  }
0x162: {  	v57 =	vld [tilespmem:s2+$0x3D0]  }
0x163: {  	v58 =	vld [tilespmem:s2+$0x3E0]  }
0x164: {  	v59 =	vld [tilespmem:s2+$0x3F0];
	_ =	sdelay $0x1  }
0x165: {  	v9 =	vmul.f32 v9, v0;
	v10 =	vmul.f32 v10, v1  }
0x166: {  	v11 =	vmul.f32 v54, v2;
	v12 =	vmul.f32 v55, v3  }
0x167: {  	v13 =	vmul.f32 v56, v4;
	v14 =	vmul.f32 v57, v5  }
0x168: {  	v15 =	vmul.f32 v58, v6;
	v16 =	vmul.f32 v59, v7  }
0x169: {  	v9 =	vadd.f32 v10, v9;
	v60 =	vadd.f32 v12, v11  }
0x16a: {  	v61 =	vadd.f32 v14, v13;
	v62 =	vadd.f32 v16, v15;
	_ =	sdelay $0x1  }
0x16b: {  	v9 =	vadd.f32 v60, v9;
	v63 =	vadd.f32 v62, v61;
	_ =	sdelay $0x1  }
0x16c: {  	v9 =	vadd.f32 v63, v9;
	_ =	sdelay $0x1  }
0x16d: {  	(xrf2) =	vadd.scan.msk.f32 $0xffff, v9;
	_ =	sdelay $0x5  }
0x16e: {  	p1 =	sne.s32 s1, $0xD0;
	v8 =	vor.u32 $0xF, v8  }
.Ltmp0:
0x16f: {  	_ = 	snop;
	(pc) =	sbr.rel @p1 .LBB2_3-.Ltmp0, $3  }
0x170: {  	_ =	sdelay $0x1  }
0x171: {  	v9, _, _ =	vpop (xrf2)  }
0x172: {  	s1 =	sadd.s32 $0x10, s1;
	s2 =	sadd.s32 $0x800, s2;
	[tilespmem:v8+s22+$0x0] =	vst.idx.msk vm0, v9  }
0x173: {  	p1 =	seq.s32 s30, $0x3F  }
0x174: {  	s1 =	smul.u32 @!p1 $0x700, s30;
	_ =	sdelay $0x1  }
0x175: {  	s31 =	sshra.s32 @!p1 s1, $0x2  }
0x176: {  	s2 =	simm.s32 @!p1 $0x70;
	s15 =	simm.s32 @!p1 $0xB080;
	s1 =	sadd.s32 @!p1 $0x4240, s31  }
0x177: {  	[tilespmem:s15], [sflag:$0x1] =	stream.indirect.gather @!p1 [hbm4b:s3+s2], $0x80, s1, s2, $0xb8;
	[tilespmem:$0x19280] =	vst v63  }
0x178: {  	s1 =	sadd.s32 @!p1 $0x42B0, s31;
	s15 =	simm.s32 @!p1 $0xE880  }
0x179: {  	[tilespmem:s15], [sflag:$0x1] =	stream.indirect.gather @!p1 [hbm4b:s3+s2], $0x80, s1, s2, $0xb8;
	[tilespmem:$0x19280] =	vst v63  }
0x17a: {  	s2 =	sshll.u32 s30, $0x6;
	s15 =	sshll.u32 s30, $0x5  }
0x17b: {  	s1 =	sand.u32 $0xF00, s2;
	s2 =	sand.u32 $0x60, s15  }
0x17c: {  	s1 =	sor.u32 s8, s1;
	s2 =	sadd.s32 s5, s2  }
0x17d: {  	s2 =	sadd.s32 s1, s2  }
0x17e: {  	[hbm4b:s2+s12] =	stream.strided.scatter [tilespmem:s22], [sflag:$0x3], $0x100, s23, s12, $0x38;
	[tilespmem:$0x19280] =	vst v63  }
0x17f: {  	_ =	swait.ge [sflag:s24], $0x7000  }
0x180: {  	[sflag:s24] =	ssyncset.done $0x0  }
0x181: {  	s2 =	simm.s32 @!p0 $0x4;
	[sflag:s24] =	ssyncadd.s32 $0xFFFF9000  }
0x182: {  	s0 =	sor.u32 $0x1, s0;
	_ =	swait.ge @!p0 [sflag:s2], $0x100  }
0x183: {  	s16 =	sshll.u32 s0, $0x7;
	[sflag:s2] =	ssyncset.done @!p0 $0x0  }
0x184: {  	s16 =	sand.u32 $0x3FFFFF80, s16;
	[sflag:s2] =	ssyncadd.s32 @!p0 $0xFFFFFF00  }
0x185: {  	v0 =	vld [tilespmem:s16+$0x80]  }
0x186: {  	v1 =	vld [tilespmem:s16+$0x90]  }
0x187: {  	v2 =	vld [tilespmem:s16+$0xA0]  }
0x188: {  	v3 =	vld [tilespmem:s16+$0xB0]  }
0x189: {  	v4 =	vld [tilespmem:s16+$0xC0]  }
0x18a: {  	v5 =	vld [tilespmem:s16+$0xD0]  }
0x18b: {  	v6 =	vld [tilespmem:s16+$0xE0]  }
0x18c: {  	s15 =	simm.s32 $0x0;
	s2 =	simm.s32 $0x0;
	v7 =	vld [tilespmem:s16+$0xF0]  }
.LBB2_5:
0x18d: {  	s16 =	sshra.s32 s15, $0x2  }
0x18e: {  	v8 =	vld [tilespmem:s16+$0x12080]  }
0x18f: {  	v9 =	vld [tilespmem:s16+$0x12090]  }
0x190: {  	v10 =	vld [tilespmem:s16+$0x120A0]  }
0x191: {  	v11 =	vld [tilespmem:s16+$0x120B0]  }
0x192: {  	v12 =	vld [tilespmem:s16+$0x120C0]  }
0x193: {  	v13 =	vld [tilespmem:s16+$0x120D0]  }
0x194: {  	v14 =	vld [tilespmem:s16+$0x120E0]  }
0x195: {  	v15 =	vld [tilespmem:s16+$0x120F0];
	_ =	sdelay $0x1  }
0x196: {  	v8 =	vmul.f32 v8, v0;
	v9 =	vmul.f32 v9, v1  }
0x197: {  	v10 =	vmul.f32 v10, v2;
	v11 =	vmul.f32 v11, v3  }
0x198: {  	v12 =	vmul.f32 v12, v4;
	v13 =	vmul.f32 v13, v5  }
0x199: {  	v14 =	vmul.f32 v14, v6;
	v15 =	vmul.f32 v15, v7  }
0x19a: {  	v8 =	vadd.f32 v9, v8;
	v16 =	vadd.f32 v11, v10  }
0x19b: {  	v17 =	vadd.f32 v13, v12;
	v18 =	vadd.f32 v15, v14;
	_ =	sdelay $0x1  }
0x19c: {  	v8 =	vadd.f32 v16, v8;
	v19 =	vadd.f32 v18, v17;
	_ =	sdelay $0x1  }
0x19d: {  	v8 =	vadd.f32 v19, v8;
	_ =	sdelay $0x1  }
0x19e: {  	(xrf2) =	vadd.scan.msk.f32 $0xffff, v8;
	_ =	sdelay $0x5  }
0x19f: {  	v8 =	vmov s2;
	_ =	sdelay $0x3  }
0x1a0: {  	v20, _, _ =	vpop (xrf2)  }
0x1a1: {  	[tilespmem:v8+s25+$0x0] =	vst.idx.msk vm0, v20  }
0x1a2: {  	v9 =	vld [tilespmem:s16+$0x12100]  }
0x1a3: {  	v21 =	vld [tilespmem:s16+$0x12110]  }
0x1a4: {  	v22 =	vld [tilespmem:s16+$0x12120]  }
0x1a5: {  	v23 =	vld [tilespmem:s16+$0x12130]  }
0x1a6: {  	v24 =	vld [tilespmem:s16+$0x12140]  }
0x1a7: {  	v25 =	vld [tilespmem:s16+$0x12150]  }
0x1a8: {  	v26 =	vld [tilespmem:s16+$0x12160]  }
0x1a9: {  	v16 =	vld [tilespmem:s16+$0x12170];
	_ =	sdelay $0x1  }
0x1aa: {  	v9 =	vmul.f32 v9, v0;
	v10 =	vmul.f32 v21, v1  }
0x1ab: {  	v11 =	vmul.f32 v22, v2;
	v12 =	vmul.f32 v23, v3  }
0x1ac: {  	v13 =	vmul.f32 v24, v4;
	v14 =	vmul.f32 v25, v5  }
0x1ad: {  	v15 =	vmul.f32 v26, v6;
	v16 =	vmul.f32 v16, v7  }
0x1ae: {  	v9 =	vadd.f32 v10, v9;
	v27 =	vadd.f32 v12, v11  }
0x1af: {  	v28 =	vadd.f32 v14, v13;
	v29 =	vadd.f32 v16, v15;
	_ =	sdelay $0x1  }
0x1b0: {  	v9 =	vadd.f32 v27, v9;
	v30 =	vadd.f32 v29, v28;
	_ =	sdelay $0x1  }
0x1b1: {  	v9 =	vadd.f32 v30, v9;
	_ =	sdelay $0x1  }
0x1b2: {  	(xrf2) =	vadd.scan.msk.f32 $0xffff, v9;
	_ =	sdelay $0x5  }
0x1b3: {  	v31 =	vor.u32 $0x1, v8;
	_ =	sdelay $0x3  }
0x1b4: {  	v32, _, _ =	vpop (xrf2)  }
0x1b5: {  	[tilespmem:v31+s25+$0x0] =	vst.idx.msk vm0, v32  }
0x1b6: {  	v9 =	vld [tilespmem:s16+$0x12180]  }
0x1b7: {  	v10 =	vld [tilespmem:s16+$0x12190]  }
0x1b8: {  	v33 =	vld [tilespmem:s16+$0x121A0]  }
0x1b9: {  	v34 =	vld [tilespmem:s16+$0x121B0]  }
0x1ba: {  	v35 =	vld [tilespmem:s16+$0x121C0]  }
0x1bb: {  	v36 =	vld [tilespmem:s16+$0x121D0]  }
0x1bc: {  	v37 =	vld [tilespmem:s16+$0x121E0]  }
0x1bd: {  	v38 =	vld [tilespmem:s16+$0x121F0];
	_ =	sdelay $0x1  }
0x1be: {  	v9 =	vmul.f32 v9, v0;
	v10 =	vmul.f32 v10, v1  }
0x1bf: {  	v11 =	vmul.f32 v33, v2;
	v12 =	vmul.f32 v34, v3  }
0x1c0: {  	v13 =	vmul.f32 v35, v4;
	v14 =	vmul.f32 v36, v5  }
0x1c1: {  	v15 =	vmul.f32 v37, v6;
	v16 =	vmul.f32 v38, v7  }
0x1c2: {  	v9 =	vadd.f32 v10, v9;
	v39 =	vadd.f32 v12, v11  }
0x1c3: {  	v40 =	vadd.f32 v14, v13;
	v41 =	vadd.f32 v16, v15;
	_ =	sdelay $0x1  }
0x1c4: {  	v9 =	vadd.f32 v39, v9;
	v42 =	vadd.f32 v41, v40;
	_ =	sdelay $0x1  }
0x1c5: {  	v9 =	vadd.f32 v42, v9;
	_ =	sdelay $0x1  }
0x1c6: {  	(xrf2) =	vadd.scan.msk.f32 $0xffff, v9;
	_ =	sdelay $0x5  }
0x1c7: {  	v43 =	vor.u32 $0x2, v8;
	_ =	sdelay $0x3  }
0x1c8: {  	v44, _, _ =	vpop (xrf2)  }
0x1c9: {  	[tilespmem:v43+s25+$0x0] =	vst.idx.msk vm0, v44  }
0x1ca: {  	v9 =	vld [tilespmem:s16+$0x12200]  }
0x1cb: {  	v10 =	vld [tilespmem:s16+$0x12210]  }
0x1cc: {  	v45 =	vld [tilespmem:s16+$0x12220]  }
0x1cd: {  	v46 =	vld [tilespmem:s16+$0x12230]  }
0x1ce: {  	v47 =	vld [tilespmem:s16+$0x12240]  }
0x1cf: {  	v48 =	vld [tilespmem:s16+$0x12250]  }
0x1d0: {  	v49 =	vld [tilespmem:s16+$0x12260]  }
0x1d1: {  	v50 =	vld [tilespmem:s16+$0x12270];
	_ =	sdelay $0x1  }
0x1d2: {  	v9 =	vmul.f32 v9, v0;
	v10 =	vmul.f32 v10, v1  }
0x1d3: {  	v11 =	vmul.f32 v45, v2;
	v12 =	vmul.f32 v46, v3  }
0x1d4: {  	v13 =	vmul.f32 v47, v4;
	v14 =	vmul.f32 v48, v5  }
0x1d5: {  	v15 =	vmul.f32 v49, v6;
	v16 =	vmul.f32 v50, v7  }
0x1d6: {  	v9 =	vadd.f32 v10, v9;
	v51 =	vadd.f32 v12, v11  }
0x1d7: {  	v52 =	vadd.f32 v14, v13;
	v53 =	vadd.f32 v16, v15;
	_ =	sdelay $0x1  }
0x1d8: {  	v9 =	vadd.f32 v51, v9;
	v54 =	vadd.f32 v53, v52;
	_ =	sdelay $0x1  }
0x1d9: {  	v9 =	vadd.f32 v54, v9;
	_ =	sdelay $0x1  }
0x1da: {  	(xrf2) =	vadd.scan.msk.f32 $0xffff, v9;
	_ =	sdelay $0x5  }
0x1db: {  	v55 =	vor.u32 $0x3, v8;
	_ =	sdelay $0x3  }
0x1dc: {  	v56, _, _ =	vpop (xrf2)  }
0x1dd: {  	[tilespmem:v55+s25+$0x0] =	vst.idx.msk vm0, v56  }
0x1de: {  	v9 =	vld [tilespmem:s16+$0x12280]  }
0x1df: {  	v10 =	vld [tilespmem:s16+$0x12290]  }
0x1e0: {  	v57 =	vld [tilespmem:s16+$0x122A0]  }
0x1e1: {  	v58 =	vld [tilespmem:s16+$0x122B0]  }
0x1e2: {  	v59 =	vld [tilespmem:s16+$0x122C0]  }
0x1e3: {  	v60 =	vld [tilespmem:s16+$0x122D0]  }
0x1e4: {  	v61 =	vld [tilespmem:s16+$0x122E0]  }
0x1e5: {  	v62 =	vld [tilespmem:s16+$0x122F0];
	_ =	sdelay $0x1  }
0x1e6: {  	v9 =	vmul.f32 v9, v0;
	v10 =	vmul.f32 v10, v1  }
0x1e7: {  	v11 =	vmul.f32 v57, v2;
	v12 =	vmul.f32 v58, v3  }
0x1e8: {  	v13 =	vmul.f32 v59, v4;
	v14 =	vmul.f32 v60, v5  }
0x1e9: {  	v15 =	vmul.f32 v61, v6;
	v16 =	vmul.f32 v62, v7  }
0x1ea: {  	v9 =	vadd.f32 v10, v9;
	v63 =	vadd.f32 v12, v11  }
0x1eb: {  	v17 =	vadd.f32 v14, v13;
	v18 =	vadd.f32 v16, v15;
	_ =	sdelay $0x1  }
0x1ec: {  	v9 =	vadd.f32 v63, v9;
	v19 =	vadd.f32 v18, v17;
	_ =	sdelay $0x1  }
0x1ed: {  	v9 =	vadd.f32 v19, v9;
	_ =	sdelay $0x1  }
0x1ee: {  	(xrf2) =	vadd.scan.msk.f32 $0xffff, v9;
	_ =	sdelay $0x5  }
0x1ef: {  	v20 =	vor.u32 $0x4, v8;
	_ =	sdelay $0x3  }
0x1f0: {  	v21, _, _ =	vpop (xrf2)  }
0x1f1: {  	[tilespmem:v20+s25+$0x0] =	vst.idx.msk vm0, v21  }
0x1f2: {  	v9 =	vld [tilespmem:s16+$0x12300]  }
0x1f3: {  	v10 =	vld [tilespmem:s16+$0x12310]  }
0x1f4: {  	v22 =	vld [tilespmem:s16+$0x12320]  }
0x1f5: {  	v23 =	vld [tilespmem:s16+$0x12330]  }
0x1f6: {  	v24 =	vld [tilespmem:s16+$0x12340]  }
0x1f7: {  	v25 =	vld [tilespmem:s16+$0x12350]  }
0x1f8: {  	v26 =	vld [tilespmem:s16+$0x12360]  }
0x1f9: {  	v27 =	vld [tilespmem:s16+$0x12370];
	_ =	sdelay $0x1  }
0x1fa: {  	v9 =	vmul.f32 v9, v0;
	v10 =	vmul.f32 v10, v1  }
0x1fb: {  	v11 =	vmul.f32 v22, v2;
	v12 =	vmul.f32 v23, v3  }
0x1fc: {  	v13 =	vmul.f32 v24, v4;
	v14 =	vmul.f32 v25, v5  }
0x1fd: {  	v15 =	vmul.f32 v26, v6;
	v16 =	vmul.f32 v27, v7  }
0x1fe: {  	v9 =	vadd.f32 v10, v9;
	v28 =	vadd.f32 v12, v11  }
0x1ff: {  	v29 =	vadd.f32 v14, v13;
	v30 =	vadd.f32 v16, v15;
	_ =	sdelay $0x1  }
0x200: {  	v9 =	vadd.f32 v28, v9;
	v31 =	vadd.f32 v30, v29;
	_ =	sdelay $0x1  }
0x201: {  	v9 =	vadd.f32 v31, v9;
	_ =	sdelay $0x1  }
0x202: {  	(xrf2) =	vadd.scan.msk.f32 $0xffff, v9;
	_ =	sdelay $0x5  }
0x203: {  	v32 =	vor.u32 $0x5, v8;
	_ =	sdelay $0x3  }
0x204: {  	v33, _, _ =	vpop (xrf2)  }
0x205: {  	[tilespmem:v32+s25+$0x0] =	vst.idx.msk vm0, v33  }
0x206: {  	v9 =	vld [tilespmem:s16+$0x12380]  }
0x207: {  	v10 =	vld [tilespmem:s16+$0x12390]  }
0x208: {  	v34 =	vld [tilespmem:s16+$0x123A0]  }
0x209: {  	v35 =	vld [tilespmem:s16+$0x123B0]  }
0x20a: {  	v36 =	vld [tilespmem:s16+$0x123C0]  }
0x20b: {  	v37 =	vld [tilespmem:s16+$0x123D0]  }
0x20c: {  	v38 =	vld [tilespmem:s16+$0x123E0]  }
0x20d: {  	v39 =	vld [tilespmem:s16+$0x123F0];
	_ =	sdelay $0x1  }
0x20e: {  	v9 =	vmul.f32 v9, v0;
	v10 =	vmul.f32 v10, v1  }
0x20f: {  	v11 =	vmul.f32 v34, v2;
	v12 =	vmul.f32 v35, v3  }
0x210: {  	v13 =	vmul.f32 v36, v4;
	v14 =	vmul.f32 v37, v5  }
0x211: {  	v15 =	vmul.f32 v38, v6;
	v16 =	vmul.f32 v39, v7  }
0x212: {  	v9 =	vadd.f32 v10, v9;
	v40 =	vadd.f32 v12, v11  }
0x213: {  	v41 =	vadd.f32 v14, v13;
	v42 =	vadd.f32 v16, v15;
	_ =	sdelay $0x1  }
0x214: {  	v9 =	vadd.f32 v40, v9;
	v43 =	vadd.f32 v42, v41;
	_ =	sdelay $0x1  }
0x215: {  	v9 =	vadd.f32 v43, v9;
	_ =	sdelay $0x1  }
0x216: {  	(xrf2) =	vadd.scan.msk.f32 $0xffff, v9;
	_ =	sdelay $0x5  }
0x217: {  	v44 =	vor.u32 $0x6, v8;
	_ =	sdelay $0x3  }
0x218: {  	v45, _, _ =	vpop (xrf2)  }
0x219: {  	[tilespmem:v44+s25+$0x0] =	vst.idx.msk vm0, v45  }
0x21a: {  	v9 =	vld [tilespmem:s16+$0x12400]  }
0x21b: {  	v10 =	vld [tilespmem:s16+$0x12410]  }
0x21c: {  	v46 =	vld [tilespmem:s16+$0x12420]  }
0x21d: {  	v47 =	vld [tilespmem:s16+$0x12430]  }
0x21e: {  	v48 =	vld [tilespmem:s16+$0x12440]  }
0x21f: {  	v49 =	vld [tilespmem:s16+$0x12450]  }
0x220: {  	v50 =	vld [tilespmem:s16+$0x12460]  }
0x221: {  	v51 =	vld [tilespmem:s16+$0x12470];
	_ =	sdelay $0x1  }
0x222: {  	v9 =	vmul.f32 v9, v0;
	v10 =	vmul.f32 v10, v1  }
0x223: {  	v11 =	vmul.f32 v46, v2;
	v12 =	vmul.f32 v47, v3  }
0x224: {  	v13 =	vmul.f32 v48, v4;
	v14 =	vmul.f32 v49, v5  }
0x225: {  	v15 =	vmul.f32 v50, v6;
	v16 =	vmul.f32 v51, v7  }
0x226: {  	v9 =	vadd.f32 v10, v9;
	v52 =	vadd.f32 v12, v11  }
0x227: {  	v53 =	vadd.f32 v14, v13;
	v54 =	vadd.f32 v16, v15;
	_ =	sdelay $0x1  }
0x228: {  	v9 =	vadd.f32 v52, v9;
	v55 =	vadd.f32 v54, v53;
	_ =	sdelay $0x1  }
0x229: {  	v9 =	vadd.f32 v55, v9;
	_ =	sdelay $0x1  }
0x22a: {  	(xrf2) =	vadd.scan.msk.f32 $0xffff, v9;
	_ =	sdelay $0x5  }
0x22b: {  	v56 =	vor.u32 $0x7, v8;
	_ =	sdelay $0x3  }
0x22c: {  	v57, _, _ =	vpop (xrf2)  }
0x22d: {  	[tilespmem:v56+s25+$0x0] =	vst.idx.msk vm0, v57  }
0x22e: {  	v9 =	vld [tilespmem:s16+$0x12480]  }
0x22f: {  	v10 =	vld [tilespmem:s16+$0x12490]  }
0x230: {  	v58 =	vld [tilespmem:s16+$0x124A0]  }
0x231: {  	v59 =	vld [tilespmem:s16+$0x124B0]  }
0x232: {  	v60 =	vld [tilespmem:s16+$0x124C0]  }
0x233: {  	v61 =	vld [tilespmem:s16+$0x124D0]  }
0x234: {  	v62 =	vld [tilespmem:s16+$0x124E0]  }
0x235: {  	v63 =	vld [tilespmem:s16+$0x124F0];
	_ =	sdelay $0x1  }
0x236: {  	v9 =	vmul.f32 v9, v0;
	v10 =	vmul.f32 v10, v1  }
0x237: {  	v11 =	vmul.f32 v58, v2;
	v12 =	vmul.f32 v59, v3  }
0x238: {  	v13 =	vmul.f32 v60, v4;
	v14 =	vmul.f32 v61, v5  }
0x239: {  	v15 =	vmul.f32 v62, v6;
	v16 =	vmul.f32 v63, v7  }
0x23a: {  	v9 =	vadd.f32 v10, v9;
	v20 =	vadd.f32 v12, v11  }
0x23b: {  	v21 =	vadd.f32 v14, v13;
	v22 =	vadd.f32 v16, v15;
	_ =	sdelay $0x1  }
0x23c: {  	v9 =	vadd.f32 v20, v9;
	v23 =	vadd.f32 v22, v21;
	_ =	sdelay $0x1  }
0x23d: {  	v9 =	vadd.f32 v23, v9;
	_ =	sdelay $0x1  }
0x23e: {  	(xrf2) =	vadd.scan.msk.f32 $0xffff, v9;
	_ =	sdelay $0x5  }
0x23f: {  	v24 =	vor.u32 $0x8, v8;
	_ =	sdelay $0x3  }
0x240: {  	v25, _, _ =	vpop (xrf2)  }
0x241: {  	[tilespmem:v24+s25+$0x0] =	vst.idx.msk vm0, v25  }
0x242: {  	v9 =	vld [tilespmem:s16+$0x12500]  }
0x243: {  	v10 =	vld [tilespmem:s16+$0x12510]  }
0x244: {  	v26 =	vld [tilespmem:s16+$0x12520]  }
0x245: {  	v27 =	vld [tilespmem:s16+$0x12530]  }
0x246: {  	v28 =	vld [tilespmem:s16+$0x12540]  }
0x247: {  	v29 =	vld [tilespmem:s16+$0x12550]  }
0x248: {  	v30 =	vld [tilespmem:s16+$0x12560]  }
0x249: {  	v31 =	vld [tilespmem:s16+$0x12570];
	_ =	sdelay $0x1  }
0x24a: {  	v9 =	vmul.f32 v9, v0;
	v10 =	vmul.f32 v10, v1  }
0x24b: {  	v11 =	vmul.f32 v26, v2;
	v12 =	vmul.f32 v27, v3  }
0x24c: {  	v13 =	vmul.f32 v28, v4;
	v14 =	vmul.f32 v29, v5  }
0x24d: {  	v15 =	vmul.f32 v30, v6;
	v16 =	vmul.f32 v31, v7  }
0x24e: {  	v9 =	vadd.f32 v10, v9;
	v32 =	vadd.f32 v12, v11  }
0x24f: {  	v33 =	vadd.f32 v14, v13;
	v34 =	vadd.f32 v16, v15;
	_ =	sdelay $0x1  }
0x250: {  	v9 =	vadd.f32 v32, v9;
	v35 =	vadd.f32 v34, v33;
	_ =	sdelay $0x1  }
0x251: {  	v9 =	vadd.f32 v35, v9;
	_ =	sdelay $0x1  }
0x252: {  	(xrf2) =	vadd.scan.msk.f32 $0xffff, v9;
	_ =	sdelay $0x5  }
0x253: {  	v36 =	vor.u32 $0x9, v8;
	_ =	sdelay $0x3  }
0x254: {  	v37, _, _ =	vpop (xrf2)  }
0x255: {  	[tilespmem:v36+s25+$0x0] =	vst.idx.msk vm0, v37  }
0x256: {  	v9 =	vld [tilespmem:s16+$0x12580]  }
0x257: {  	v10 =	vld [tilespmem:s16+$0x12590]  }
0x258: {  	v38 =	vld [tilespmem:s16+$0x125A0]  }
0x259: {  	v39 =	vld [tilespmem:s16+$0x125B0]  }
0x25a: {  	v40 =	vld [tilespmem:s16+$0x125C0]  }
0x25b: {  	v41 =	vld [tilespmem:s16+$0x125D0]  }
0x25c: {  	v42 =	vld [tilespmem:s16+$0x125E0]  }
0x25d: {  	v43 =	vld [tilespmem:s16+$0x125F0];
	_ =	sdelay $0x1  }
0x25e: {  	v9 =	vmul.f32 v9, v0;
	v10 =	vmul.f32 v10, v1  }
0x25f: {  	v11 =	vmul.f32 v38, v2;
	v12 =	vmul.f32 v39, v3  }
0x260: {  	v13 =	vmul.f32 v40, v4;
	v14 =	vmul.f32 v41, v5  }
0x261: {  	v15 =	vmul.f32 v42, v6;
	v16 =	vmul.f32 v43, v7  }
0x262: {  	v9 =	vadd.f32 v10, v9;
	v44 =	vadd.f32 v12, v11  }
0x263: {  	v45 =	vadd.f32 v14, v13;
	v46 =	vadd.f32 v16, v15;
	_ =	sdelay $0x1  }
0x264: {  	v9 =	vadd.f32 v44, v9;
	v47 =	vadd.f32 v46, v45;
	_ =	sdelay $0x1  }
0x265: {  	v9 =	vadd.f32 v47, v9;
	_ =	sdelay $0x1  }
0x266: {  	(xrf2) =	vadd.scan.msk.f32 $0xffff, v9;
	_ =	sdelay $0x5  }
0x267: {  	v48 =	vor.u32 $0xA, v8;
	_ =	sdelay $0x3  }
0x268: {  	v49, _, _ =	vpop (xrf2)  }
0x269: {  	[tilespmem:v48+s25+$0x0] =	vst.idx.msk vm0, v49  }
0x26a: {  	v9 =	vld [tilespmem:s16+$0x12600]  }
0x26b: {  	v10 =	vld [tilespmem:s16+$0x12610]  }
0x26c: {  	v50 =	vld [tilespmem:s16+$0x12620]  }
0x26d: {  	v51 =	vld [tilespmem:s16+$0x12630]  }
0x26e: {  	v52 =	vld [tilespmem:s16+$0x12640]  }
0x26f: {  	v53 =	vld [tilespmem:s16+$0x12650]  }
0x270: {  	v54 =	vld [tilespmem:s16+$0x12660]  }
0x271: {  	v55 =	vld [tilespmem:s16+$0x12670];
	_ =	sdelay $0x1  }
0x272: {  	v9 =	vmul.f32 v9, v0;
	v10 =	vmul.f32 v10, v1  }
0x273: {  	v11 =	vmul.f32 v50, v2;
	v12 =	vmul.f32 v51, v3  }
0x274: {  	v13 =	vmul.f32 v52, v4;
	v14 =	vmul.f32 v53, v5  }
0x275: {  	v15 =	vmul.f32 v54, v6;
	v16 =	vmul.f32 v55, v7  }
0x276: {  	v9 =	vadd.f32 v10, v9;
	v56 =	vadd.f32 v12, v11  }
0x277: {  	v57 =	vadd.f32 v14, v13;
	v58 =	vadd.f32 v16, v15;
	_ =	sdelay $0x1  }
0x278: {  	v9 =	vadd.f32 v56, v9;
	v59 =	vadd.f32 v58, v57;
	_ =	sdelay $0x1  }
0x279: {  	v9 =	vadd.f32 v59, v9;
	_ =	sdelay $0x1  }
0x27a: {  	(xrf2) =	vadd.scan.msk.f32 $0xffff, v9;
	_ =	sdelay $0x5  }
0x27b: {  	v60 =	vor.u32 $0xB, v8;
	_ =	sdelay $0x3  }
0x27c: {  	v61, _, _ =	vpop (xrf2)  }
0x27d: {  	[tilespmem:v60+s25+$0x0] =	vst.idx.msk vm0, v61  }
0x27e: {  	v9 =	vld [tilespmem:s16+$0x12680]  }
0x27f: {  	v10 =	vld [tilespmem:s16+$0x12690]  }
0x280: {  	v62 =	vld [tilespmem:s16+$0x126A0]  }
0x281: {  	v63 =	vld [tilespmem:s16+$0x126B0]  }
0x282: {  	v20 =	vld [tilespmem:s16+$0x126C0]  }
0x283: {  	v21 =	vld [tilespmem:s16+$0x126D0]  }
0x284: {  	v22 =	vld [tilespmem:s16+$0x126E0]  }
0x285: {  	v23 =	vld [tilespmem:s16+$0x126F0];
	_ =	sdelay $0x1  }
0x286: {  	v9 =	vmul.f32 v9, v0;
	v10 =	vmul.f32 v10, v1  }
0x287: {  	v11 =	vmul.f32 v62, v2;
	v12 =	vmul.f32 v63, v3  }
0x288: {  	v13 =	vmul.f32 v20, v4;
	v14 =	vmul.f32 v21, v5  }
0x289: {  	v15 =	vmul.f32 v22, v6;
	v16 =	vmul.f32 v23, v7  }
0x28a: {  	v9 =	vadd.f32 v10, v9;
	v24 =	vadd.f32 v12, v11  }
0x28b: {  	v25 =	vadd.f32 v14, v13;
	v26 =	vadd.f32 v16, v15;
	_ =	sdelay $0x1  }
0x28c: {  	v9 =	vadd.f32 v24, v9;
	v27 =	vadd.f32 v26, v25;
	_ =	sdelay $0x1  }
0x28d: {  	v9 =	vadd.f32 v27, v9;
	_ =	sdelay $0x1  }
0x28e: {  	(xrf2) =	vadd.scan.msk.f32 $0xffff, v9;
	_ =	sdelay $0x5  }
0x28f: {  	v28 =	vor.u32 $0xC, v8;
	_ =	sdelay $0x3  }
0x290: {  	v29, _, _ =	vpop (xrf2)  }
0x291: {  	[tilespmem:v28+s25+$0x0] =	vst.idx.msk vm0, v29  }
0x292: {  	v9 =	vld [tilespmem:s16+$0x12700]  }
0x293: {  	v10 =	vld [tilespmem:s16+$0x12710]  }
0x294: {  	v30 =	vld [tilespmem:s16+$0x12720]  }
0x295: {  	v31 =	vld [tilespmem:s16+$0x12730]  }
0x296: {  	v32 =	vld [tilespmem:s16+$0x12740]  }
0x297: {  	v33 =	vld [tilespmem:s16+$0x12750]  }
0x298: {  	v34 =	vld [tilespmem:s16+$0x12760]  }
0x299: {  	v35 =	vld [tilespmem:s16+$0x12770];
	_ =	sdelay $0x1  }
0x29a: {  	v9 =	vmul.f32 v9, v0;
	v10 =	vmul.f32 v10, v1  }
0x29b: {  	v11 =	vmul.f32 v30, v2;
	v12 =	vmul.f32 v31, v3  }
0x29c: {  	v13 =	vmul.f32 v32, v4;
	v14 =	vmul.f32 v33, v5  }
0x29d: {  	v15 =	vmul.f32 v34, v6;
	v16 =	vmul.f32 v35, v7  }
0x29e: {  	v9 =	vadd.f32 v10, v9;
	v36 =	vadd.f32 v12, v11  }
0x29f: {  	v37 =	vadd.f32 v14, v13;
	v38 =	vadd.f32 v16, v15;
	_ =	sdelay $0x1  }
0x2a0: {  	v9 =	vadd.f32 v36, v9;
	v39 =	vadd.f32 v38, v37;
	_ =	sdelay $0x1  }
0x2a1: {  	v9 =	vadd.f32 v39, v9;
	_ =	sdelay $0x1  }
0x2a2: {  	(xrf2) =	vadd.scan.msk.f32 $0xffff, v9;
	_ =	sdelay $0x5  }
0x2a3: {  	v40 =	vor.u32 $0xD, v8;
	_ =	sdelay $0x3  }
0x2a4: {  	v41, _, _ =	vpop (xrf2)  }
0x2a5: {  	[tilespmem:v40+s25+$0x0] =	vst.idx.msk vm0, v41  }
0x2a6: {  	v9 =	vld [tilespmem:s16+$0x12780]  }
0x2a7: {  	v10 =	vld [tilespmem:s16+$0x12790]  }
0x2a8: {  	v42 =	vld [tilespmem:s16+$0x127A0]  }
0x2a9: {  	v43 =	vld [tilespmem:s16+$0x127B0]  }
0x2aa: {  	v44 =	vld [tilespmem:s16+$0x127C0]  }
0x2ab: {  	v45 =	vld [tilespmem:s16+$0x127D0]  }
0x2ac: {  	v46 =	vld [tilespmem:s16+$0x127E0]  }
0x2ad: {  	v47 =	vld [tilespmem:s16+$0x127F0];
	_ =	sdelay $0x1  }
0x2ae: {  	v9 =	vmul.f32 v9, v0;
	v10 =	vmul.f32 v10, v1  }
0x2af: {  	v11 =	vmul.f32 v42, v2;
	v12 =	vmul.f32 v43, v3  }
0x2b0: {  	v13 =	vmul.f32 v44, v4;
	v14 =	vmul.f32 v45, v5  }
0x2b1: {  	v15 =	vmul.f32 v46, v6;
	v16 =	vmul.f32 v47, v7  }
0x2b2: {  	v9 =	vadd.f32 v10, v9;
	v48 =	vadd.f32 v12, v11  }
0x2b3: {  	v49 =	vadd.f32 v14, v13;
	v50 =	vadd.f32 v16, v15;
	_ =	sdelay $0x1  }
0x2b4: {  	v9 =	vadd.f32 v48, v9;
	v51 =	vadd.f32 v50, v49;
	_ =	sdelay $0x1  }
0x2b5: {  	v9 =	vadd.f32 v51, v9;
	_ =	sdelay $0x1  }
0x2b6: {  	(xrf2) =	vadd.scan.msk.f32 $0xffff, v9;
	_ =	sdelay $0x5  }
0x2b7: {  	v52 =	vor.u32 $0xE, v8;
	_ =	sdelay $0x3  }
0x2b8: {  	v53, _, _ =	vpop (xrf2)  }
0x2b9: {  	[tilespmem:v52+s25+$0x0] =	vst.idx.msk vm0, v53  }
0x2ba: {  	v9 =	vld [tilespmem:s16+$0x12800]  }
0x2bb: {  	v10 =	vld [tilespmem:s16+$0x12810]  }
0x2bc: {  	v54 =	vld [tilespmem:s16+$0x12820]  }
0x2bd: {  	v55 =	vld [tilespmem:s16+$0x12830]  }
0x2be: {  	v56 =	vld [tilespmem:s16+$0x12840]  }
0x2bf: {  	v57 =	vld [tilespmem:s16+$0x12850]  }
0x2c0: {  	v58 =	vld [tilespmem:s16+$0x12860]  }
0x2c1: {  	v59 =	vld [tilespmem:s16+$0x12870];
	_ =	sdelay $0x1  }
0x2c2: {  	v9 =	vmul.f32 v9, v0;
	v10 =	vmul.f32 v10, v1  }
0x2c3: {  	v11 =	vmul.f32 v54, v2;
	v12 =	vmul.f32 v55, v3  }
0x2c4: {  	v13 =	vmul.f32 v56, v4;
	v14 =	vmul.f32 v57, v5  }
0x2c5: {  	v15 =	vmul.f32 v58, v6;
	v16 =	vmul.f32 v59, v7  }
0x2c6: {  	v9 =	vadd.f32 v10, v9;
	v60 =	vadd.f32 v12, v11  }
0x2c7: {  	v61 =	vadd.f32 v14, v13;
	v62 =	vadd.f32 v16, v15;
	_ =	sdelay $0x1  }
0x2c8: {  	v9 =	vadd.f32 v60, v9;
	v63 =	vadd.f32 v62, v61;
	_ =	sdelay $0x1  }
0x2c9: {  	v9 =	vadd.f32 v63, v9;
	_ =	sdelay $0x1  }
0x2ca: {  	(xrf2) =	vadd.scan.msk.f32 $0xffff, v9;
	_ =	sdelay $0x5  }
0x2cb: {  	p0 =	sne.s32 s15, $0x1A000;
	v8 =	vor.u32 $0xF, v8  }
.Ltmp1:
0x2cc: {  	_ = 	snop;
	(pc) =	sbr.rel @p0 .LBB2_5-.Ltmp1, $3  }
0x2cd: {  	_ =	sdelay $0x1  }
0x2ce: {  	v9, _, _ =	vpop (xrf2)  }
0x2cf: {  	s15 =	sadd.s32 $0x2000, s15;
	s2 =	sadd.s32 $0x10, s2;
	[tilespmem:v8+s25+$0x0] =	vst.idx.msk vm0, v9  }
0x2d0: {  	s2 =	sadd.s32 @!p1 $0x4320, s31  }
0x2d1: {  	s15 =	simm.s32 @!p1 $0x70;
	s16 =	simm.s32 @!p1 $0x12080;
	s30 =	sadd.s32 $0x1, s30  }
0x2d2: {  	[tilespmem:s16], [sflag:$0x2] =	stream.indirect.gather @!p1 [hbm4b:s3+s15], $0x80, s2, s15, $0xb8;
	[tilespmem:$0x19280] =	vst v63  }
0x2d3: {  	p0 =	sne.s32 s30, $0x40  }
.Ltmp2:
0x2d4: {  	s0 =	sshll.u32 s0, $0x4;
	s1 =	sadd.s32 s5, s1;
	(pc) =	sbr.rel @p0 .LBB2_2-.Ltmp2, $4  }
0x2d5: {  	s2 =	sadd.s32 @!p1 $0x4390, s31;
	s16 =	simm.s32 @!p1 $0x15880;
	s0 =	sand.u32 $0x70, s0  }
0x2d6: {  	[tilespmem:s16], [sflag:$0x2] =	stream.indirect.gather @!p1 [hbm4b:s3+s15], $0x80, s2, s15, $0xb8;
	[tilespmem:$0x19280] =	vst v63  }
0x2d7: {  	s0 =	sadd.s32 s0, s1  }
0x2d8: {  	[hbm4b:s0+s12] =	stream.strided.scatter [tilespmem:s25], [sflag:$0x4], $0x100, s23, s12, $0x38;
	[tilespmem:$0x19280] =	vst v63  }
0x2d9: {  	s29 =	sadd.s32 $0x1, s29  }
0x2da: {  	_ =	swait.ge [sflag:s26], $0x100;
	p0 =	sne.s32 s29, s9  }
.Ltmp3:
0x2db: {  	[sflag:s26] =	ssyncset.done $0x0;
	(pc) =	sbr.rel @p0 .LBB2_1-.Ltmp3, $4  }
0x2dc: {  	[sflag:s26] =	ssyncadd.s32 $0xFFFFFF00  }
0x2dd: {  	_ =	swait.ge [sflag:s28], $0x100  }
0x2de: {  	[sflag:s28] =	ssyncset.done $0x0  }
0x2df: {  	[sflag:s28] =	ssyncadd.s32 $0xFFFFFF00  }
0x2e0: {  	_ =	sfence.sel $0x180000  }
0x2e1: {  	[bflag:$0x0] =	sbarrier.arrive $0xFFFF  }
0x2e2: {  	_ =	strace $0x90000047  }
0x2e3: {  	s0 =	stileid.u32;
	[bflag:$0x2] =	sbarrier.arrive $0xFFFF  }
0x2e4: {  	p0 =	sne.s32 s0, $0x0;
	s0 =	rddreg [dreg:$0x4]  }
0x2e5: {  	s0 =	sadd.s32 @!p0 $0x100000, s0  }
0x2e6: {  	[sflag:s0] =	ssyncadd.tile.s32 @!p0 $0x1;
	_ =	shalt  }
.Lfunc_end2:
_tile_overlayer_lowered:
.L_overlay_start_2:
0x2e7: {  	(tag) =	ssettag $0x2  }
0x2e8: {  	s0 =	rddreg [dreg:$0x0];
	s2 =	stileid.u32  }
0x2e9: {  	s1 =	rddreg [dreg:$0x1];
	p0 =	sne.s32 s2, $0x0  }
0x2ea: {  	s3 =	rddreg [dreg:$0x2];
	[bflag:$0x3] =	sbarrier.arrive $0xFFFF;
	s2 =	simm.s32 @!p0 $0x1C05  }
0x2eb: {  	[timem:s3], [sflag:s2] =	dma.local @!p0 [hbm:s0], s1  }
0x2ec: {  	s0 =	simm.s32 @!p0 $0x5  }
0x2ed: {  	_ =	swait.ge @!p0 [sflag:s0], s1  }
0x2ee: {  	s1 =	ssub.s32 @!p0 $0x0, s1;
	[sflag:s0] =	ssyncset.done @!p0 $0x0  }
0x2ef: {  	[sflag:s0] =	ssyncadd.s32 @!p0 s1  }
0x2f0: {  	[bflag:$0x3] =	sbarrier.arrive $0xFFFF  }
0x2f1: {  	_ =	shalt  }

</sc_bundles>
